<compile_context>
chip_gen: v7x
topology: tpu7x:2x2x1
jax: 0.10.2.dev20260603
libtpu: 0.0.44.dev20260713+nightly
codegen_flags: <defaults>
</compile_context>

<pallas_src>
import functools

import jax
import jax.numpy as jnp
from jax import lax
from jax.experimental import pallas as pl
from jax.experimental.pallas import tpu as pltpu
from jax.experimental.pallas import tpu_sc as plsc

_NPTS = 9
_HALF = 4
_LANES = 128
_BR = 40

_SC_NC = 2
_SC_NS = 16
_SC_NW = _SC_NC * _SC_NS


def _dense_body(hw, rows_per_batch, X, Y, Z,
                scal_ref, depth_ref,
                coords_ref, dirs_ref, pts_ref, idx_ref, gidx_ref, maskf_ref):
    pid = pl.program_id(0)
    b_s = (pid * _BR) // rows_per_batch
    w = hw[1]
    row = lax.broadcasted_iota(jnp.int32, (_BR, _LANES), 0) + pid * _BR
    lane = lax.broadcasted_iota(jnp.int32, (_BR, _LANES), 1)
    p = (row % rows_per_batch) * _LANES + lane
    i_ = p // w
    j_ = p - i_ * w

    bf = lambda x: x.astype(jnp.bfloat16).astype(jnp.float32)

    zf = depth_ref[...]
    jf = j_.astype(jnp.float32)
    if_ = i_.astype(jnp.float32)
    ppx = bf(jf * zf)
    ppy = bf(if_ * zf)
    ppz = bf(zf)

    s = lambda k: scal_ref[b_s, k]
    m = [s(k) for k in range(9)]
    e = [s(9 + k) for k in range(12)]
    ox, oy, oz = s(21), s(22), s(23)
    res = s(24)

    pcx = m[0] * ppx + m[1] * ppy + m[2] * ppz
    pcy = m[3] * ppx + m[4] * ppy + m[5] * ppz
    pcz = m[6] * ppx + m[7] * ppy + m[8] * ppz

    pcxb, pcyb, pczb = bf(pcx), bf(pcy), bf(pcz)
    pwx = e[0] * pcxb + e[1] * pcyb + e[2] * pczb + e[3]
    pwy = e[4] * pcxb + e[5] * pcyb + e[6] * pczb + e[7]
    pwz = e[8] * pcxb + e[9] * pcyb + e[10] * pczb + e[11]

    coords_ref[0] = pwx
    coords_ref[1] = pwy
    coords_ref[2] = pwz

    cenx = (pwx - ox) / res
    ceny = (pwy - oy) / res
    cenz = (pwz - oz) / res
    eyex = (e[3] - ox) / res
    eyey = (e[7] - oy) / res
    eyez = (e[11] - oz) / res

    dx = cenx - eyex
    dy = ceny - eyey
    dz = cenz - eyez
    nrm = jnp.sqrt(dx * dx + dy * dy + dz * dz)
    den = jnp.maximum(nrm, jnp.float32(1e-12))
    dirx = dx / den
    diry = dy / den
    dirz = dz / den
    dirs_ref[0] = dirx
    dirs_ref[1] = diry
    dirs_ref[2] = dirz

    cen = (cenx, ceny, cenz)
    dirv = (dirx, diry, dirz)
    for k in range(_NPTS):
        off = jnp.float32(k - _HALF)
        ixs = []
        for c in range(3):
            pt = cen[c] + off * dirv[c]
            pts_ref[3 * k + c] = pt
            ix = jnp.floor(pt).astype(jnp.int32)
            idx_ref[3 * k + c] = ix
            ixs.append(ix)
        valid = ((ixs[0] >= 0) & (ixs[0] < X) &
                 (ixs[1] >= 0) & (ixs[1] < Y) &
                 (ixs[2] >= 0) & (ixs[2] < Z))
        xi = jnp.clip(ixs[0], 0, X - 1)
        yi = jnp.clip(ixs[1], 0, Y - 1)
        zi = jnp.clip(ixs[2], 0, Z - 1)
        gidx_ref[k] = (xi * (Y * Z) + yi * Z) + zi
        maskf_ref[k] = jnp.where(valid, jnp.float32(1.0), jnp.float32(0.0))


def _dense_call(scal, depth2, b, hw, X, Y, Z):
    nrows = depth2.shape[0]
    rows_per_batch = nrows // b
    grid = (nrows // _BR,)
    f32, i32 = jnp.float32, jnp.int32
    out_shape = (
        jax.ShapeDtypeStruct((3, nrows, _LANES), f32),
        jax.ShapeDtypeStruct((3, nrows, _LANES), f32),
        jax.ShapeDtypeStruct((3 * _NPTS, nrows, _LANES), f32),
        jax.ShapeDtypeStruct((3 * _NPTS, nrows, _LANES), i32),
        jax.ShapeDtypeStruct((_NPTS, nrows, _LANES), i32),
        jax.ShapeDtypeStruct((_NPTS, nrows, _LANES), f32),
    )
    plane = lambda c: pl.BlockSpec((c, _BR, _LANES), lambda g: (0, g, 0))
    return pl.pallas_call(
        functools.partial(_dense_body, hw, rows_per_batch, X, Y, Z),
        grid=grid,
        in_specs=[
            pl.BlockSpec(memory_space=pltpu.SMEM),
            pl.BlockSpec((_BR, _LANES), lambda g: (g, 0)),
        ],
        out_specs=tuple(plane(c) for c in (3, 3, 3 * _NPTS, 3 * _NPTS, _NPTS, _NPTS)),
        out_shape=out_shape,
    )(scal, depth2)


_GW = 96
_GR = 45
_GG = 15


def _sc_gather(vol_flat, gidx_flat, maskf_flat, total):
    chunk = _GR * _GW
    per_w = total // _SC_NW
    nchunks = per_w // chunk
    mesh = plsc.VectorSubcoreMesh(core_axis_name="c", subcore_axis_name="s",
                                  num_cores=_SC_NC, num_subcores=_SC_NS)

    assert nchunks % 2 == 0

    @functools.partial(
        pl.kernel,
        out_type=jax.ShapeDtypeStruct((total,), jnp.float32),
        mesh=mesh,
        scratch_types=[
            pltpu.VMEM((chunk,), jnp.int32),
            pltpu.VMEM((chunk,), jnp.int32),
            pltpu.VMEM((chunk,), jnp.float32),
            pltpu.VMEM((chunk,), jnp.float32),
            pltpu.VMEM((chunk,), jnp.float32),
            pltpu.VMEM((chunk,), jnp.float32),
            pltpu.SemaphoreType.DMA,
            pltpu.SemaphoreType.DMA,
        ],
    )
    def body(vol_hbm, gidx_hbm, maskf_hbm, out_hbm,
             idx0, idx1, vals0, vals1, mask0, mask1, sem0, sem1):
        wid = lax.axis_index("s") * _SC_NC + lax.axis_index("c")
        base = pl.multiple_of(wid * per_w, 8)

        def fire(ci, idx_v, vals_v, mask_v, sem):
            off = pl.multiple_of(base + ci * chunk, 8)
            pltpu.sync_copy(gidx_hbm.at[pl.ds(off, chunk)], idx_v)

            def group(g, c2):
                for jj in range(_GG):
                    o = pl.multiple_of((g * _GG + jj) * _GW, 8)
                    pltpu.async_copy(
                        vol_hbm.at[idx_v.at[pl.ds(o, _GW)]],
                        vals_v.at[pl.ds(o, _GW)], sem)
                return c2

            lax.fori_loop(0, _GR // _GG, group, 0)
            pltpu.sync_copy(maskf_hbm.at[pl.ds(off, chunk)], mask_v)

        def drain_and_store(ci, idx_v, vals_v, mask_v, sem):
            def group(g, c2):
                for jj in range(_GG):
                    o = pl.multiple_of((g * _GG + jj) * _GW, 8)
                    pltpu.make_async_copy(
                        vol_hbm.at[idx_v.at[pl.ds(o, _GW)]],
                        vals_v.at[pl.ds(o, _GW)], sem).wait()
                return c2

            lax.fori_loop(0, _GR // _GG, group, 0)

            def mul(i, c2):
                sl = pl.ds(i * 16, 16)
                vals_v[sl] = vals_v[sl] * mask_v[sl]
                return c2

            lax.fori_loop(0, chunk // 16, mul, 0)
            off = pl.multiple_of(base + ci * chunk, 8)
            pltpu.sync_copy(vals_v, out_hbm.at[pl.ds(off, chunk)])

        fire(0, idx0, vals0, mask0, sem0)

        def step(i, carry):
            ci = i * 2
            fire(ci + 1, idx1, vals1, mask1, sem1)
            drain_and_store(ci, idx0, vals0, mask0, sem0)

            @pl.when(ci + 2 < nchunks)
            def _():
                fire(ci + 2, idx0, vals0, mask0, sem0)

            drain_and_store(ci + 1, idx1, vals1, mask1, sem1)
            return carry

        lax.fori_loop(0, nchunks // 2, step, 0)

    return body(vol_flat, gidx_flat, maskf_flat)


def kernel(depth, extrinsics, intrinsics, feature_volume, origin, resolution):
    b, h, w = depth.shape
    n = h * w
    X, Y, Z = feature_volume.shape
    assert n % _LANES == 0
    nrows = (b * n) // _LANES
    assert (nrows // b) % _BR == 0

    def bfr(x):
        u = lax.bitcast_convert_type(x, jnp.uint32)
        r = (u + jnp.uint32(0x7FFF) + ((u >> 16) & jnp.uint32(1))) & jnp.uint32(0xFFFF0000)
        return lax.bitcast_convert_type(r, jnp.float32)

    minv = bfr(jnp.linalg.inv(intrinsics)).reshape(b, 9)
    e3 = bfr(extrinsics[:, :3, :]).reshape(b, 12)
    org = jnp.broadcast_to(origin[None, :], (b, 3))
    res = jnp.broadcast_to(
        jnp.asarray(resolution, jnp.float32)[None], (b,))[:, None]
    scal = jnp.concatenate(
        [minv, e3, org, res, jnp.zeros((b, 7), jnp.float32)], axis=1)

    depth2 = depth.reshape(nrows, _LANES)
    coords_soa, dirs_soa, pts_soa, idx_soa, gidx, maskf = _dense_call(
        scal, depth2, b, (h, w), X, Y, Z)

    total = b * n * _NPTS
    assert total % (_SC_NW * _GR * _GW) == 0
    vals = _sc_gather(feature_volume.reshape(-1), gidx.reshape(-1),
                      maskf.reshape(-1), total)

    extracted = vals.reshape(_NPTS, b, n).transpose(1, 2, 0)
    ray_pts = pts_soa.reshape(3 * _NPTS, b, n).transpose(1, 2, 0).reshape(
        b, n, _NPTS, 3)
    ray_dirs = dirs_soa.reshape(3, b, n).transpose(1, 2, 0)
    indices = idx_soa.reshape(3 * _NPTS, b, n).transpose(1, 2, 0).reshape(
        b, n, _NPTS, 3)
    coords = coords_soa.reshape(3, b, n).transpose(1, 2, 0)
    return (extracted, ray_pts, ray_dirs, depth.reshape(b, n), indices, coords)

# --- scband reference (transcript-rebuilt; emitter-appended) ---
"""Pipeline reference for scband-extractor-52226802319863 (READ-ONLY COPY).

The authoritative reference and input builder live on the scoring server;
editing this copy changes nothing except your own understanding.
"""

import jax, jax.numpy as jnp
import numpy as np

N_POINTS = 9

def setup_inputs(seed: int = 0) -> dict:
    key = jax.random.key(seed)
    k1, k2 = jax.random.split(key)
    b, h, w = 2, 240, 320
    # depth in 'voxel units' (resolution=1) so rays traverse the 256^3 volume
    depth = jax.random.uniform(k1, (b, h, w), jnp.float32, 50.0, 200.0)
    intr = jnp.array([[300.0, 0.0, 160.0], [0.0, 300.0, 120.0], [0.0, 0.0, 1.0]], jnp.float32)
    intrinsics = jnp.tile(intr[None], (b, 1, 1))
    extr = jnp.eye(4, dtype=jnp.float32).at[:3, 3].set(jnp.array([128.0, 128.0, 0.0], jnp.float32))
    extrinsics = jnp.tile(extr[None], (b, 1, 1))
    feature_volume = jax.random.normal(k2, (256, 256, 256), jnp.float32)
    origin = jnp.zeros((3,), jnp.float32)
    return {"depth": depth, "extrinsics": extrinsics, "intrinsics": intrinsics,
            "feature_volume": feature_volume, "origin": origin, "resolution": 1}


def _compute_coordinates(depth, extrinsics, intrinsics, origin, resolution):
    b, h, w = depth.shape
    n = h * w
    xx, yy = jnp.meshgrid(jnp.arange(h, dtype=jnp.float32), jnp.arange(w, dtype=jnp.float32), indexing='ij')
    xx = jnp.broadcast_to(xx.reshape(1, n, 1), (b, n, 1))
    yy = jnp.broadcast_to(yy.reshape(1, n, 1), (b, n, 1))
    zz = depth.reshape(b, n, 1)
    points_p = jnp.concatenate([yy * zz, xx * zz, zz], axis=2)
    intr_inv = jnp.linalg.inv(intrinsics)
    points_c = jnp.matmul(intr_inv, jnp.transpose(points_p, (0, 2, 1)))
    homog = jnp.ones((b, 1, n), jnp.float32)
    points_c = jnp.concatenate([points_c, homog], axis=1)
    points_w = jnp.matmul(extrinsics[:, :3], points_c)
    return jnp.transpose(points_w, (0, 2, 1))


def _extract_values(coords, eye, origin, resolution, n_points):
    center_v = (coords - origin[None, None, :]) / resolution
    eye_v = (eye - origin[None, :]) / resolution
    direction = center_v - eye_v[:, None, :]
    nrm = jnp.linalg.norm(direction, axis=2, keepdims=True)
    direction = direction / jnp.maximum(nrm, 1e-12)
    offs = jnp.arange(-n_points, n_points + 1, dtype=jnp.float32)
    points = center_v[:, :, None, :] + offs[None, None, :, None] * direction[:, :, None, :]
    dists = jnp.broadcast_to(offs[None, None, :], points.shape[:3])
    return points, dists, direction


def reference(depth, extrinsics, intrinsics, feature_volume, origin, resolution):
    b, h, w = depth.shape
    n = h * w
    coords = _compute_coordinates(depth, extrinsics, intrinsics, origin, resolution)
    eye_w = extrinsics[:, :3, 3]
    half = int((N_POINTS - 1) / 2)
    ray_pts, ray_dists, ray_dirs = _extract_values(coords, eye_w, origin, resolution, half)
    P = 2 * half + 1
    # nearest-neighbor sampling, mode='center': indices = floor(points)
    idx_flat = jnp.floor(ray_pts).astype(jnp.int32).reshape(b * n * P, 3)
    X, Y, Z = feature_volume.shape
    valid = ((idx_flat[:, 0] >= 0) & (idx_flat[:, 0] < X) &
             (idx_flat[:, 1] >= 0) & (idx_flat[:, 1] < Y) &
             (idx_flat[:, 2] >= 0) & (idx_flat[:, 2] < Z))
    xi = jnp.clip(idx_flat[:, 0], 0, X - 1)
    yi = jnp.clip(idx_flat[:, 1], 0, Y - 1)
    zi = jnp.clip(idx_flat[:, 2], 0, Z - 1)
    vals = feature_volume[xi, yi, zi]
    vals = jnp.where(valid, vals, jnp.zeros_like(vals))
    extracted_feature = vals.reshape(b, n, P)
    indices = idx_flat.reshape(b, n, P, 3)
    return (extracted_feature, ray_pts, ray_dirs, depth.reshape(b, n), indices, coords)

if __name__ == "__main__":
    import jax
    _d = setup_inputs()
    print(jax.jit(kernel)(*tuple(_d.values())))

</pallas_src>

<mosaic_0001>
#map = affine_map<(d0, d1) -> (0)>
module attributes {stable_mosaic.version = 14 : i64} {
  func.func @body(%arg0: i32, %arg1: i32, %arg2: memref<16777216xf32, #tpu.memory_space<hbm>>, %arg3: memref<1382400xi32, #tpu.memory_space<hbm>>, %arg4: memref<1382400xf32, #tpu.memory_space<hbm>>, %arg5: memref<1382400xf32, #tpu.memory_space<hbm>>, %arg6: memref<4320xi32, #tpu.memory_space<vmem>>, %arg7: memref<4320xi32, #tpu.memory_space<vmem>>, %arg8: memref<4320xf32, #tpu.memory_space<vmem>>, %arg9: memref<4320xf32, #tpu.memory_space<vmem>>, %arg10: memref<4320xf32, #tpu.memory_space<vmem>>, %arg11: memref<4320xf32, #tpu.memory_space<vmem>>, %arg12: memref<!tpu.dma_semaphore, #tpu.memory_space<semaphore_mem>>, %arg13: memref<!tpu.dma_semaphore, #tpu.memory_space<semaphore_mem>>) attributes {dimension_semantics = [#tpu.dimension_semantics<core_parallel>, #tpu.dimension_semantics<subcore_parallel>], iteration_bounds = array<i64: 2, 16>, scalar_prefetch = 0 : i64, scratch_operands = 8 : i64, tpu.core_type = #tpu.core_type<sc_vector_subcore>, window_params = [{transform_indices = #map}, {transform_indices = #map}, {transform_indices = #map}, {transform_indices = #map}]} {
    %mul3A = arith.constant 2 : i32
    %mul3A_0 = arith.muli %arg1, %mul3A : i32
    %add3A = arith.addi %mul3A_0, %arg0 : i32
    %mul3A_1 = arith.constant 43200 : i32
    %mul3A_2 = arith.muli %add3A, %mul3A_1 : i32
    %multiple_of3A = tpu.assume_multiple %mul3A_2, 8 : i32
    %add3A_3 = arith.constant 0 : i32
    %add3A_4 = arith.addi %multiple_of3A, %add3A_3 : i32
    %multiple_of3A_5 = tpu.assume_multiple %add3A_4, 8 : i32
    "tpu.region"() ({
      %run_scoped3A = tpu.sem_alloc : memref<!tpu.dma_semaphore, #tpu.memory_space<semaphore_mem>>
      %dma_start3A = tpu.memref_slice %arg3[%multiple_of3A_5] : memref<1382400xi32, #tpu.memory_space<hbm>> -> memref<4320xi32, #tpu.memory_space<hbm>>
      %dma_start3A_17 = tpu.memref_slice %arg3[%multiple_of3A_5] : memref<1382400xi32, #tpu.memory_space<hbm>> -> memref<4320xi32, #tpu.memory_space<hbm>>
      tpu.enqueue_dma source(%dma_start3A_17 : memref<4320xi32, #tpu.memory_space<hbm>>) target(%arg6 : memref<4320xi32, #tpu.memory_space<vmem>>) target_semaphore(%run_scoped3A : memref<!tpu.dma_semaphore, #tpu.memory_space<semaphore_mem>>)
      %dma_wait3A = tpu.memref_slice %arg3[%multiple_of3A_5] : memref<1382400xi32, #tpu.memory_space<hbm>> -> memref<4320xi32, #tpu.memory_space<hbm>>
      %dma_wait3A_18 = tpu.memref_slice %arg3[%multiple_of3A_5] : memref<1382400xi32, #tpu.memory_space<hbm>> -> memref<4320xi32, #tpu.memory_space<hbm>>
      tpu.wait_dma2 semaphore(%run_scoped3A : memref<!tpu.dma_semaphore, #tpu.memory_space<semaphore_mem>>) src(%dma_wait3A_18 : memref<4320xi32, #tpu.memory_space<hbm>>) dst(%arg6 : memref<4320xi32, #tpu.memory_space<vmem>>)
      tpu.yield
    }) : () -> ()
    %scan3A = arith.constant 0 : i32
    %scan3A_6 = arith.constant 0 : i32
    %scan3A_7 = arith.constant 3 : i32
    %scan3A_8 = arith.addi %scan3A_6, %scan3A_7 : i32
    %scan3A_9 = arith.constant 1 : i32
    scf.for %scan3A_17 = %scan3A_6 to %scan3A_8 step %scan3A_9  : i32 {
      %mul3A_18 = arith.constant 15 : i32
      %mul3A_19 = arith.muli %scan3A_17, %mul3A_18 : i32
      %add3A_20 = arith.constant 0 : i32
      %add3A_21 = arith.addi %mul3A_19, %add3A_20 : i32
      %mul3A_22 = arith.constant 96 : i32
      %mul3A_23 = arith.muli %add3A_21, %mul3A_22 : i32
      %multiple_of3A_24 = tpu.assume_multiple %mul3A_23, 8 : i32
      %dma_start3A = tpu.memref_slice %arg8[%multiple_of3A_24] : memref<4320xf32, #tpu.memory_space<vmem>> -> memref<96xf32, #tpu.memory_space<vmem>>
      %dma_start3A_25 = tpu.memref_slice %arg6[%multiple_of3A_24] : memref<4320xi32, #tpu.memory_space<vmem>> -> memref<96xi32, #tpu.memory_space<vmem>>
      %dma_start3A_26 = arith.constant 0 : i32
      %dma_start3A_27 = tpu.memref_slice %arg2[%dma_start3A_26] : memref<16777216xf32, #tpu.memory_space<hbm>> -> memref<16777216xf32, #tpu.memory_space<hbm>>
      tpu.enqueue_indirect_dma source(%dma_start3A_27 : memref<16777216xf32, #tpu.memory_space<hbm>>) target(%dma_start3A : memref<96xf32, #tpu.memory_space<vmem>>) offsets(%dma_start3A_25 : memref<96xi32, #tpu.memory_space<vmem>>) semaphore(%arg12 : memref<!tpu.dma_semaphore, #tpu.memory_space<semaphore_mem>>)
      %mul3A_28 = arith.constant 15 : i32
      %mul3A_29 = arith.muli %scan3A_17, %mul3A_28 : i32
      %add3A_30 = arith.constant 1 : i32
      %add3A_31 = arith.addi %mul3A_29, %add3A_30 : i32
      %mul3A_32 = arith.constant 96 : i32
      %mul3A_33 = arith.muli %add3A_31, %mul3A_32 : i32
      %multiple_of3A_34 = tpu.assume_multiple %mul3A_33, 8 : i32
      %dma_start3A_35 = tpu.memref_slice %arg8[%multiple_of3A_34] : memref<4320xf32, #tpu.memory_space<vmem>> -> memref<96xf32, #tpu.memory_space<vmem>>
      %dma_start3A_36 = tpu.memref_slice %arg6[%multiple_of3A_34] : memref<4320xi32, #tpu.memory_space<vmem>> -> memref<96xi32, #tpu.memory_space<vmem>>
      %dma_start3A_37 = arith.constant 0 : i32
      %dma_start3A_38 = tpu.memref_slice %arg2[%dma_start3A_37] : memref<16777216xf32, #tpu.memory_space<hbm>> -> memref<16777216xf32, #tpu.memory_space<hbm>>
      tpu.enqueue_indirect_dma source(%dma_start3A_38 : memref<16777216xf32, #tpu.memory_space<hbm>>) target(%dma_start3A_35 : memref<96xf32, #tpu.memory_space<vmem>>) offsets(%dma_start3A_36 : memref<96xi32, #tpu.memory_space<vmem>>) semaphore(%arg12 : memref<!tpu.dma_semaphore, #tpu.memory_space<semaphore_mem>>)
      %mul3A_39 = arith.constant 15 : i32
      %mul3A_40 = arith.muli %scan3A_17, %mul3A_39 : i32
      %add3A_41 = arith.constant 2 : i32
      %add3A_42 = arith.addi %mul3A_40, %add3A_41 : i32
      %mul3A_43 = arith.constant 96 : i32
      %mul3A_44 = arith.muli %add3A_42, %mul3A_43 : i32
      %multiple_of3A_45 = tpu.assume_multiple %mul3A_44, 8 : i32
      %dma_start3A_46 = tpu.memref_slice %arg8[%multiple_of3A_45] : memref<4320xf32, #tpu.memory_space<vmem>> -> memref<96xf32, #tpu.memory_space<vmem>>
      %dma_start3A_47 = tpu.memref_slice %arg6[%multiple_of3A_45] : memref<4320xi32, #tpu.memory_space<vmem>> -> memref<96xi32, #tpu.memory_space<vmem>>
      %dma_start3A_48 = arith.constant 0 : i32
      %dma_start3A_49 = tpu.memref_slice %arg2[%dma_start3A_48] : memref<16777216xf32, #tpu.memory_space<hbm>> -> memref<16777216xf32, #tpu.memory_space<hbm>>
      tpu.enqueue_indirect_dma source(%dma_start3A_49 : memref<16777216xf32, #tpu.memory_space<hbm>>) target(%dma_start3A_46 : memref<96xf32, #tpu.memory_space<vmem>>) offsets(%dma_start3A_47 : memref<96xi32, #tpu.memory_space<vmem>>) semaphore(%arg12 : memref<!tpu.dma_semaphore, #tpu.memory_space<semaphore_mem>>)
      %mul3A_50 = arith.constant 15 : i32
      %mul3A_51 = arith.muli %scan3A_17, %mul3A_50 : i32
      %add3A_52 = arith.constant 3 : i32
      %add3A_53 = arith.addi %mul3A_51, %add3A_52 : i32
      %mul3A_54 = arith.constant 96 : i32
      %mul3A_55 = arith.muli %add3A_53, %mul3A_54 : i32
      %multiple_of3A_56 = tpu.assume_multiple %mul3A_55, 8 : i32
      %dma_start3A_57 = tpu.memref_slice %arg8[%multiple_of3A_56] : memref<4320xf32, #tpu.memory_space<vmem>> -> memref<96xf32, #tpu.memory_space<vmem>>
      %dma_start3A_58 = tpu.memref_slice %arg6[%multiple_of3A_56] : memref<4320xi32, #tpu.memory_space<vmem>> -> memref<96xi32, #tpu.memory_space<vmem>>
      %dma_start3A_59 = arith.constant 0 : i32
      %dma_start3A_60 = tpu.memref_slice %arg2[%dma_start3A_59] : memref<16777216xf32, #tpu.memory_space<hbm>> -> memref<16777216xf32, #tpu.memory_space<hbm>>
      tpu.enqueue_indirect_dma source(%dma_start3A_60 : memref<16777216xf32, #tpu.memory_space<hbm>>) target(%dma_start3A_57 : memref<96xf32, #tpu.memory_space<vmem>>) offsets(%dma_start3A_58 : memref<96xi32, #tpu.memory_space<vmem>>) semaphore(%arg12 : memref<!tpu.dma_semaphore, #tpu.memory_space<semaphore_mem>>)
      %mul3A_61 = arith.constant 15 : i32
      %mul3A_62 = arith.muli %scan3A_17, %mul3A_61 : i32
      %add3A_63 = arith.constant 4 : i32
      %add3A_64 = arith.addi %mul3A_62, %add3A_63 : i32
      %mul3A_65 = arith.constant 96 : i32
      %mul3A_66 = arith.muli %add3A_64, %mul3A_65 : i32
      %multiple_of3A_67 = tpu.assume_multiple %mul3A_66, 8 : i32
      %dma_start3A_68 = tpu.memref_slice %arg8[%multiple_of3A_67] : memref<4320xf32, #tpu.memory_space<vmem>> -> memref<96xf32, #tpu.memory_space<vmem>>
      %dma_start3A_69 = tpu.memref_slice %arg6[%multiple_of3A_67] : memref<4320xi32, #tpu.memory_space<vmem>> -> memref<96xi32, #tpu.memory_space<vmem>>
      %dma_start3A_70 = arith.constant 0 : i32
      %dma_start3A_71 = tpu.memref_slice %arg2[%dma_start3A_70] : memref<16777216xf32, #tpu.memory_space<hbm>> -> memref<16777216xf32, #tpu.memory_space<hbm>>
      tpu.enqueue_indirect_dma source(%dma_start3A_71 : memref<16777216xf32, #tpu.memory_space<hbm>>) target(%dma_start3A_68 : memref<96xf32, #tpu.memory_space<vmem>>) offsets(%dma_start3A_69 : memref<96xi32, #tpu.memory_space<vmem>>) semaphore(%arg12 : memref<!tpu.dma_semaphore, #tpu.memory_space<semaphore_mem>>)
      %mul3A_72 = arith.constant 15 : i32
      %mul3A_73 = arith.muli %scan3A_17, %mul3A_72 : i32
      %add3A_74 = arith.constant 5 : i32
      %add3A_75 = arith.addi %mul3A_73, %add3A_74 : i32
      %mul3A_76 = arith.constant 96 : i32
      %mul3A_77 = arith.muli %add3A_75, %mul3A_76 : i32
      %multiple_of3A_78 = tpu.assume_multiple %mul3A_77, 8 : i32
      %dma_start3A_79 = tpu.memref_slice %arg8[%multiple_of3A_78] : memref<4320xf32, #tpu.memory_space<vmem>> -> memref<96xf32, #tpu.memory_space<vmem>>
      %dma_start3A_80 = tpu.memref_slice %arg6[%multiple_of3A_78] : memref<4320xi32, #tpu.memory_space<vmem>> -> memref<96xi32, #tpu.memory_space<vmem>>
      %dma_start3A_81 = arith.constant 0 : i32
      %dma_start3A_82 = tpu.memref_slice %arg2[%dma_start3A_81] : memref<16777216xf32, #tpu.memory_space<hbm>> -> memref<16777216xf32, #tpu.memory_space<hbm>>
      tpu.enqueue_indirect_dma source(%dma_start3A_82 : memref<16777216xf32, #tpu.memory_space<hbm>>) target(%dma_start3A_79 : memref<96xf32, #tpu.memory_space<vmem>>) offsets(%dma_start3A_80 : memref<96xi32, #tpu.memory_space<vmem>>) semaphore(%arg12 : memref<!tpu.dma_semaphore, #tpu.memory_space<semaphore_mem>>)
      %mul3A_83 = arith.constant 15 : i32
      %mul3A_84 = arith.muli %scan3A_17, %mul3A_83 : i32
      %add3A_85 = arith.constant 6 : i32
      %add3A_86 = arith.addi %mul3A_84, %add3A_85 : i32
      %mul3A_87 = arith.constant 96 : i32
      %mul3A_88 = arith.muli %add3A_86, %mul3A_87 : i32
      %multiple_of3A_89 = tpu.assume_multiple %mul3A_88, 8 : i32
      %dma_start3A_90 = tpu.memref_slice %arg8[%multiple_of3A_89] : memref<4320xf32, #tpu.memory_space<vmem>> -> memref<96xf32, #tpu.memory_space<vmem>>
      %dma_start3A_91 = tpu.memref_slice %arg6[%multiple_of3A_89] : memref<4320xi32, #tpu.memory_space<vmem>> -> memref<96xi32, #tpu.memory_space<vmem>>
      %dma_start3A_92 = arith.constant 0 : i32
      %dma_start3A_93 = tpu.memref_slice %arg2[%dma_start3A_92] : memref<16777216xf32, #tpu.memory_space<hbm>> -> memref<16777216xf32, #tpu.memory_space<hbm>>
      tpu.enqueue_indirect_dma source(%dma_start3A_93 : memref<16777216xf32, #tpu.memory_space<hbm>>) target(%dma_start3A_90 : memref<96xf32, #tpu.memory_space<vmem>>) offsets(%dma_start3A_91 : memref<96xi32, #tpu.memory_space<vmem>>) semaphore(%arg12 : memref<!tpu.dma_semaphore, #tpu.memory_space<semaphore_mem>>)
      %mul3A_94 = arith.constant 15 : i32
      %mul3A_95 = arith.muli %scan3A_17, %mul3A_94 : i32
      %add3A_96 = arith.constant 7 : i32
      %add3A_97 = arith.addi %mul3A_95, %add3A_96 : i32
      %mul3A_98 = arith.constant 96 : i32
      %mul3A_99 = arith.muli %add3A_97, %mul3A_98 : i32
      %multiple_of3A_100 = tpu.assume_multiple %mul3A_99, 8 : i32
      %dma_start3A_101 = tpu.memref_slice %arg8[%multiple_of3A_100] : memref<4320xf32, #tpu.memory_space<vmem>> -> memref<96xf32, #tpu.memory_space<vmem>>
      %dma_start3A_102 = tpu.memref_slice %arg6[%multiple_of3A_100] : memref<4320xi32, #tpu.memory_space<vmem>> -> memref<96xi32, #tpu.memory_space<vmem>>
      %dma_start3A_103 = arith.constant 0 : i32
      %dma_start3A_104 = tpu.memref_slice %arg2[%dma_start3A_103] : memref<16777216xf32, #tpu.memory_space<hbm>> -> memref<16777216xf32, #tpu.memory_space<hbm>>
      tpu.enqueue_indirect_dma source(%dma_start3A_104 : memref<16777216xf32, #tpu.memory_space<hbm>>) target(%dma_start3A_101 : memref<96xf32, #tpu.memory_space<vmem>>) offsets(%dma_start3A_102 : memref<96xi32, #tpu.memory_space<vmem>>) semaphore(%arg12 : memref<!tpu.dma_semaphore, #tpu.memory_space<semaphore_mem>>)
      %mul3A_105 = arith.constant 15 : i32
      %mul3A_106 = arith.muli %scan3A_17, %mul3A_105 : i32
      %add3A_107 = arith.constant 8 : i32
      %add3A_108 = arith.addi %mul3A_106, %add3A_107 : i32
      %mul3A_109 = arith.constant 96 : i32
      %mul3A_110 = arith.muli %add3A_108, %mul3A_109 : i32
      %multiple_of3A_111 = tpu.assume_multiple %mul3A_110, 8 : i32
      %dma_start3A_112 = tpu.memref_slice %arg8[%multiple_of3A_111] : memref<4320xf32, #tpu.memory_space<vmem>> -> memref<96xf32, #tpu.memory_space<vmem>>
      %dma_start3A_113 = tpu.memref_slice %arg6[%multiple_of3A_111] : memref<4320xi32, #tpu.memory_space<vmem>> -> memref<96xi32, #tpu.memory_space<vmem>>
      %dma_start3A_114 = arith.constant 0 : i32
      %dma_start3A_115 = tpu.memref_slice %arg2[%dma_start3A_114] : memref<16777216xf32, #tpu.memory_space<hbm>> -> memref<16777216xf32, #tpu.memory_space<hbm>>
      tpu.enqueue_indirect_dma source(%dma_start3A_115 : memref<16777216xf32, #tpu.memory_space<hbm>>) target(%dma_start3A_112 : memref<96xf32, #tpu.memory_space<vmem>>) offsets(%dma_start3A_113 : memref<96xi32, #tpu.memory_space<vmem>>) semaphore(%arg12 : memref<!tpu.dma_semaphore, #tpu.memory_space<semaphore_mem>>)
      %mul3A_116 = arith.constant 15 : i32
      %mul3A_117 = arith.muli %scan3A_17, %mul3A_116 : i32
      %add3A_118 = arith.constant 9 : i32
      %add3A_119 = arith.addi %mul3A_117, %add3A_118 : i32
      %mul3A_120 = arith.constant 96 : i32
      %mul3A_121 = arith.muli %add3A_119, %mul3A_120 : i32
      %multiple_of3A_122 = tpu.assume_multiple %mul3A_121, 8 : i32
      %dma_start3A_123 = tpu.memref_slice %arg8[%multiple_of3A_122] : memref<4320xf32, #tpu.memory_space<vmem>> -> memref<96xf32, #tpu.memory_space<vmem>>
      %dma_start3A_124 = tpu.memref_slice %arg6[%multiple_of3A_122] : memref<4320xi32, #tpu.memory_space<vmem>> -> memref<96xi32, #tpu.memory_space<vmem>>
      %dma_start3A_125 = arith.constant 0 : i32
      %dma_start3A_126 = tpu.memref_slice %arg2[%dma_start3A_125] : memref<16777216xf32, #tpu.memory_space<hbm>> -> memref<16777216xf32, #tpu.memory_space<hbm>>
      tpu.enqueue_indirect_dma source(%dma_start3A_126 : memref<16777216xf32, #tpu.memory_space<hbm>>) target(%dma_start3A_123 : memref<96xf32, #tpu.memory_space<vmem>>) offsets(%dma_start3A_124 : memref<96xi32, #tpu.memory_space<vmem>>) semaphore(%arg12 : memref<!tpu.dma_semaphore, #tpu.memory_space<semaphore_mem>>)
      %mul3A_127 = arith.constant 15 : i32
      %mul3A_128 = arith.muli %scan3A_17, %mul3A_127 : i32
      %add3A_129 = arith.constant 10 : i32
      %add3A_130 = arith.addi %mul3A_128, %add3A_129 : i32
      %mul3A_131 = arith.constant 96 : i32
      %mul3A_132 = arith.muli %add3A_130, %mul3A_131 : i32
      %multiple_of3A_133 = tpu.assume_multiple %mul3A_132, 8 : i32
      %dma_start3A_134 = tpu.memref_slice %arg8[%multiple_of3A_133] : memref<4320xf32, #tpu.memory_space<vmem>> -> memref<96xf32, #tpu.memory_space<vmem>>
      %dma_start3A_135 = tpu.memref_slice %arg6[%multiple_of3A_133] : memref<4320xi32, #tpu.memory_space<vmem>> -> memref<96xi32, #tpu.memory_space<vmem>>
      %dma_start3A_136 = arith.constant 0 : i32
      %dma_start3A_137 = tpu.memref_slice %arg2[%dma_start3A_136] : memref<16777216xf32, #tpu.memory_space<hbm>> -> memref<16777216xf32, #tpu.memory_space<hbm>>
      tpu.enqueue_indirect_dma source(%dma_start3A_137 : memref<16777216xf32, #tpu.memory_space<hbm>>) target(%dma_start3A_134 : memref<96xf32, #tpu.memory_space<vmem>>) offsets(%dma_start3A_135 : memref<96xi32, #tpu.memory_space<vmem>>) semaphore(%arg12 : memref<!tpu.dma_semaphore, #tpu.memory_space<semaphore_mem>>)
      %mul3A_138 = arith.constant 15 : i32
      %mul3A_139 = arith.muli %scan3A_17, %mul3A_138 : i32
      %add3A_140 = arith.constant 11 : i32
      %add3A_141 = arith.addi %mul3A_139, %add3A_140 : i32
      %mul3A_142 = arith.constant 96 : i32
      %mul3A_143 = arith.muli %add3A_141, %mul3A_142 : i32
      %multiple_of3A_144 = tpu.assume_multiple %mul3A_143, 8 : i32
      %dma_start3A_145 = tpu.memref_slice %arg8[%multiple_of3A_144] : memref<4320xf32, #tpu.memory_space<vmem>> -> memref<96xf32, #tpu.memory_space<vmem>>
      %dma_start3A_146 = tpu.memref_slice %arg6[%multiple_of3A_144] : memref<4320xi32, #tpu.memory_space<vmem>> -> memref<96xi32, #tpu.memory_space<vmem>>
      %dma_start3A_147 = arith.constant 0 : i32
      %dma_start3A_148 = tpu.memref_slice %arg2[%dma_start3A_147] : memref<16777216xf32, #tpu.memory_space<hbm>> -> memref<16777216xf32, #tpu.memory_space<hbm>>
      tpu.enqueue_indirect_dma source(%dma_start3A_148 : memref<16777216xf32, #tpu.memory_space<hbm>>) target(%dma_start3A_145 : memref<96xf32, #tpu.memory_space<vmem>>) offsets(%dma_start3A_146 : memref<96xi32, #tpu.memory_space<vmem>>) semaphore(%arg12 : memref<!tpu.dma_semaphore, #tpu.memory_space<semaphore_mem>>)
      %mul3A_149 = arith.constant 15 : i32
      %mul3A_150 = arith.muli %scan3A_17, %mul3A_149 : i32
      %add3A_151 = arith.constant 12 : i32
      %add3A_152 = arith.addi %mul3A_150, %add3A_151 : i32
      %mul3A_153 = arith.constant 96 : i32
      %mul3A_154 = arith.muli %add3A_152, %mul3A_153 : i32
      %multiple_of3A_155 = tpu.assume_multiple %mul3A_154, 8 : i32
      %dma_start3A_156 = tpu.memref_slice %arg8[%multiple_of3A_155] : memref<4320xf32, #tpu.memory_space<vmem>> -> memref<96xf32, #tpu.memory_space<vmem>>
      %dma_start3A_157 = tpu.memref_slice %arg6[%multiple_of3A_155] : memref<4320xi32, #tpu.memory_space<vmem>> -> memref<96xi32, #tpu.memory_space<vmem>>
      %dma_start3A_158 = arith.constant 0 : i32
      %dma_start3A_159 = tpu.memref_slice %arg2[%dma_start3A_158] : memref<16777216xf32, #tpu.memory_space<hbm>> -> memref<16777216xf32, #tpu.memory_space<hbm>>
      tpu.enqueue_indirect_dma source(%dma_start3A_159 : memref<16777216xf32, #tpu.memory_space<hbm>>) target(%dma_start3A_156 : memref<96xf32, #tpu.memory_space<vmem>>) offsets(%dma_start3A_157 : memref<96xi32, #tpu.memory_space<vmem>>) semaphore(%arg12 : memref<!tpu.dma_semaphore, #tpu.memory_space<semaphore_mem>>)
      %mul3A_160 = arith.constant 15 : i32
      %mul3A_161 = arith.muli %scan3A_17, %mul3A_160 : i32
      %add3A_162 = arith.constant 13 : i32
      %add3A_163 = arith.addi %mul3A_161, %add3A_162 : i32
      %mul3A_164 = arith.constant 96 : i32
      %mul3A_165 = arith.muli %add3A_163, %mul3A_164 : i32
      %multiple_of3A_166 = tpu.assume_multiple %mul3A_165, 8 : i32
      %dma_start3A_167 = tpu.memref_slice %arg8[%multiple_of3A_166] : memref<4320xf32, #tpu.memory_space<vmem>> -> memref<96xf32, #tpu.memory_space<vmem>>
      %dma_start3A_168 = tpu.memref_slice %arg6[%multiple_of3A_166] : memref<4320xi32, #tpu.memory_space<vmem>> -> memref<96xi32, #tpu.memory_space<vmem>>
      %dma_start3A_169 = arith.constant 0 : i32
      %dma_start3A_170 = tpu.memref_slice %arg2[%dma_start3A_169] : memref<16777216xf32, #tpu.memory_space<hbm>> -> memref<16777216xf32, #tpu.memory_space<hbm>>
      tpu.enqueue_indirect_dma source(%dma_start3A_170 : memref<16777216xf32, #tpu.memory_space<hbm>>) target(%dma_start3A_167 : memref<96xf32, #tpu.memory_space<vmem>>) offsets(%dma_start3A_168 : memref<96xi32, #tpu.memory_space<vmem>>) semaphore(%arg12 : memref<!tpu.dma_semaphore, #tpu.memory_space<semaphore_mem>>)
      %mul3A_171 = arith.constant 15 : i32
      %mul3A_172 = arith.muli %scan3A_17, %mul3A_171 : i32
      %add3A_173 = arith.constant 14 : i32
      %add3A_174 = arith.addi %mul3A_172, %add3A_173 : i32
      %mul3A_175 = arith.constant 96 : i32
      %mul3A_176 = arith.muli %add3A_174, %mul3A_175 : i32
      %multiple_of3A_177 = tpu.assume_multiple %mul3A_176, 8 : i32
      %dma_start3A_178 = tpu.memref_slice %arg8[%multiple_of3A_177] : memref<4320xf32, #tpu.memory_space<vmem>> -> memref<96xf32, #tpu.memory_space<vmem>>
      %dma_start3A_179 = tpu.memref_slice %arg6[%multiple_of3A_177] : memref<4320xi32, #tpu.memory_space<vmem>> -> memref<96xi32, #tpu.memory_space<vmem>>
      %dma_start3A_180 = arith.constant 0 : i32
      %dma_start3A_181 = tpu.memref_slice %arg2[%dma_start3A_180] : memref<16777216xf32, #tpu.memory_space<hbm>> -> memref<16777216xf32, #tpu.memory_space<hbm>>
      tpu.enqueue_indirect_dma source(%dma_start3A_181 : memref<16777216xf32, #tpu.memory_space<hbm>>) target(%dma_start3A_178 : memref<96xf32, #tpu.memory_space<vmem>>) offsets(%dma_start3A_179 : memref<96xi32, #tpu.memory_space<vmem>>) semaphore(%arg12 : memref<!tpu.dma_semaphore, #tpu.memory_space<semaphore_mem>>)
    }
    %scan3A_10 = arith.constant 3 : i32
    "tpu.region"() ({
      %run_scoped3A = tpu.sem_alloc : memref<!tpu.dma_semaphore, #tpu.memory_space<semaphore_mem>>
      %dma_start3A = tpu.memref_slice %arg4[%multiple_of3A_5] : memref<1382400xf32, #tpu.memory_space<hbm>> -> memref<4320xf32, #tpu.memory_space<hbm>>
      %dma_start3A_17 = tpu.memref_slice %arg4[%multiple_of3A_5] : memref<1382400xf32, #tpu.memory_space<hbm>> -> memref<4320xf32, #tpu.memory_space<hbm>>
      tpu.enqueue_dma source(%dma_start3A_17 : memref<4320xf32, #tpu.memory_space<hbm>>) target(%arg10 : memref<4320xf32, #tpu.memory_space<vmem>>) target_semaphore(%run_scoped3A : memref<!tpu.dma_semaphore, #tpu.memory_space<semaphore_mem>>)
      %dma_wait3A = tpu.memref_slice %arg4[%multiple_of3A_5] : memref<1382400xf32, #tpu.memory_space<hbm>> -> memref<4320xf32, #tpu.memory_space<hbm>>
      %dma_wait3A_18 = tpu.memref_slice %arg4[%multiple_of3A_5] : memref<1382400xf32, #tpu.memory_space<hbm>> -> memref<4320xf32, #tpu.memory_space<hbm>>
      tpu.wait_dma2 semaphore(%run_scoped3A : memref<!tpu.dma_semaphore, #tpu.memory_space<semaphore_mem>>) src(%dma_wait3A_18 : memref<4320xf32, #tpu.memory_space<hbm>>) dst(%arg10 : memref<4320xf32, #tpu.memory_space<vmem>>)
      tpu.yield
    }) : () -> ()
    %scan3A_11 = arith.constant 0 : i32
    %scan3A_12 = arith.constant 0 : i32
    %scan3A_13 = arith.constant 5 : i32
    %scan3A_14 = arith.addi %scan3A_12, %scan3A_13 : i32
    %scan3A_15 = arith.constant 1 : i32
    scf.for %scan3A_17 = %scan3A_12 to %scan3A_14 step %scan3A_15  : i32 {
      %mul3A_18 = arith.constant 2 : i32
      %mul3A_19 = arith.muli %scan3A_17, %mul3A_18 : i32
      %add3A_20 = arith.constant 1 : i32
      %add3A_21 = arith.addi %mul3A_19, %add3A_20 : i32
      %mul3A_22 = arith.constant 4320 : i32
      %mul3A_23 = arith.muli %add3A_21, %mul3A_22 : i32
      %add3A_24 = arith.addi %multiple_of3A, %mul3A_23 : i32
      %multiple_of3A_25 = tpu.assume_multiple %add3A_24, 8 : i32
      "tpu.region"() ({
        %run_scoped3A = tpu.sem_alloc : memref<!tpu.dma_semaphore, #tpu.memory_space<semaphore_mem>>
        %dma_start3A = tpu.memref_slice %arg3[%multiple_of3A_25] : memref<1382400xi32, #tpu.memory_space<hbm>> -> memref<4320xi32, #tpu.memory_space<hbm>>
        %dma_start3A_70 = tpu.memref_slice %arg3[%multiple_of3A_25] : memref<1382400xi32, #tpu.memory_space<hbm>> -> memref<4320xi32, #tpu.memory_space<hbm>>
        tpu.enqueue_dma source(%dma_start3A_70 : memref<4320xi32, #tpu.memory_space<hbm>>) target(%arg7 : memref<4320xi32, #tpu.memory_space<vmem>>) target_semaphore(%run_scoped3A : memref<!tpu.dma_semaphore, #tpu.memory_space<semaphore_mem>>)
        %dma_wait3A = tpu.memref_slice %arg3[%multiple_of3A_25] : memref<1382400xi32, #tpu.memory_space<hbm>> -> memref<4320xi32, #tpu.memory_space<hbm>>
        %dma_wait3A_71 = tpu.memref_slice %arg3[%multiple_of3A_25] : memref<1382400xi32, #tpu.memory_space<hbm>> -> memref<4320xi32, #tpu.memory_space<hbm>>
        tpu.wait_dma2 semaphore(%run_scoped3A : memref<!tpu.dma_semaphore, #tpu.memory_space<semaphore_mem>>) src(%dma_wait3A_71 : memref<4320xi32, #tpu.memory_space<hbm>>) dst(%arg7 : memref<4320xi32, #tpu.memory_space<vmem>>)
        tpu.yield
      }) : () -> ()
      %scan3A_26 = arith.constant 0 : i32
      %scan3A_27 = arith.constant 0 : i32
      %scan3A_28 = arith.constant 3 : i32
      %scan3A_29 = arith.addi %scan3A_27, %scan3A_28 : i32
      %scan3A_30 = arith.constant 1 : i32
      scf.for %scan3A_70 = %scan3A_27 to %scan3A_29 step %scan3A_30  : i32 {
        %mul3A_71 = arith.constant 15 : i32
        %mul3A_72 = arith.muli %scan3A_70, %mul3A_71 : i32
        %add3A_73 = arith.constant 0 : i32
        %add3A_74 = arith.addi %mul3A_72, %add3A_73 : i32
        %mul3A_75 = arith.constant 96 : i32
        %mul3A_76 = arith.muli %add3A_74, %mul3A_75 : i32
        %multiple_of3A_77 = tpu.assume_multiple %mul3A_76, 8 : i32
        %dma_start3A = tpu.memref_slice %arg9[%multiple_of3A_77] : memref<4320xf32, #tpu.memory_space<vmem>> -> memref<96xf32, #tpu.memory_space<vmem>>
        %dma_start3A_78 = tpu.memref_slice %arg7[%multiple_of3A_77] : memref<4320xi32, #tpu.memory_space<vmem>> -> memref<96xi32, #tpu.memory_space<vmem>>
        %dma_start3A_79 = arith.constant 0 : i32
        %dma_start3A_80 = tpu.memref_slice %arg2[%dma_start3A_79] : memref<16777216xf32, #tpu.memory_space<hbm>> -> memref<16777216xf32, #tpu.memory_space<hbm>>
        tpu.enqueue_indirect_dma source(%dma_start3A_80 : memref<16777216xf32, #tpu.memory_space<hbm>>) target(%dma_start3A : memref<96xf32, #tpu.memory_space<vmem>>) offsets(%dma_start3A_78 : memref<96xi32, #tpu.memory_space<vmem>>) semaphore(%arg13 : memref<!tpu.dma_semaphore, #tpu.memory_space<semaphore_mem>>)
        %mul3A_81 = arith.constant 15 : i32
        %mul3A_82 = arith.muli %scan3A_70, %mul3A_81 : i32
        %add3A_83 = arith.constant 1 : i32
        %add3A_84 = arith.addi %mul3A_82, %add3A_83 : i32
        %mul3A_85 = arith.constant 96 : i32
        %mul3A_86 = arith.muli %add3A_84, %mul3A_85 : i32
        %multiple_of3A_87 = tpu.assume_multiple %mul3A_86, 8 : i32
        %dma_start3A_88 = tpu.memref_slice %arg9[%multiple_of3A_87] : memref<4320xf32, #tpu.memory_space<vmem>> -> memref<96xf32, #tpu.memory_space<vmem>>
        %dma_start3A_89 = tpu.memref_slice %arg7[%multiple_of3A_87] : memref<4320xi32, #tpu.memory_space<vmem>> -> memref<96xi32, #tpu.memory_space<vmem>>
        %dma_start3A_90 = arith.constant 0 : i32
        %dma_start3A_91 = tpu.memref_slice %arg2[%dma_start3A_90] : memref<16777216xf32, #tpu.memory_space<hbm>> -> memref<16777216xf32, #tpu.memory_space<hbm>>
        tpu.enqueue_indirect_dma source(%dma_start3A_91 : memref<16777216xf32, #tpu.memory_space<hbm>>) target(%dma_start3A_88 : memref<96xf32, #tpu.memory_space<vmem>>) offsets(%dma_start3A_89 : memref<96xi32, #tpu.memory_space<vmem>>) semaphore(%arg13 : memref<!tpu.dma_semaphore, #tpu.memory_space<semaphore_mem>>)
        %mul3A_92 = arith.constant 15 : i32
        %mul3A_93 = arith.muli %scan3A_70, %mul3A_92 : i32
        %add3A_94 = arith.constant 2 : i32
        %add3A_95 = arith.addi %mul3A_93, %add3A_94 : i32
        %mul3A_96 = arith.constant 96 : i32
        %mul3A_97 = arith.muli %add3A_95, %mul3A_96 : i32
        %multiple_of3A_98 = tpu.assume_multiple %mul3A_97, 8 : i32
        %dma_start3A_99 = tpu.memref_slice %arg9[%multiple_of3A_98] : memref<4320xf32, #tpu.memory_space<vmem>> -> memref<96xf32, #tpu.memory_space<vmem>>
        %dma_start3A_100 = tpu.memref_slice %arg7[%multiple_of3A_98] : memref<4320xi32, #tpu.memory_space<vmem>> -> memref<96xi32, #tpu.memory_space<vmem>>
        %dma_start3A_101 = arith.constant 0 : i32
        %dma_start3A_102 = tpu.memref_slice %arg2[%dma_start3A_101] : memref<16777216xf32, #tpu.memory_space<hbm>> -> memref<16777216xf32, #tpu.memory_space<hbm>>
        tpu.enqueue_indirect_dma source(%dma_start3A_102 : memref<16777216xf32, #tpu.memory_space<hbm>>) target(%dma_start3A_99 : memref<96xf32, #tpu.memory_space<vmem>>) offsets(%dma_start3A_100 : memref<96xi32, #tpu.memory_space<vmem>>) semaphore(%arg13 : memref<!tpu.dma_semaphore, #tpu.memory_space<semaphore_mem>>)
        %mul3A_103 = arith.constant 15 : i32
        %mul3A_104 = arith.muli %scan3A_70, %mul3A_103 : i32
        %add3A_105 = arith.constant 3 : i32
        %add3A_106 = arith.addi %mul3A_104, %add3A_105 : i32
        %mul3A_107 = arith.constant 96 : i32
        %mul3A_108 = arith.muli %add3A_106, %mul3A_107 : i32
        %multiple_of3A_109 = tpu.assume_multiple %mul3A_108, 8 : i32
        %dma_start3A_110 = tpu.memref_slice %arg9[%multiple_of3A_109] : memref<4320xf32, #tpu.memory_space<vmem>> -> memref<96xf32, #tpu.memory_space<vmem>>
        %dma_start3A_111 = tpu.memref_slice %arg7[%multiple_of3A_109] : memref<4320xi32, #tpu.memory_space<vmem>> -> memref<96xi32, #tpu.memory_space<vmem>>
        %dma_start3A_112 = arith.constant 0 : i32
        %dma_start3A_113 = tpu.memref_slice %arg2[%dma_start3A_112] : memref<16777216xf32, #tpu.memory_space<hbm>> -> memref<16777216xf32, #tpu.memory_space<hbm>>
        tpu.enqueue_indirect_dma source(%dma_start3A_113 : memref<16777216xf32, #tpu.memory_space<hbm>>) target(%dma_start3A_110 : memref<96xf32, #tpu.memory_space<vmem>>) offsets(%dma_start3A_111 : memref<96xi32, #tpu.memory_space<vmem>>) semaphore(%arg13 : memref<!tpu.dma_semaphore, #tpu.memory_space<semaphore_mem>>)
        %mul3A_114 = arith.constant 15 : i32
        %mul3A_115 = arith.muli %scan3A_70, %mul3A_114 : i32
        %add3A_116 = arith.constant 4 : i32
        %add3A_117 = arith.addi %mul3A_115, %add3A_116 : i32
        %mul3A_118 = arith.constant 96 : i32
        %mul3A_119 = arith.muli %add3A_117, %mul3A_118 : i32
        %multiple_of3A_120 = tpu.assume_multiple %mul3A_119, 8 : i32
        %dma_start3A_121 = tpu.memref_slice %arg9[%multiple_of3A_120] : memref<4320xf32, #tpu.memory_space<vmem>> -> memref<96xf32, #tpu.memory_space<vmem>>
        %dma_start3A_122 = tpu.memref_slice %arg7[%multiple_of3A_120] : memref<4320xi32, #tpu.memory_space<vmem>> -> memref<96xi32, #tpu.memory_space<vmem>>
        %dma_start3A_123 = arith.constant 0 : i32
        %dma_start3A_124 = tpu.memref_slice %arg2[%dma_start3A_123] : memref<16777216xf32, #tpu.memory_space<hbm>> -> memref<16777216xf32, #tpu.memory_space<hbm>>
        tpu.enqueue_indirect_dma source(%dma_start3A_124 : memref<16777216xf32, #tpu.memory_space<hbm>>) target(%dma_start3A_121 : memref<96xf32, #tpu.memory_space<vmem>>) offsets(%dma_start3A_122 : memref<96xi32, #tpu.memory_space<vmem>>) semaphore(%arg13 : memref<!tpu.dma_semaphore, #tpu.memory_space<semaphore_mem>>)
        %mul3A_125 = arith.constant 15 : i32
        %mul3A_126 = arith.muli %scan3A_70, %mul3A_125 : i32
        %add3A_127 = arith.constant 5 : i32
        %add3A_128 = arith.addi %mul3A_126, %add3A_127 : i32
        %mul3A_129 = arith.constant 96 : i32
        %mul3A_130 = arith.muli %add3A_128, %mul3A_129 : i32
        %multiple_of3A_131 = tpu.assume_multiple %mul3A_130, 8 : i32
        %dma_start3A_132 = tpu.memref_slice %arg9[%multiple_of3A_131] : memref<4320xf32, #tpu.memory_space<vmem>> -> memref<96xf32, #tpu.memory_space<vmem>>
        %dma_start3A_133 = tpu.memref_slice %arg7[%multiple_of3A_131] : memref<4320xi32, #tpu.memory_space<vmem>> -> memref<96xi32, #tpu.memory_space<vmem>>
        %dma_start3A_134 = arith.constant 0 : i32
        %dma_start3A_135 = tpu.memref_slice %arg2[%dma_start3A_134] : memref<16777216xf32, #tpu.memory_space<hbm>> -> memref<16777216xf32, #tpu.memory_space<hbm>>
        tpu.enqueue_indirect_dma source(%dma_start3A_135 : memref<16777216xf32, #tpu.memory_space<hbm>>) target(%dma_start3A_132 : memref<96xf32, #tpu.memory_space<vmem>>) offsets(%dma_start3A_133 : memref<96xi32, #tpu.memory_space<vmem>>) semaphore(%arg13 : memref<!tpu.dma_semaphore, #tpu.memory_space<semaphore_mem>>)
        %mul3A_136 = arith.constant 15 : i32
        %mul3A_137 = arith.muli %scan3A_70, %mul3A_136 : i32
        %add3A_138 = arith.constant 6 : i32
        %add3A_139 = arith.addi %mul3A_137, %add3A_138 : i32
        %mul3A_140 = arith.constant 96 : i32
        %mul3A_141 = arith.muli %add3A_139, %mul3A_140 : i32
        %multiple_of3A_142 = tpu.assume_multiple %mul3A_141, 8 : i32
        %dma_start3A_143 = tpu.memref_slice %arg9[%multiple_of3A_142] : memref<4320xf32, #tpu.memory_space<vmem>> -> memref<96xf32, #tpu.memory_space<vmem>>
        %dma_start3A_144 = tpu.memref_slice %arg7[%multiple_of3A_142] : memref<4320xi32, #tpu.memory_space<vmem>> -> memref<96xi32, #tpu.memory_space<vmem>>
        %dma_start3A_145 = arith.constant 0 : i32
        %dma_start3A_146 = tpu.memref_slice %arg2[%dma_start3A_145] : memref<16777216xf32, #tpu.memory_space<hbm>> -> memref<16777216xf32, #tpu.memory_space<hbm>>
        tpu.enqueue_indirect_dma source(%dma_start3A_146 : memref<16777216xf32, #tpu.memory_space<hbm>>) target(%dma_start3A_143 : memref<96xf32, #tpu.memory_space<vmem>>) offsets(%dma_start3A_144 : memref<96xi32, #tpu.memory_space<vmem>>) semaphore(%arg13 : memref<!tpu.dma_semaphore, #tpu.memory_space<semaphore_mem>>)
        %mul3A_147 = arith.constant 15 : i32
        %mul3A_148 = arith.muli %scan3A_70, %mul3A_147 : i32
        %add3A_149 = arith.constant 7 : i32
        %add3A_150 = arith.addi %mul3A_148, %add3A_149 : i32
        %mul3A_151 = arith.constant 96 : i32
        %mul3A_152 = arith.muli %add3A_150, %mul3A_151 : i32
        %multiple_of3A_153 = tpu.assume_multiple %mul3A_152, 8 : i32
        %dma_start3A_154 = tpu.memref_slice %arg9[%multiple_of3A_153] : memref<4320xf32, #tpu.memory_space<vmem>> -> memref<96xf32, #tpu.memory_space<vmem>>
        %dma_start3A_155 = tpu.memref_slice %arg7[%multiple_of3A_153] : memref<4320xi32, #tpu.memory_space<vmem>> -> memref<96xi32, #tpu.memory_space<vmem>>
        %dma_start3A_156 = arith.constant 0 : i32
        %dma_start3A_157 = tpu.memref_slice %arg2[%dma_start3A_156] : memref<16777216xf32, #tpu.memory_space<hbm>> -> memref<16777216xf32, #tpu.memory_space<hbm>>
        tpu.enqueue_indirect_dma source(%dma_start3A_157 : memref<16777216xf32, #tpu.memory_space<hbm>>) target(%dma_start3A_154 : memref<96xf32, #tpu.memory_space<vmem>>) offsets(%dma_start3A_155 : memref<96xi32, #tpu.memory_space<vmem>>) semaphore(%arg13 : memref<!tpu.dma_semaphore, #tpu.memory_space<semaphore_mem>>)
        %mul3A_158 = arith.constant 15 : i32
        %mul3A_159 = arith.muli %scan3A_70, %mul3A_158 : i32
        %add3A_160 = arith.constant 8 : i32
        %add3A_161 = arith.addi %mul3A_159, %add3A_160 : i32
        %mul3A_162 = arith.constant 96 : i32
        %mul3A_163 = arith.muli %add3A_161, %mul3A_162 : i32
        %multiple_of3A_164 = tpu.assume_multiple %mul3A_163, 8 : i32
        %dma_start3A_165 = tpu.memref_slice %arg9[%multiple_of3A_164] : memref<4320xf32, #tpu.memory_space<vmem>> -> memref<96xf32, #tpu.memory_space<vmem>>
        %dma_start3A_166 = tpu.memref_slice %arg7[%multiple_of3A_164] : memref<4320xi32, #tpu.memory_space<vmem>> -> memref<96xi32, #tpu.memory_space<vmem>>
        %dma_start3A_167 = arith.constant 0 : i32
        %dma_start3A_168 = tpu.memref_slice %arg2[%dma_start3A_167] : memref<16777216xf32, #tpu.memory_space<hbm>> -> memref<16777216xf32, #tpu.memory_space<hbm>>
        tpu.enqueue_indirect_dma source(%dma_start3A_168 : memref<16777216xf32, #tpu.memory_space<hbm>>) target(%dma_start3A_165 : memref<96xf32, #tpu.memory_space<vmem>>) offsets(%dma_start3A_166 : memref<96xi32, #tpu.memory_space<vmem>>) semaphore(%arg13 : memref<!tpu.dma_semaphore, #tpu.memory_space<semaphore_mem>>)
        %mul3A_169 = arith.constant 15 : i32
        %mul3A_170 = arith.muli %scan3A_70, %mul3A_169 : i32
        %add3A_171 = arith.constant 9 : i32
        %add3A_172 = arith.addi %mul3A_170, %add3A_171 : i32
        %mul3A_173 = arith.constant 96 : i32
        %mul3A_174 = arith.muli %add3A_172, %mul3A_173 : i32
        %multiple_of3A_175 = tpu.assume_multiple %mul3A_174, 8 : i32
        %dma_start3A_176 = tpu.memref_slice %arg9[%multiple_of3A_175] : memref<4320xf32, #tpu.memory_space<vmem>> -> memref<96xf32, #tpu.memory_space<vmem>>
        %dma_start3A_177 = tpu.memref_slice %arg7[%multiple_of3A_175] : memref<4320xi32, #tpu.memory_space<vmem>> -> memref<96xi32, #tpu.memory_space<vmem>>
        %dma_start3A_178 = arith.constant 0 : i32
        %dma_start3A_179 = tpu.memref_slice %arg2[%dma_start3A_178] : memref<16777216xf32, #tpu.memory_space<hbm>> -> memref<16777216xf32, #tpu.memory_space<hbm>>
        tpu.enqueue_indirect_dma source(%dma_start3A_179 : memref<16777216xf32, #tpu.memory_space<hbm>>) target(%dma_start3A_176 : memref<96xf32, #tpu.memory_space<vmem>>) offsets(%dma_start3A_177 : memref<96xi32, #tpu.memory_space<vmem>>) semaphore(%arg13 : memref<!tpu.dma_semaphore, #tpu.memory_space<semaphore_mem>>)
        %mul3A_180 = arith.constant 15 : i32
        %mul3A_181 = arith.muli %scan3A_70, %mul3A_180 : i32
        %add3A_182 = arith.constant 10 : i32
        %add3A_183 = arith.addi %mul3A_181, %add3A_182 : i32
        %mul3A_184 = arith.constant 96 : i32
        %mul3A_185 = arith.muli %add3A_183, %mul3A_184 : i32
        %multiple_of3A_186 = tpu.assume_multiple %mul3A_185, 8 : i32
        %dma_start3A_187 = tpu.memref_slice %arg9[%multiple_of3A_186] : memref<4320xf32, #tpu.memory_space<vmem>> -> memref<96xf32, #tpu.memory_space<vmem>>
        %dma_start3A_188 = tpu.memref_slice %arg7[%multiple_of3A_186] : memref<4320xi32, #tpu.memory_space<vmem>> -> memref<96xi32, #tpu.memory_space<vmem>>
        %dma_start3A_189 = arith.constant 0 : i32
        %dma_start3A_190 = tpu.memref_slice %arg2[%dma_start3A_189] : memref<16777216xf32, #tpu.memory_space<hbm>> -> memref<16777216xf32, #tpu.memory_space<hbm>>
        tpu.enqueue_indirect_dma source(%dma_start3A_190 : memref<16777216xf32, #tpu.memory_space<hbm>>) target(%dma_start3A_187 : memref<96xf32, #tpu.memory_space<vmem>>) offsets(%dma_start3A_188 : memref<96xi32, #tpu.memory_space<vmem>>) semaphore(%arg13 : memref<!tpu.dma_semaphore, #tpu.memory_space<semaphore_mem>>)
        %mul3A_191 = arith.constant 15 : i32
        %mul3A_192 = arith.muli %scan3A_70, %mul3A_191 : i32
        %add3A_193 = arith.constant 11 : i32
        %add3A_194 = arith.addi %mul3A_192, %add3A_193 : i32
        %mul3A_195 = arith.constant 96 : i32
        %mul3A_196 = arith.muli %add3A_194, %mul3A_195 : i32
        %multiple_of3A_197 = tpu.assume_multiple %mul3A_196, 8 : i32
        %dma_start3A_198 = tpu.memref_slice %arg9[%multiple_of3A_197] : memref<4320xf32, #tpu.memory_space<vmem>> -> memref<96xf32, #tpu.memory_space<vmem>>
        %dma_start3A_199 = tpu.memref_slice %arg7[%multiple_of3A_197] : memref<4320xi32, #tpu.memory_space<vmem>> -> memref<96xi32, #tpu.memory_space<vmem>>
        %dma_start3A_200 = arith.constant 0 : i32
        %dma_start3A_201 = tpu.memref_slice %arg2[%dma_start3A_200] : memref<16777216xf32, #tpu.memory_space<hbm>> -> memref<16777216xf32, #tpu.memory_space<hbm>>
        tpu.enqueue_indirect_dma source(%dma_start3A_201 : memref<16777216xf32, #tpu.memory_space<hbm>>) target(%dma_start3A_198 : memref<96xf32, #tpu.memory_space<vmem>>) offsets(%dma_start3A_199 : memref<96xi32, #tpu.memory_space<vmem>>) semaphore(%arg13 : memref<!tpu.dma_semaphore, #tpu.memory_space<semaphore_mem>>)
        %mul3A_202 = arith.constant 15 : i32
        %mul3A_203 = arith.muli %scan3A_70, %mul3A_202 : i32
        %add3A_204 = arith.constant 12 : i32
        %add3A_205 = arith.addi %mul3A_203, %add3A_204 : i32
        %mul3A_206 = arith.constant 96 : i32
        %mul3A_207 = arith.muli %add3A_205, %mul3A_206 : i32
        %multiple_of3A_208 = tpu.assume_multiple %mul3A_207, 8 : i32
        %dma_start3A_209 = tpu.memref_slice %arg9[%multiple_of3A_208] : memref<4320xf32, #tpu.memory_space<vmem>> -> memref<96xf32, #tpu.memory_space<vmem>>
        %dma_start3A_210 = tpu.memref_slice %arg7[%multiple_of3A_208] : memref<4320xi32, #tpu.memory_space<vmem>> -> memref<96xi32, #tpu.memory_space<vmem>>
        %dma_start3A_211 = arith.constant 0 : i32
        %dma_start3A_212 = tpu.memref_slice %arg2[%dma_start3A_211] : memref<16777216xf32, #tpu.memory_space<hbm>> -> memref<16777216xf32, #tpu.memory_space<hbm>>
        tpu.enqueue_indirect_dma source(%dma_start3A_212 : memref<16777216xf32, #tpu.memory_space<hbm>>) target(%dma_start3A_209 : memref<96xf32, #tpu.memory_space<vmem>>) offsets(%dma_start3A_210 : memref<96xi32, #tpu.memory_space<vmem>>) semaphore(%arg13 : memref<!tpu.dma_semaphore, #tpu.memory_space<semaphore_mem>>)
        %mul3A_213 = arith.constant 15 : i32
        %mul3A_214 = arith.muli %scan3A_70, %mul3A_213 : i32
        %add3A_215 = arith.constant 13 : i32
        %add3A_216 = arith.addi %mul3A_214, %add3A_215 : i32
        %mul3A_217 = arith.constant 96 : i32
        %mul3A_218 = arith.muli %add3A_216, %mul3A_217 : i32
        %multiple_of3A_219 = tpu.assume_multiple %mul3A_218, 8 : i32
        %dma_start3A_220 = tpu.memref_slice %arg9[%multiple_of3A_219] : memref<4320xf32, #tpu.memory_space<vmem>> -> memref<96xf32, #tpu.memory_space<vmem>>
        %dma_start3A_221 = tpu.memref_slice %arg7[%multiple_of3A_219] : memref<4320xi32, #tpu.memory_space<vmem>> -> memref<96xi32, #tpu.memory_space<vmem>>
        %dma_start3A_222 = arith.constant 0 : i32
        %dma_start3A_223 = tpu.memref_slice %arg2[%dma_start3A_222] : memref<16777216xf32, #tpu.memory_space<hbm>> -> memref<16777216xf32, #tpu.memory_space<hbm>>
        tpu.enqueue_indirect_dma source(%dma_start3A_223 : memref<16777216xf32, #tpu.memory_space<hbm>>) target(%dma_start3A_220 : memref<96xf32, #tpu.memory_space<vmem>>) offsets(%dma_start3A_221 : memref<96xi32, #tpu.memory_space<vmem>>) semaphore(%arg13 : memref<!tpu.dma_semaphore, #tpu.memory_space<semaphore_mem>>)
        %mul3A_224 = arith.constant 15 : i32
        %mul3A_225 = arith.muli %scan3A_70, %mul3A_224 : i32
        %add3A_226 = arith.constant 14 : i32
        %add3A_227 = arith.addi %mul3A_225, %add3A_226 : i32
        %mul3A_228 = arith.constant 96 : i32
        %mul3A_229 = arith.muli %add3A_227, %mul3A_228 : i32
        %multiple_of3A_230 = tpu.assume_multiple %mul3A_229, 8 : i32
        %dma_start3A_231 = tpu.memref_slice %arg9[%multiple_of3A_230] : memref<4320xf32, #tpu.memory_space<vmem>> -> memref<96xf32, #tpu.memory_space<vmem>>
        %dma_start3A_232 = tpu.memref_slice %arg7[%multiple_of3A_230] : memref<4320xi32, #tpu.memory_space<vmem>> -> memref<96xi32, #tpu.memory_space<vmem>>
        %dma_start3A_233 = arith.constant 0 : i32
        %dma_start3A_234 = tpu.memref_slice %arg2[%dma_start3A_233] : memref<16777216xf32, #tpu.memory_space<hbm>> -> memref<16777216xf32, #tpu.memory_space<hbm>>
        tpu.enqueue_indirect_dma source(%dma_start3A_234 : memref<16777216xf32, #tpu.memory_space<hbm>>) target(%dma_start3A_231 : memref<96xf32, #tpu.memory_space<vmem>>) offsets(%dma_start3A_232 : memref<96xi32, #tpu.memory_space<vmem>>) semaphore(%arg13 : memref<!tpu.dma_semaphore, #tpu.memory_space<semaphore_mem>>)
      }
      %scan3A_31 = arith.constant 3 : i32
      "tpu.region"() ({
        %run_scoped3A = tpu.sem_alloc : memref<!tpu.dma_semaphore, #tpu.memory_space<semaphore_mem>>
        %dma_start3A = tpu.memref_slice %arg4[%multiple_of3A_25] : memref<1382400xf32, #tpu.memory_space<hbm>> -> memref<4320xf32, #tpu.memory_space<hbm>>
        %dma_start3A_70 = tpu.memref_slice %arg4[%multiple_of3A_25] : memref<1382400xf32, #tpu.memory_space<hbm>> -> memref<4320xf32, #tpu.memory_space<hbm>>
        tpu.enqueue_dma source(%dma_start3A_70 : memref<4320xf32, #tpu.memory_space<hbm>>) target(%arg11 : memref<4320xf32, #tpu.memory_space<vmem>>) target_semaphore(%run_scoped3A : memref<!tpu.dma_semaphore, #tpu.memory_space<semaphore_mem>>)
        %dma_wait3A = tpu.memref_slice %arg4[%multiple_of3A_25] : memref<1382400xf32, #tpu.memory_space<hbm>> -> memref<4320xf32, #tpu.memory_space<hbm>>
        %dma_wait3A_71 = tpu.memref_slice %arg4[%multiple_of3A_25] : memref<1382400xf32, #tpu.memory_space<hbm>> -> memref<4320xf32, #tpu.memory_space<hbm>>
        tpu.wait_dma2 semaphore(%run_scoped3A : memref<!tpu.dma_semaphore, #tpu.memory_space<semaphore_mem>>) src(%dma_wait3A_71 : memref<4320xf32, #tpu.memory_space<hbm>>) dst(%arg11 : memref<4320xf32, #tpu.memory_space<vmem>>)
        tpu.yield
      }) : () -> ()
      %scan3A_32 = arith.constant 0 : i32
      %scan3A_33 = arith.constant 0 : i32
      %scan3A_34 = arith.constant 3 : i32
      %scan3A_35 = arith.addi %scan3A_33, %scan3A_34 : i32
      %scan3A_36 = arith.constant 1 : i32
      scf.for %scan3A_70 = %scan3A_33 to %scan3A_35 step %scan3A_36  : i32 {
        %mul3A_71 = arith.constant 15 : i32
        %mul3A_72 = arith.muli %scan3A_70, %mul3A_71 : i32
        %add3A_73 = arith.constant 0 : i32
        %add3A_74 = arith.addi %mul3A_72, %add3A_73 : i32
        %mul3A_75 = arith.constant 96 : i32
        %mul3A_76 = arith.muli %add3A_74, %mul3A_75 : i32
        %multiple_of3A_77 = tpu.assume_multiple %mul3A_76, 8 : i32
        %dma_wait3A = tpu.memref_slice %arg8[%multiple_of3A_77] : memref<4320xf32, #tpu.memory_space<vmem>> -> memref<96xf32, #tpu.memory_space<vmem>>
        %dma_wait3A_78 = tpu.memref_slice %arg6[%multiple_of3A_77] : memref<4320xi32, #tpu.memory_space<vmem>> -> memref<96xi32, #tpu.memory_space<vmem>>
        %dma_wait3A_79 = arith.constant 0 : i32
        %dma_wait3A_80 = tpu.memref_slice %arg2[%dma_wait3A_79] : memref<16777216xf32, #tpu.memory_space<hbm>> -> memref<16777216xf32, #tpu.memory_space<hbm>>
        tpu.wait_indirect_dma semaphore(%arg12 : memref<!tpu.dma_semaphore, #tpu.memory_space<semaphore_mem>>) src(%dma_wait3A_80 : memref<16777216xf32, #tpu.memory_space<hbm>>) dst(%dma_wait3A : memref<96xf32, #tpu.memory_space<vmem>>)
        %mul3A_81 = arith.constant 15 : i32
        %mul3A_82 = arith.muli %scan3A_70, %mul3A_81 : i32
        %add3A_83 = arith.constant 1 : i32
        %add3A_84 = arith.addi %mul3A_82, %add3A_83 : i32
        %mul3A_85 = arith.constant 96 : i32
        %mul3A_86 = arith.muli %add3A_84, %mul3A_85 : i32
        %multiple_of3A_87 = tpu.assume_multiple %mul3A_86, 8 : i32
        %dma_wait3A_88 = tpu.memref_slice %arg8[%multiple_of3A_87] : memref<4320xf32, #tpu.memory_space<vmem>> -> memref<96xf32, #tpu.memory_space<vmem>>
        %dma_wait3A_89 = tpu.memref_slice %arg6[%multiple_of3A_87] : memref<4320xi32, #tpu.memory_space<vmem>> -> memref<96xi32, #tpu.memory_space<vmem>>
        %dma_wait3A_90 = arith.constant 0 : i32
        %dma_wait3A_91 = tpu.memref_slice %arg2[%dma_wait3A_90] : memref<16777216xf32, #tpu.memory_space<hbm>> -> memref<16777216xf32, #tpu.memory_space<hbm>>
        tpu.wait_indirect_dma semaphore(%arg12 : memref<!tpu.dma_semaphore, #tpu.memory_space<semaphore_mem>>) src(%dma_wait3A_91 : memref<16777216xf32, #tpu.memory_space<hbm>>) dst(%dma_wait3A_88 : memref<96xf32, #tpu.memory_space<vmem>>)
        %mul3A_92 = arith.constant 15 : i32
        %mul3A_93 = arith.muli %scan3A_70, %mul3A_92 : i32
        %add3A_94 = arith.constant 2 : i32
        %add3A_95 = arith.addi %mul3A_93, %add3A_94 : i32
        %mul3A_96 = arith.constant 96 : i32
        %mul3A_97 = arith.muli %add3A_95, %mul3A_96 : i32
        %multiple_of3A_98 = tpu.assume_multiple %mul3A_97, 8 : i32
        %dma_wait3A_99 = tpu.memref_slice %arg8[%multiple_of3A_98] : memref<4320xf32, #tpu.memory_space<vmem>> -> memref<96xf32, #tpu.memory_space<vmem>>
        %dma_wait3A_100 = tpu.memref_slice %arg6[%multiple_of3A_98] : memref<4320xi32, #tpu.memory_space<vmem>> -> memref<96xi32, #tpu.memory_space<vmem>>
        %dma_wait3A_101 = arith.constant 0 : i32
        %dma_wait3A_102 = tpu.memref_slice %arg2[%dma_wait3A_101] : memref<16777216xf32, #tpu.memory_space<hbm>> -> memref<16777216xf32, #tpu.memory_space<hbm>>
        tpu.wait_indirect_dma semaphore(%arg12 : memref<!tpu.dma_semaphore, #tpu.memory_space<semaphore_mem>>) src(%dma_wait3A_102 : memref<16777216xf32, #tpu.memory_space<hbm>>) dst(%dma_wait3A_99 : memref<96xf32, #tpu.memory_space<vmem>>)
        %mul3A_103 = arith.constant 15 : i32
        %mul3A_104 = arith.muli %scan3A_70, %mul3A_103 : i32
        %add3A_105 = arith.constant 3 : i32
        %add3A_106 = arith.addi %mul3A_104, %add3A_105 : i32
        %mul3A_107 = arith.constant 96 : i32
        %mul3A_108 = arith.muli %add3A_106, %mul3A_107 : i32
        %multiple_of3A_109 = tpu.assume_multiple %mul3A_108, 8 : i32
        %dma_wait3A_110 = tpu.memref_slice %arg8[%multiple_of3A_109] : memref<4320xf32, #tpu.memory_space<vmem>> -> memref<96xf32, #tpu.memory_space<vmem>>
        %dma_wait3A_111 = tpu.memref_slice %arg6[%multiple_of3A_109] : memref<4320xi32, #tpu.memory_space<vmem>> -> memref<96xi32, #tpu.memory_space<vmem>>
        %dma_wait3A_112 = arith.constant 0 : i32
        %dma_wait3A_113 = tpu.memref_slice %arg2[%dma_wait3A_112] : memref<16777216xf32, #tpu.memory_space<hbm>> -> memref<16777216xf32, #tpu.memory_space<hbm>>
        tpu.wait_indirect_dma semaphore(%arg12 : memref<!tpu.dma_semaphore, #tpu.memory_space<semaphore_mem>>) src(%dma_wait3A_113 : memref<16777216xf32, #tpu.memory_space<hbm>>) dst(%dma_wait3A_110 : memref<96xf32, #tpu.memory_space<vmem>>)
        %mul3A_114 = arith.constant 15 : i32
        %mul3A_115 = arith.muli %scan3A_70, %mul3A_114 : i32
        %add3A_116 = arith.constant 4 : i32
        %add3A_117 = arith.addi %mul3A_115, %add3A_116 : i32
        %mul3A_118 = arith.constant 96 : i32
        %mul3A_119 = arith.muli %add3A_117, %mul3A_118 : i32
        %multiple_of3A_120 = tpu.assume_multiple %mul3A_119, 8 : i32
        %dma_wait3A_121 = tpu.memref_slice %arg8[%multiple_of3A_120] : memref<4320xf32, #tpu.memory_space<vmem>> -> memref<96xf32, #tpu.memory_space<vmem>>
        %dma_wait3A_122 = tpu.memref_slice %arg6[%multiple_of3A_120] : memref<4320xi32, #tpu.memory_space<vmem>> -> memref<96xi32, #tpu.memory_space<vmem>>
        %dma_wait3A_123 = arith.constant 0 : i32
        %dma_wait3A_124 = tpu.memref_slice %arg2[%dma_wait3A_123] : memref<16777216xf32, #tpu.memory_space<hbm>> -> memref<16777216xf32, #tpu.memory_space<hbm>>
        tpu.wait_indirect_dma semaphore(%arg12 : memref<!tpu.dma_semaphore, #tpu.memory_space<semaphore_mem>>) src(%dma_wait3A_124 : memref<16777216xf32, #tpu.memory_space<hbm>>) dst(%dma_wait3A_121 : memref<96xf32, #tpu.memory_space<vmem>>)
        %mul3A_125 = arith.constant 15 : i32
        %mul3A_126 = arith.muli %scan3A_70, %mul3A_125 : i32
        %add3A_127 = arith.constant 5 : i32
        %add3A_128 = arith.addi %mul3A_126, %add3A_127 : i32
        %mul3A_129 = arith.constant 96 : i32
        %mul3A_130 = arith.muli %add3A_128, %mul3A_129 : i32
        %multiple_of3A_131 = tpu.assume_multiple %mul3A_130, 8 : i32
        %dma_wait3A_132 = tpu.memref_slice %arg8[%multiple_of3A_131] : memref<4320xf32, #tpu.memory_space<vmem>> -> memref<96xf32, #tpu.memory_space<vmem>>
        %dma_wait3A_133 = tpu.memref_slice %arg6[%multiple_of3A_131] : memref<4320xi32, #tpu.memory_space<vmem>> -> memref<96xi32, #tpu.memory_space<vmem>>
        %dma_wait3A_134 = arith.constant 0 : i32
        %dma_wait3A_135 = tpu.memref_slice %arg2[%dma_wait3A_134] : memref<16777216xf32, #tpu.memory_space<hbm>> -> memref<16777216xf32, #tpu.memory_space<hbm>>
        tpu.wait_indirect_dma semaphore(%arg12 : memref<!tpu.dma_semaphore, #tpu.memory_space<semaphore_mem>>) src(%dma_wait3A_135 : memref<16777216xf32, #tpu.memory_space<hbm>>) dst(%dma_wait3A_132 : memref<96xf32, #tpu.memory_space<vmem>>)
        %mul3A_136 = arith.constant 15 : i32
        %mul3A_137 = arith.muli %scan3A_70, %mul3A_136 : i32
        %add3A_138 = arith.constant 6 : i32
        %add3A_139 = arith.addi %mul3A_137, %add3A_138 : i32
        %mul3A_140 = arith.constant 96 : i32
        %mul3A_141 = arith.muli %add3A_139, %mul3A_140 : i32
        %multiple_of3A_142 = tpu.assume_multiple %mul3A_141, 8 : i32
        %dma_wait3A_143 = tpu.memref_slice %arg8[%multiple_of3A_142] : memref<4320xf32, #tpu.memory_space<vmem>> -> memref<96xf32, #tpu.memory_space<vmem>>
        %dma_wait3A_144 = tpu.memref_slice %arg6[%multiple_of3A_142] : memref<4320xi32, #tpu.memory_space<vmem>> -> memref<96xi32, #tpu.memory_space<vmem>>
        %dma_wait3A_145 = arith.constant 0 : i32
        %dma_wait3A_146 = tpu.memref_slice %arg2[%dma_wait3A_145] : memref<16777216xf32, #tpu.memory_space<hbm>> -> memref<16777216xf32, #tpu.memory_space<hbm>>
        tpu.wait_indirect_dma semaphore(%arg12 : memref<!tpu.dma_semaphore, #tpu.memory_space<semaphore_mem>>) src(%dma_wait3A_146 : memref<16777216xf32, #tpu.memory_space<hbm>>) dst(%dma_wait3A_143 : memref<96xf32, #tpu.memory_space<vmem>>)
        %mul3A_147 = arith.constant 15 : i32
        %mul3A_148 = arith.muli %scan3A_70, %mul3A_147 : i32
        %add3A_149 = arith.constant 7 : i32
        %add3A_150 = arith.addi %mul3A_148, %add3A_149 : i32
        %mul3A_151 = arith.constant 96 : i32
        %mul3A_152 = arith.muli %add3A_150, %mul3A_151 : i32
        %multiple_of3A_153 = tpu.assume_multiple %mul3A_152, 8 : i32
        %dma_wait3A_154 = tpu.memref_slice %arg8[%multiple_of3A_153] : memref<4320xf32, #tpu.memory_space<vmem>> -> memref<96xf32, #tpu.memory_space<vmem>>
        %dma_wait3A_155 = tpu.memref_slice %arg6[%multiple_of3A_153] : memref<4320xi32, #tpu.memory_space<vmem>> -> memref<96xi32, #tpu.memory_space<vmem>>
        %dma_wait3A_156 = arith.constant 0 : i32
        %dma_wait3A_157 = tpu.memref_slice %arg2[%dma_wait3A_156] : memref<16777216xf32, #tpu.memory_space<hbm>> -> memref<16777216xf32, #tpu.memory_space<hbm>>
        tpu.wait_indirect_dma semaphore(%arg12 : memref<!tpu.dma_semaphore, #tpu.memory_space<semaphore_mem>>) src(%dma_wait3A_157 : memref<16777216xf32, #tpu.memory_space<hbm>>) dst(%dma_wait3A_154 : memref<96xf32, #tpu.memory_space<vmem>>)
        %mul3A_158 = arith.constant 15 : i32
        %mul3A_159 = arith.muli %scan3A_70, %mul3A_158 : i32
        %add3A_160 = arith.constant 8 : i32
        %add3A_161 = arith.addi %mul3A_159, %add3A_160 : i32
        %mul3A_162 = arith.constant 96 : i32
        %mul3A_163 = arith.muli %add3A_161, %mul3A_162 : i32
        %multiple_of3A_164 = tpu.assume_multiple %mul3A_163, 8 : i32
        %dma_wait3A_165 = tpu.memref_slice %arg8[%multiple_of3A_164] : memref<4320xf32, #tpu.memory_space<vmem>> -> memref<96xf32, #tpu.memory_space<vmem>>
        %dma_wait3A_166 = tpu.memref_slice %arg6[%multiple_of3A_164] : memref<4320xi32, #tpu.memory_space<vmem>> -> memref<96xi32, #tpu.memory_space<vmem>>
        %dma_wait3A_167 = arith.constant 0 : i32
        %dma_wait3A_168 = tpu.memref_slice %arg2[%dma_wait3A_167] : memref<16777216xf32, #tpu.memory_space<hbm>> -> memref<16777216xf32, #tpu.memory_space<hbm>>
        tpu.wait_indirect_dma semaphore(%arg12 : memref<!tpu.dma_semaphore, #tpu.memory_space<semaphore_mem>>) src(%dma_wait3A_168 : memref<16777216xf32, #tpu.memory_space<hbm>>) dst(%dma_wait3A_165 : memref<96xf32, #tpu.memory_space<vmem>>)
        %mul3A_169 = arith.constant 15 : i32
        %mul3A_170 = arith.muli %scan3A_70, %mul3A_169 : i32
        %add3A_171 = arith.constant 9 : i32
        %add3A_172 = arith.addi %mul3A_170, %add3A_171 : i32
        %mul3A_173 = arith.constant 96 : i32
        %mul3A_174 = arith.muli %add3A_172, %mul3A_173 : i32
        %multiple_of3A_175 = tpu.assume_multiple %mul3A_174, 8 : i32
        %dma_wait3A_176 = tpu.memref_slice %arg8[%multiple_of3A_175] : memref<4320xf32, #tpu.memory_space<vmem>> -> memref<96xf32, #tpu.memory_space<vmem>>
        %dma_wait3A_177 = tpu.memref_slice %arg6[%multiple_of3A_175] : memref<4320xi32, #tpu.memory_space<vmem>> -> memref<96xi32, #tpu.memory_space<vmem>>
        %dma_wait3A_178 = arith.constant 0 : i32
        %dma_wait3A_179 = tpu.memref_slice %arg2[%dma_wait3A_178] : memref<16777216xf32, #tpu.memory_space<hbm>> -> memref<16777216xf32, #tpu.memory_space<hbm>>
        tpu.wait_indirect_dma semaphore(%arg12 : memref<!tpu.dma_semaphore, #tpu.memory_space<semaphore_mem>>) src(%dma_wait3A_179 : memref<16777216xf32, #tpu.memory_space<hbm>>) dst(%dma_wait3A_176 : memref<96xf32, #tpu.memory_space<vmem>>)
        %mul3A_180 = arith.constant 15 : i32
        %mul3A_181 = arith.muli %scan3A_70, %mul3A_180 : i32
        %add3A_182 = arith.constant 10 : i32
        %add3A_183 = arith.addi %mul3A_181, %add3A_182 : i32
        %mul3A_184 = arith.constant 96 : i32
        %mul3A_185 = arith.muli %add3A_183, %mul3A_184 : i32
        %multiple_of3A_186 = tpu.assume_multiple %mul3A_185, 8 : i32
        %dma_wait3A_187 = tpu.memref_slice %arg8[%multiple_of3A_186] : memref<4320xf32, #tpu.memory_space<vmem>> -> memref<96xf32, #tpu.memory_space<vmem>>
        %dma_wait3A_188 = tpu.memref_slice %arg6[%multiple_of3A_186] : memref<4320xi32, #tpu.memory_space<vmem>> -> memref<96xi32, #tpu.memory_space<vmem>>
        %dma_wait3A_189 = arith.constant 0 : i32
        %dma_wait3A_190 = tpu.memref_slice %arg2[%dma_wait3A_189] : memref<16777216xf32, #tpu.memory_space<hbm>> -> memref<16777216xf32, #tpu.memory_space<hbm>>
        tpu.wait_indirect_dma semaphore(%arg12 : memref<!tpu.dma_semaphore, #tpu.memory_space<semaphore_mem>>) src(%dma_wait3A_190 : memref<16777216xf32, #tpu.memory_space<hbm>>) dst(%dma_wait3A_187 : memref<96xf32, #tpu.memory_space<vmem>>)
        %mul3A_191 = arith.constant 15 : i32
        %mul3A_192 = arith.muli %scan3A_70, %mul3A_191 : i32
        %add3A_193 = arith.constant 11 : i32
        %add3A_194 = arith.addi %mul3A_192, %add3A_193 : i32
        %mul3A_195 = arith.constant 96 : i32
        %mul3A_196 = arith.muli %add3A_194, %mul3A_195 : i32
        %multiple_of3A_197 = tpu.assume_multiple %mul3A_196, 8 : i32
        %dma_wait3A_198 = tpu.memref_slice %arg8[%multiple_of3A_197] : memref<4320xf32, #tpu.memory_space<vmem>> -> memref<96xf32, #tpu.memory_space<vmem>>
        %dma_wait3A_199 = tpu.memref_slice %arg6[%multiple_of3A_197] : memref<4320xi32, #tpu.memory_space<vmem>> -> memref<96xi32, #tpu.memory_space<vmem>>
        %dma_wait3A_200 = arith.constant 0 : i32
        %dma_wait3A_201 = tpu.memref_slice %arg2[%dma_wait3A_200] : memref<16777216xf32, #tpu.memory_space<hbm>> -> memref<16777216xf32, #tpu.memory_space<hbm>>
        tpu.wait_indirect_dma semaphore(%arg12 : memref<!tpu.dma_semaphore, #tpu.memory_space<semaphore_mem>>) src(%dma_wait3A_201 : memref<16777216xf32, #tpu.memory_space<hbm>>) dst(%dma_wait3A_198 : memref<96xf32, #tpu.memory_space<vmem>>)
        %mul3A_202 = arith.constant 15 : i32
        %mul3A_203 = arith.muli %scan3A_70, %mul3A_202 : i32
        %add3A_204 = arith.constant 12 : i32
        %add3A_205 = arith.addi %mul3A_203, %add3A_204 : i32
        %mul3A_206 = arith.constant 96 : i32
        %mul3A_207 = arith.muli %add3A_205, %mul3A_206 : i32
        %multiple_of3A_208 = tpu.assume_multiple %mul3A_207, 8 : i32
        %dma_wait3A_209 = tpu.memref_slice %arg8[%multiple_of3A_208] : memref<4320xf32, #tpu.memory_space<vmem>> -> memref<96xf32, #tpu.memory_space<vmem>>
        %dma_wait3A_210 = tpu.memref_slice %arg6[%multiple_of3A_208] : memref<4320xi32, #tpu.memory_space<vmem>> -> memref<96xi32, #tpu.memory_space<vmem>>
        %dma_wait3A_211 = arith.constant 0 : i32
        %dma_wait3A_212 = tpu.memref_slice %arg2[%dma_wait3A_211] : memref<16777216xf32, #tpu.memory_space<hbm>> -> memref<16777216xf32, #tpu.memory_space<hbm>>
        tpu.wait_indirect_dma semaphore(%arg12 : memref<!tpu.dma_semaphore, #tpu.memory_space<semaphore_mem>>) src(%dma_wait3A_212 : memref<16777216xf32, #tpu.memory_space<hbm>>) dst(%dma_wait3A_209 : memref<96xf32, #tpu.memory_space<vmem>>)
        %mul3A_213 = arith.constant 15 : i32
        %mul3A_214 = arith.muli %scan3A_70, %mul3A_213 : i32
        %add3A_215 = arith.constant 13 : i32
        %add3A_216 = arith.addi %mul3A_214, %add3A_215 : i32
        %mul3A_217 = arith.constant 96 : i32
        %mul3A_218 = arith.muli %add3A_216, %mul3A_217 : i32
        %multiple_of3A_219 = tpu.assume_multiple %mul3A_218, 8 : i32
        %dma_wait3A_220 = tpu.memref_slice %arg8[%multiple_of3A_219] : memref<4320xf32, #tpu.memory_space<vmem>> -> memref<96xf32, #tpu.memory_space<vmem>>
        %dma_wait3A_221 = tpu.memref_slice %arg6[%multiple_of3A_219] : memref<4320xi32, #tpu.memory_space<vmem>> -> memref<96xi32, #tpu.memory_space<vmem>>
        %dma_wait3A_222 = arith.constant 0 : i32
        %dma_wait3A_223 = tpu.memref_slice %arg2[%dma_wait3A_222] : memref<16777216xf32, #tpu.memory_space<hbm>> -> memref<16777216xf32, #tpu.memory_space<hbm>>
        tpu.wait_indirect_dma semaphore(%arg12 : memref<!tpu.dma_semaphore, #tpu.memory_space<semaphore_mem>>) src(%dma_wait3A_223 : memref<16777216xf32, #tpu.memory_space<hbm>>) dst(%dma_wait3A_220 : memref<96xf32, #tpu.memory_space<vmem>>)
        %mul3A_224 = arith.constant 15 : i32
        %mul3A_225 = arith.muli %scan3A_70, %mul3A_224 : i32
        %add3A_226 = arith.constant 14 : i32
        %add3A_227 = arith.addi %mul3A_225, %add3A_226 : i32
        %mul3A_228 = arith.constant 96 : i32
        %mul3A_229 = arith.muli %add3A_227, %mul3A_228 : i32
        %multiple_of3A_230 = tpu.assume_multiple %mul3A_229, 8 : i32
        %dma_wait3A_231 = tpu.memref_slice %arg8[%multiple_of3A_230] : memref<4320xf32, #tpu.memory_space<vmem>> -> memref<96xf32, #tpu.memory_space<vmem>>
        %dma_wait3A_232 = tpu.memref_slice %arg6[%multiple_of3A_230] : memref<4320xi32, #tpu.memory_space<vmem>> -> memref<96xi32, #tpu.memory_space<vmem>>
        %dma_wait3A_233 = arith.constant 0 : i32
        %dma_wait3A_234 = tpu.memref_slice %arg2[%dma_wait3A_233] : memref<16777216xf32, #tpu.memory_space<hbm>> -> memref<16777216xf32, #tpu.memory_space<hbm>>
        tpu.wait_indirect_dma semaphore(%arg12 : memref<!tpu.dma_semaphore, #tpu.memory_space<semaphore_mem>>) src(%dma_wait3A_234 : memref<16777216xf32, #tpu.memory_space<hbm>>) dst(%dma_wait3A_231 : memref<96xf32, #tpu.memory_space<vmem>>)
      }
      %scan3A_37 = arith.constant 3 : i32
      %scan3A_38 = arith.constant 0 : i32
      %scan3A_39 = arith.constant 0 : i32
      %scan3A_40 = arith.constant 270 : i32
      %scan3A_41 = arith.addi %scan3A_39, %scan3A_40 : i32
      %scan3A_42 = arith.constant 1 : i32
      scf.for %scan3A_70 = %scan3A_39 to %scan3A_41 step %scan3A_42  : i32 {
        %mul3A_71 = arith.constant 16 : i32
        %mul3A_72 = arith.muli %scan3A_70, %mul3A_71 : i32
        %get3A = arith.index_cast %mul3A_72 : i32 to index
        %get3A_73 = tpu.vector_load %arg8[%get3A] {strides = array<i32>} : memref<4320xf32, #tpu.memory_space<vmem>>, vector<16xf32>,
        %get3A_74 = vector.shape_cast %get3A_73 : vector<16xf32> to vector<16xf32>
        %get3A_75 = arith.index_cast %mul3A_72 : i32 to index
        %get3A_76 = tpu.vector_load %arg10[%get3A_75] {strides = array<i32>} : memref<4320xf32, #tpu.memory_space<vmem>>, vector<16xf32>,
        %get3A_77 = vector.shape_cast %get3A_76 : vector<16xf32> to vector<16xf32>
        %mul3A_78 = arith.mulf %get3A_74, %get3A_77 : vector<16xf32>
        %swap3A = arith.index_cast %mul3A_72 : i32 to index
        %swap3A_79 = tpu.vector_load %arg8[%swap3A] {strides = array<i32>} : memref<4320xf32, #tpu.memory_space<vmem>>, vector<16xf32>,
        %swap3A_80 = vector.shape_cast %swap3A_79 : vector<16xf32> to vector<16xf32>
        %swap3A_81 = vector.shape_cast %mul3A_78 : vector<16xf32> to vector<16xf32>
        tpu.vector_store %arg8[%swap3A], %swap3A_81 {strides = array<i32>} : memref<4320xf32, #tpu.memory_space<vmem>>, vector<16xf32>,
      }
      %scan3A_43 = arith.constant 270 : i32
      %mul3A_44 = arith.constant 4320 : i32
      %mul3A_45 = arith.muli %mul3A_19, %mul3A_44 : i32
      %add3A_46 = arith.addi %multiple_of3A, %mul3A_45 : i32
      %multiple_of3A_47 = tpu.assume_multiple %add3A_46, 8 : i32
      "tpu.region"() ({
        %run_scoped3A = tpu.sem_alloc : memref<!tpu.dma_semaphore, #tpu.memory_space<semaphore_mem>>
        %dma_start3A = tpu.memref_slice %arg5[%multiple_of3A_47] : memref<1382400xf32, #tpu.memory_space<hbm>> -> memref<4320xf32, #tpu.memory_space<hbm>>
        %dma_start3A_70 = tpu.memref_slice %arg5[%multiple_of3A_47] : memref<1382400xf32, #tpu.memory_space<hbm>> -> memref<4320xf32, #tpu.memory_space<hbm>>
        tpu.enqueue_dma source(%arg8 : memref<4320xf32, #tpu.memory_space<vmem>>) target(%dma_start3A_70 : memref<4320xf32, #tpu.memory_space<hbm>>) target_semaphore(%run_scoped3A : memref<!tpu.dma_semaphore, #tpu.memory_space<semaphore_mem>>)
        %dma_wait3A = tpu.memref_slice %arg5[%multiple_of3A_47] : memref<1382400xf32, #tpu.memory_space<hbm>> -> memref<4320xf32, #tpu.memory_space<hbm>>
        %dma_wait3A_71 = tpu.memref_slice %arg5[%multiple_of3A_47] : memref<1382400xf32, #tpu.memory_space<hbm>> -> memref<4320xf32, #tpu.memory_space<hbm>>
        tpu.wait_dma2 semaphore(%run_scoped3A : memref<!tpu.dma_semaphore, #tpu.memory_space<semaphore_mem>>) src(%arg8 : memref<4320xf32, #tpu.memory_space<vmem>>) dst(%dma_wait3A_71 : memref<4320xf32, #tpu.memory_space<hbm>>)
        tpu.yield
      }) : () -> ()
      %add3A_48 = arith.constant 2 : i32
      %add3A_49 = arith.addi %mul3A_19, %add3A_48 : i32
      %lt3A = arith.constant 10 : i32
      %lt3A_50 = arith.cmpi slt, %add3A_49, %lt3A : i32
      %convert_element_type3A = arith.extui %lt3A_50 : i1 to i32
      %cond3A = arith.constant 0 : i32
      %cond3A_51 = arith.cmpi ne, %convert_element_type3A, %cond3A : i32
      scf.if %cond3A_51 {
        %add3A_70 = arith.constant 2 : i32
        %add3A_71 = arith.addi %mul3A_19, %add3A_70 : i32
        %mul3A_72 = arith.constant 4320 : i32
        %mul3A_73 = arith.muli %add3A_71, %mul3A_72 : i32
        %add3A_74 = arith.addi %multiple_of3A, %mul3A_73 : i32
        %multiple_of3A_75 = tpu.assume_multiple %add3A_74, 8 : i32
        "tpu.region"() ({
          %run_scoped3A = tpu.sem_alloc : memref<!tpu.dma_semaphore, #tpu.memory_space<semaphore_mem>>
          %dma_start3A = tpu.memref_slice %arg3[%multiple_of3A_75] : memref<1382400xi32, #tpu.memory_space<hbm>> -> memref<4320xi32, #tpu.memory_space<hbm>>
          %dma_start3A_82 = tpu.memref_slice %arg3[%multiple_of3A_75] : memref<1382400xi32, #tpu.memory_space<hbm>> -> memref<4320xi32, #tpu.memory_space<hbm>>
          tpu.enqueue_dma source(%dma_start3A_82 : memref<4320xi32, #tpu.memory_space<hbm>>) target(%arg6 : memref<4320xi32, #tpu.memory_space<vmem>>) target_semaphore(%run_scoped3A : memref<!tpu.dma_semaphore, #tpu.memory_space<semaphore_mem>>)
          %dma_wait3A = tpu.memref_slice %arg3[%multiple_of3A_75] : memref<1382400xi32, #tpu.memory_space<hbm>> -> memref<4320xi32, #tpu.memory_space<hbm>>
          %dma_wait3A_83 = tpu.memref_slice %arg3[%multiple_of3A_75] : memref<1382400xi32, #tpu.memory_space<hbm>> -> memref<4320xi32, #tpu.memory_space<hbm>>
          tpu.wait_dma2 semaphore(%run_scoped3A : memref<!tpu.dma_semaphore, #tpu.memory_space<semaphore_mem>>) src(%dma_wait3A_83 : memref<4320xi32, #tpu.memory_space<hbm>>) dst(%arg6 : memref<4320xi32, #tpu.memory_space<vmem>>)
          tpu.yield
        }) : () -> ()
        %scan3A_76 = arith.constant 0 : i32
        %scan3A_77 = arith.constant 0 : i32
        %scan3A_78 = arith.constant 3 : i32
        %scan3A_79 = arith.addi %scan3A_77, %scan3A_78 : i32
        %scan3A_80 = arith.constant 1 : i32
        scf.for %scan3A_82 = %scan3A_77 to %scan3A_79 step %scan3A_80  : i32 {
          %mul3A_83 = arith.constant 15 : i32
          %mul3A_84 = arith.muli %scan3A_82, %mul3A_83 : i32
          %add3A_85 = arith.constant 0 : i32
          %add3A_86 = arith.addi %mul3A_84, %add3A_85 : i32
          %mul3A_87 = arith.constant 96 : i32
          %mul3A_88 = arith.muli %add3A_86, %mul3A_87 : i32
          %multiple_of3A_89 = tpu.assume_multiple %mul3A_88, 8 : i32
          %dma_start3A = tpu.memref_slice %arg8[%multiple_of3A_89] : memref<4320xf32, #tpu.memory_space<vmem>> -> memref<96xf32, #tpu.memory_space<vmem>>
          %dma_start3A_90 = tpu.memref_slice %arg6[%multiple_of3A_89] : memref<4320xi32, #tpu.memory_space<vmem>> -> memref<96xi32, #tpu.memory_space<vmem>>
          %dma_start3A_91 = arith.constant 0 : i32
          %dma_start3A_92 = tpu.memref_slice %arg2[%dma_start3A_91] : memref<16777216xf32, #tpu.memory_space<hbm>> -> memref<16777216xf32, #tpu.memory_space<hbm>>
          tpu.enqueue_indirect_dma source(%dma_start3A_92 : memref<16777216xf32, #tpu.memory_space<hbm>>) target(%dma_start3A : memref<96xf32, #tpu.memory_space<vmem>>) offsets(%dma_start3A_90 : memref<96xi32, #tpu.memory_space<vmem>>) semaphore(%arg12 : memref<!tpu.dma_semaphore, #tpu.memory_space<semaphore_mem>>)
          %mul3A_93 = arith.constant 15 : i32
          %mul3A_94 = arith.muli %scan3A_82, %mul3A_93 : i32
          %add3A_95 = arith.constant 1 : i32
          %add3A_96 = arith.addi %mul3A_94, %add3A_95 : i32
          %mul3A_97 = arith.constant 96 : i32
          %mul3A_98 = arith.muli %add3A_96, %mul3A_97 : i32
          %multiple_of3A_99 = tpu.assume_multiple %mul3A_98, 8 : i32
          %dma_start3A_100 = tpu.memref_slice %arg8[%multiple_of3A_99] : memref<4320xf32, #tpu.memory_space<vmem>> -> memref<96xf32, #tpu.memory_space<vmem>>
          %dma_start3A_101 = tpu.memref_slice %arg6[%multiple_of3A_99] : memref<4320xi32, #tpu.memory_space<vmem>> -> memref<96xi32, #tpu.memory_space<vmem>>
          %dma_start3A_102 = arith.constant 0 : i32
          %dma_start3A_103 = tpu.memref_slice %arg2[%dma_start3A_102] : memref<16777216xf32, #tpu.memory_space<hbm>> -> memref<16777216xf32, #tpu.memory_space<hbm>>
          tpu.enqueue_indirect_dma source(%dma_start3A_103 : memref<16777216xf32, #tpu.memory_space<hbm>>) target(%dma_start3A_100 : memref<96xf32, #tpu.memory_space<vmem>>) offsets(%dma_start3A_101 : memref<96xi32, #tpu.memory_space<vmem>>) semaphore(%arg12 : memref<!tpu.dma_semaphore, #tpu.memory_space<semaphore_mem>>)
          %mul3A_104 = arith.constant 15 : i32
          %mul3A_105 = arith.muli %scan3A_82, %mul3A_104 : i32
          %add3A_106 = arith.constant 2 : i32
          %add3A_107 = arith.addi %mul3A_105, %add3A_106 : i32
          %mul3A_108 = arith.constant 96 : i32
          %mul3A_109 = arith.muli %add3A_107, %mul3A_108 : i32
          %multiple_of3A_110 = tpu.assume_multiple %mul3A_109, 8 : i32
          %dma_start3A_111 = tpu.memref_slice %arg8[%multiple_of3A_110] : memref<4320xf32, #tpu.memory_space<vmem>> -> memref<96xf32, #tpu.memory_space<vmem>>
          %dma_start3A_112 = tpu.memref_slice %arg6[%multiple_of3A_110] : memref<4320xi32, #tpu.memory_space<vmem>> -> memref<96xi32, #tpu.memory_space<vmem>>
          %dma_start3A_113 = arith.constant 0 : i32
          %dma_start3A_114 = tpu.memref_slice %arg2[%dma_start3A_113] : memref<16777216xf32, #tpu.memory_space<hbm>> -> memref<16777216xf32, #tpu.memory_space<hbm>>
          tpu.enqueue_indirect_dma source(%dma_start3A_114 : memref<16777216xf32, #tpu.memory_space<hbm>>) target(%dma_start3A_111 : memref<96xf32, #tpu.memory_space<vmem>>) offsets(%dma_start3A_112 : memref<96xi32, #tpu.memory_space<vmem>>) semaphore(%arg12 : memref<!tpu.dma_semaphore, #tpu.memory_space<semaphore_mem>>)
          %mul3A_115 = arith.constant 15 : i32
          %mul3A_116 = arith.muli %scan3A_82, %mul3A_115 : i32
          %add3A_117 = arith.constant 3 : i32
          %add3A_118 = arith.addi %mul3A_116, %add3A_117 : i32
          %mul3A_119 = arith.constant 96 : i32
          %mul3A_120 = arith.muli %add3A_118, %mul3A_119 : i32
          %multiple_of3A_121 = tpu.assume_multiple %mul3A_120, 8 : i32
          %dma_start3A_122 = tpu.memref_slice %arg8[%multiple_of3A_121] : memref<4320xf32, #tpu.memory_space<vmem>> -> memref<96xf32, #tpu.memory_space<vmem>>
          %dma_start3A_123 = tpu.memref_slice %arg6[%multiple_of3A_121] : memref<4320xi32, #tpu.memory_space<vmem>> -> memref<96xi32, #tpu.memory_space<vmem>>
          %dma_start3A_124 = arith.constant 0 : i32
          %dma_start3A_125 = tpu.memref_slice %arg2[%dma_start3A_124] : memref<16777216xf32, #tpu.memory_space<hbm>> -> memref<16777216xf32, #tpu.memory_space<hbm>>
          tpu.enqueue_indirect_dma source(%dma_start3A_125 : memref<16777216xf32, #tpu.memory_space<hbm>>) target(%dma_start3A_122 : memref<96xf32, #tpu.memory_space<vmem>>) offsets(%dma_start3A_123 : memref<96xi32, #tpu.memory_space<vmem>>) semaphore(%arg12 : memref<!tpu.dma_semaphore, #tpu.memory_space<semaphore_mem>>)
          %mul3A_126 = arith.constant 15 : i32
          %mul3A_127 = arith.muli %scan3A_82, %mul3A_126 : i32
          %add3A_128 = arith.constant 4 : i32
          %add3A_129 = arith.addi %mul3A_127, %add3A_128 : i32
          %mul3A_130 = arith.constant 96 : i32
          %mul3A_131 = arith.muli %add3A_129, %mul3A_130 : i32
          %multiple_of3A_132 = tpu.assume_multiple %mul3A_131, 8 : i32
          %dma_start3A_133 = tpu.memref_slice %arg8[%multiple_of3A_132] : memref<4320xf32, #tpu.memory_space<vmem>> -> memref<96xf32, #tpu.memory_space<vmem>>
          %dma_start3A_134 = tpu.memref_slice %arg6[%multiple_of3A_132] : memref<4320xi32, #tpu.memory_space<vmem>> -> memref<96xi32, #tpu.memory_space<vmem>>
          %dma_start3A_135 = arith.constant 0 : i32
          %dma_start3A_136 = tpu.memref_slice %arg2[%dma_start3A_135] : memref<16777216xf32, #tpu.memory_space<hbm>> -> memref<16777216xf32, #tpu.memory_space<hbm>>
          tpu.enqueue_indirect_dma source(%dma_start3A_136 : memref<16777216xf32, #tpu.memory_space<hbm>>) target(%dma_start3A_133 : memref<96xf32, #tpu.memory_space<vmem>>) offsets(%dma_start3A_134 : memref<96xi32, #tpu.memory_space<vmem>>) semaphore(%arg12 : memref<!tpu.dma_semaphore, #tpu.memory_space<semaphore_mem>>)
          %mul3A_137 = arith.constant 15 : i32
          %mul3A_138 = arith.muli %scan3A_82, %mul3A_137 : i32
          %add3A_139 = arith.constant 5 : i32
          %add3A_140 = arith.addi %mul3A_138, %add3A_139 : i32
          %mul3A_141 = arith.constant 96 : i32
          %mul3A_142 = arith.muli %add3A_140, %mul3A_141 : i32
          %multiple_of3A_143 = tpu.assume_multiple %mul3A_142, 8 : i32
          %dma_start3A_144 = tpu.memref_slice %arg8[%multiple_of3A_143] : memref<4320xf32, #tpu.memory_space<vmem>> -> memref<96xf32, #tpu.memory_space<vmem>>
          %dma_start3A_145 = tpu.memref_slice %arg6[%multiple_of3A_143] : memref<4320xi32, #tpu.memory_space<vmem>> -> memref<96xi32, #tpu.memory_space<vmem>>
          %dma_start3A_146 = arith.constant 0 : i32
          %dma_start3A_147 = tpu.memref_slice %arg2[%dma_start3A_146] : memref<16777216xf32, #tpu.memory_space<hbm>> -> memref<16777216xf32, #tpu.memory_space<hbm>>
          tpu.enqueue_indirect_dma source(%dma_start3A_147 : memref<16777216xf32, #tpu.memory_space<hbm>>) target(%dma_start3A_144 : memref<96xf32, #tpu.memory_space<vmem>>) offsets(%dma_start3A_145 : memref<96xi32, #tpu.memory_space<vmem>>) semaphore(%arg12 : memref<!tpu.dma_semaphore, #tpu.memory_space<semaphore_mem>>)
          %mul3A_148 = arith.constant 15 : i32
          %mul3A_149 = arith.muli %scan3A_82, %mul3A_148 : i32
          %add3A_150 = arith.constant 6 : i32
          %add3A_151 = arith.addi %mul3A_149, %add3A_150 : i32
          %mul3A_152 = arith.constant 96 : i32
          %mul3A_153 = arith.muli %add3A_151, %mul3A_152 : i32
          %multiple_of3A_154 = tpu.assume_multiple %mul3A_153, 8 : i32
          %dma_start3A_155 = tpu.memref_slice %arg8[%multiple_of3A_154] : memref<4320xf32, #tpu.memory_space<vmem>> -> memref<96xf32, #tpu.memory_space<vmem>>
          %dma_start3A_156 = tpu.memref_slice %arg6[%multiple_of3A_154] : memref<4320xi32, #tpu.memory_space<vmem>> -> memref<96xi32, #tpu.memory_space<vmem>>
          %dma_start3A_157 = arith.constant 0 : i32
          %dma_start3A_158 = tpu.memref_slice %arg2[%dma_start3A_157] : memref<16777216xf32, #tpu.memory_space<hbm>> -> memref<16777216xf32, #tpu.memory_space<hbm>>
          tpu.enqueue_indirect_dma source(%dma_start3A_158 : memref<16777216xf32, #tpu.memory_space<hbm>>) target(%dma_start3A_155 : memref<96xf32, #tpu.memory_space<vmem>>) offsets(%dma_start3A_156 : memref<96xi32, #tpu.memory_space<vmem>>) semaphore(%arg12 : memref<!tpu.dma_semaphore, #tpu.memory_space<semaphore_mem>>)
          %mul3A_159 = arith.constant 15 : i32
          %mul3A_160 = arith.muli %scan3A_82, %mul3A_159 : i32
          %add3A_161 = arith.constant 7 : i32
          %add3A_162 = arith.addi %mul3A_160, %add3A_161 : i32
          %mul3A_163 = arith.constant 96 : i32
          %mul3A_164 = arith.muli %add3A_162, %mul3A_163 : i32
          %multiple_of3A_165 = tpu.assume_multiple %mul3A_164, 8 : i32
          %dma_start3A_166 = tpu.memref_slice %arg8[%multiple_of3A_165] : memref<4320xf32, #tpu.memory_space<vmem>> -> memref<96xf32, #tpu.memory_space<vmem>>
          %dma_start3A_167 = tpu.memref_slice %arg6[%multiple_of3A_165] : memref<4320xi32, #tpu.memory_space<vmem>> -> memref<96xi32, #tpu.memory_space<vmem>>
          %dma_start3A_168 = arith.constant 0 : i32
          %dma_start3A_169 = tpu.memref_slice %arg2[%dma_start3A_168] : memref<16777216xf32, #tpu.memory_space<hbm>> -> memref<16777216xf32, #tpu.memory_space<hbm>>
          tpu.enqueue_indirect_dma source(%dma_start3A_169 : memref<16777216xf32, #tpu.memory_space<hbm>>) target(%dma_start3A_166 : memref<96xf32, #tpu.memory_space<vmem>>) offsets(%dma_start3A_167 : memref<96xi32, #tpu.memory_space<vmem>>) semaphore(%arg12 : memref<!tpu.dma_semaphore, #tpu.memory_space<semaphore_mem>>)
          %mul3A_170 = arith.constant 15 : i32
          %mul3A_171 = arith.muli %scan3A_82, %mul3A_170 : i32
          %add3A_172 = arith.constant 8 : i32
          %add3A_173 = arith.addi %mul3A_171, %add3A_172 : i32
          %mul3A_174 = arith.constant 96 : i32
          %mul3A_175 = arith.muli %add3A_173, %mul3A_174 : i32
          %multiple_of3A_176 = tpu.assume_multiple %mul3A_175, 8 : i32
          %dma_start3A_177 = tpu.memref_slice %arg8[%multiple_of3A_176] : memref<4320xf32, #tpu.memory_space<vmem>> -> memref<96xf32, #tpu.memory_space<vmem>>
          %dma_start3A_178 = tpu.memref_slice %arg6[%multiple_of3A_176] : memref<4320xi32, #tpu.memory_space<vmem>> -> memref<96xi32, #tpu.memory_space<vmem>>
          %dma_start3A_179 = arith.constant 0 : i32
          %dma_start3A_180 = tpu.memref_slice %arg2[%dma_start3A_179] : memref<16777216xf32, #tpu.memory_space<hbm>> -> memref<16777216xf32, #tpu.memory_space<hbm>>
          tpu.enqueue_indirect_dma source(%dma_start3A_180 : memref<16777216xf32, #tpu.memory_space<hbm>>) target(%dma_start3A_177 : memref<96xf32, #tpu.memory_space<vmem>>) offsets(%dma_start3A_178 : memref<96xi32, #tpu.memory_space<vmem>>) semaphore(%arg12 : memref<!tpu.dma_semaphore, #tpu.memory_space<semaphore_mem>>)
          %mul3A_181 = arith.constant 15 : i32
          %mul3A_182 = arith.muli %scan3A_82, %mul3A_181 : i32
          %add3A_183 = arith.constant 9 : i32
          %add3A_184 = arith.addi %mul3A_182, %add3A_183 : i32
          %mul3A_185 = arith.constant 96 : i32
          %mul3A_186 = arith.muli %add3A_184, %mul3A_185 : i32
          %multiple_of3A_187 = tpu.assume_multiple %mul3A_186, 8 : i32
          %dma_start3A_188 = tpu.memref_slice %arg8[%multiple_of3A_187] : memref<4320xf32, #tpu.memory_space<vmem>> -> memref<96xf32, #tpu.memory_space<vmem>>
          %dma_start3A_189 = tpu.memref_slice %arg6[%multiple_of3A_187] : memref<4320xi32, #tpu.memory_space<vmem>> -> memref<96xi32, #tpu.memory_space<vmem>>
          %dma_start3A_190 = arith.constant 0 : i32
          %dma_start3A_191 = tpu.memref_slice %arg2[%dma_start3A_190] : memref<16777216xf32, #tpu.memory_space<hbm>> -> memref<16777216xf32, #tpu.memory_space<hbm>>
          tpu.enqueue_indirect_dma source(%dma_start3A_191 : memref<16777216xf32, #tpu.memory_space<hbm>>) target(%dma_start3A_188 : memref<96xf32, #tpu.memory_space<vmem>>) offsets(%dma_start3A_189 : memref<96xi32, #tpu.memory_space<vmem>>) semaphore(%arg12 : memref<!tpu.dma_semaphore, #tpu.memory_space<semaphore_mem>>)
          %mul3A_192 = arith.constant 15 : i32
          %mul3A_193 = arith.muli %scan3A_82, %mul3A_192 : i32
          %add3A_194 = arith.constant 10 : i32
          %add3A_195 = arith.addi %mul3A_193, %add3A_194 : i32
          %mul3A_196 = arith.constant 96 : i32
          %mul3A_197 = arith.muli %add3A_195, %mul3A_196 : i32
          %multiple_of3A_198 = tpu.assume_multiple %mul3A_197, 8 : i32
          %dma_start3A_199 = tpu.memref_slice %arg8[%multiple_of3A_198] : memref<4320xf32, #tpu.memory_space<vmem>> -> memref<96xf32, #tpu.memory_space<vmem>>
          %dma_start3A_200 = tpu.memref_slice %arg6[%multiple_of3A_198] : memref<4320xi32, #tpu.memory_space<vmem>> -> memref<96xi32, #tpu.memory_space<vmem>>
          %dma_start3A_201 = arith.constant 0 : i32
          %dma_start3A_202 = tpu.memref_slice %arg2[%dma_start3A_201] : memref<16777216xf32, #tpu.memory_space<hbm>> -> memref<16777216xf32, #tpu.memory_space<hbm>>
          tpu.enqueue_indirect_dma source(%dma_start3A_202 : memref<16777216xf32, #tpu.memory_space<hbm>>) target(%dma_start3A_199 : memref<96xf32, #tpu.memory_space<vmem>>) offsets(%dma_start3A_200 : memref<96xi32, #tpu.memory_space<vmem>>) semaphore(%arg12 : memref<!tpu.dma_semaphore, #tpu.memory_space<semaphore_mem>>)
          %mul3A_203 = arith.constant 15 : i32
          %mul3A_204 = arith.muli %scan3A_82, %mul3A_203 : i32
          %add3A_205 = arith.constant 11 : i32
          %add3A_206 = arith.addi %mul3A_204, %add3A_205 : i32
          %mul3A_207 = arith.constant 96 : i32
          %mul3A_208 = arith.muli %add3A_206, %mul3A_207 : i32
          %multiple_of3A_209 = tpu.assume_multiple %mul3A_208, 8 : i32
          %dma_start3A_210 = tpu.memref_slice %arg8[%multiple_of3A_209] : memref<4320xf32, #tpu.memory_space<vmem>> -> memref<96xf32, #tpu.memory_space<vmem>>
          %dma_start3A_211 = tpu.memref_slice %arg6[%multiple_of3A_209] : memref<4320xi32, #tpu.memory_space<vmem>> -> memref<96xi32, #tpu.memory_space<vmem>>
          %dma_start3A_212 = arith.constant 0 : i32
          %dma_start3A_213 = tpu.memref_slice %arg2[%dma_start3A_212] : memref<16777216xf32, #tpu.memory_space<hbm>> -> memref<16777216xf32, #tpu.memory_space<hbm>>
          tpu.enqueue_indirect_dma source(%dma_start3A_213 : memref<16777216xf32, #tpu.memory_space<hbm>>) target(%dma_start3A_210 : memref<96xf32, #tpu.memory_space<vmem>>) offsets(%dma_start3A_211 : memref<96xi32, #tpu.memory_space<vmem>>) semaphore(%arg12 : memref<!tpu.dma_semaphore, #tpu.memory_space<semaphore_mem>>)
          %mul3A_214 = arith.constant 15 : i32
          %mul3A_215 = arith.muli %scan3A_82, %mul3A_214 : i32
          %add3A_216 = arith.constant 12 : i32
          %add3A_217 = arith.addi %mul3A_215, %add3A_216 : i32
          %mul3A_218 = arith.constant 96 : i32
          %mul3A_219 = arith.muli %add3A_217, %mul3A_218 : i32
          %multiple_of3A_220 = tpu.assume_multiple %mul3A_219, 8 : i32
          %dma_start3A_221 = tpu.memref_slice %arg8[%multiple_of3A_220] : memref<4320xf32, #tpu.memory_space<vmem>> -> memref<96xf32, #tpu.memory_space<vmem>>
          %dma_start3A_222 = tpu.memref_slice %arg6[%multiple_of3A_220] : memref<4320xi32, #tpu.memory_space<vmem>> -> memref<96xi32, #tpu.memory_space<vmem>>
          %dma_start3A_223 = arith.constant 0 : i32
          %dma_start3A_224 = tpu.memref_slice %arg2[%dma_start3A_223] : memref<16777216xf32, #tpu.memory_space<hbm>> -> memref<16777216xf32, #tpu.memory_space<hbm>>
          tpu.enqueue_indirect_dma source(%dma_start3A_224 : memref<16777216xf32, #tpu.memory_space<hbm>>) target(%dma_start3A_221 : memref<96xf32, #tpu.memory_space<vmem>>) offsets(%dma_start3A_222 : memref<96xi32, #tpu.memory_space<vmem>>) semaphore(%arg12 : memref<!tpu.dma_semaphore, #tpu.memory_space<semaphore_mem>>)
          %mul3A_225 = arith.constant 15 : i32
          %mul3A_226 = arith.muli %scan3A_82, %mul3A_225 : i32
          %add3A_227 = arith.constant 13 : i32
          %add3A_228 = arith.addi %mul3A_226, %add3A_227 : i32
          %mul3A_229 = arith.constant 96 : i32
          %mul3A_230 = arith.muli %add3A_228, %mul3A_229 : i32
          %multiple_of3A_231 = tpu.assume_multiple %mul3A_230, 8 : i32
          %dma_start3A_232 = tpu.memref_slice %arg8[%multiple_of3A_231] : memref<4320xf32, #tpu.memory_space<vmem>> -> memref<96xf32, #tpu.memory_space<vmem>>
          %dma_start3A_233 = tpu.memref_slice %arg6[%multiple_of3A_231] : memref<4320xi32, #tpu.memory_space<vmem>> -> memref<96xi32, #tpu.memory_space<vmem>>
          %dma_start3A_234 = arith.constant 0 : i32
          %dma_start3A_235 = tpu.memref_slice %arg2[%dma_start3A_234] : memref<16777216xf32, #tpu.memory_space<hbm>> -> memref<16777216xf32, #tpu.memory_space<hbm>>
          tpu.enqueue_indirect_dma source(%dma_start3A_235 : memref<16777216xf32, #tpu.memory_space<hbm>>) target(%dma_start3A_232 : memref<96xf32, #tpu.memory_space<vmem>>) offsets(%dma_start3A_233 : memref<96xi32, #tpu.memory_space<vmem>>) semaphore(%arg12 : memref<!tpu.dma_semaphore, #tpu.memory_space<semaphore_mem>>)
          %mul3A_236 = arith.constant 15 : i32
          %mul3A_237 = arith.muli %scan3A_82, %mul3A_236 : i32
          %add3A_238 = arith.constant 14 : i32
          %add3A_239 = arith.addi %mul3A_237, %add3A_238 : i32
          %mul3A_240 = arith.constant 96 : i32
          %mul3A_241 = arith.muli %add3A_239, %mul3A_240 : i32
          %multiple_of3A_242 = tpu.assume_multiple %mul3A_241, 8 : i32
          %dma_start3A_243 = tpu.memref_slice %arg8[%multiple_of3A_242] : memref<4320xf32, #tpu.memory_space<vmem>> -> memref<96xf32, #tpu.memory_space<vmem>>
          %dma_start3A_244 = tpu.memref_slice %arg6[%multiple_of3A_242] : memref<4320xi32, #tpu.memory_space<vmem>> -> memref<96xi32, #tpu.memory_space<vmem>>
          %dma_start3A_245 = arith.constant 0 : i32
          %dma_start3A_246 = tpu.memref_slice %arg2[%dma_start3A_245] : memref<16777216xf32, #tpu.memory_space<hbm>> -> memref<16777216xf32, #tpu.memory_space<hbm>>
          tpu.enqueue_indirect_dma source(%dma_start3A_246 : memref<16777216xf32, #tpu.memory_space<hbm>>) target(%dma_start3A_243 : memref<96xf32, #tpu.memory_space<vmem>>) offsets(%dma_start3A_244 : memref<96xi32, #tpu.memory_space<vmem>>) semaphore(%arg12 : memref<!tpu.dma_semaphore, #tpu.memory_space<semaphore_mem>>)
        }
        %scan3A_81 = arith.constant 3 : i32
        "tpu.region"() ({
          %run_scoped3A = tpu.sem_alloc : memref<!tpu.dma_semaphore, #tpu.memory_space<semaphore_mem>>
          %dma_start3A = tpu.memref_slice %arg4[%multiple_of3A_75] : memref<1382400xf32, #tpu.memory_space<hbm>> -> memref<4320xf32, #tpu.memory_space<hbm>>
          %dma_start3A_82 = tpu.memref_slice %arg4[%multiple_of3A_75] : memref<1382400xf32, #tpu.memory_space<hbm>> -> memref<4320xf32, #tpu.memory_space<hbm>>
          tpu.enqueue_dma source(%dma_start3A_82 : memref<4320xf32, #tpu.memory_space<hbm>>) target(%arg10 : memref<4320xf32, #tpu.memory_space<vmem>>) target_semaphore(%run_scoped3A : memref<!tpu.dma_semaphore, #tpu.memory_space<semaphore_mem>>)
          %dma_wait3A = tpu.memref_slice %arg4[%multiple_of3A_75] : memref<1382400xf32, #tpu.memory_space<hbm>> -> memref<4320xf32, #tpu.memory_space<hbm>>
          %dma_wait3A_83 = tpu.memref_slice %arg4[%multiple_of3A_75] : memref<1382400xf32, #tpu.memory_space<hbm>> -> memref<4320xf32, #tpu.memory_space<hbm>>
          tpu.wait_dma2 semaphore(%run_scoped3A : memref<!tpu.dma_semaphore, #tpu.memory_space<semaphore_mem>>) src(%dma_wait3A_83 : memref<4320xf32, #tpu.memory_space<hbm>>) dst(%arg10 : memref<4320xf32, #tpu.memory_space<vmem>>)
          tpu.yield
        }) : () -> ()
      } else {
      }
      %add3A_52 = arith.constant 1 : i32
      %add3A_53 = arith.addi %mul3A_19, %add3A_52 : i32
      %scan3A_54 = arith.constant 0 : i32
      %scan3A_55 = arith.constant 0 : i32
      %scan3A_56 = arith.constant 3 : i32
      %scan3A_57 = arith.addi %scan3A_55, %scan3A_56 : i32
      %scan3A_58 = arith.constant 1 : i32
      scf.for %scan3A_70 = %scan3A_55 to %scan3A_57 step %scan3A_58  : i32 {
        %mul3A_71 = arith.constant 15 : i32
        %mul3A_72 = arith.muli %scan3A_70, %mul3A_71 : i32
        %add3A_73 = arith.constant 0 : i32
        %add3A_74 = arith.addi %mul3A_72, %add3A_73 : i32
        %mul3A_75 = arith.constant 96 : i32
        %mul3A_76 = arith.muli %add3A_74, %mul3A_75 : i32
        %multiple_of3A_77 = tpu.assume_multiple %mul3A_76, 8 : i32
        %dma_wait3A = tpu.memref_slice %arg9[%multiple_of3A_77] : memref<4320xf32, #tpu.memory_space<vmem>> -> memref<96xf32, #tpu.memory_space<vmem>>
        %dma_wait3A_78 = tpu.memref_slice %arg7[%multiple_of3A_77] : memref<4320xi32, #tpu.memory_space<vmem>> -> memref<96xi32, #tpu.memory_space<vmem>>
        %dma_wait3A_79 = arith.constant 0 : i32
        %dma_wait3A_80 = tpu.memref_slice %arg2[%dma_wait3A_79] : memref<16777216xf32, #tpu.memory_space<hbm>> -> memref<16777216xf32, #tpu.memory_space<hbm>>
        tpu.wait_indirect_dma semaphore(%arg13 : memref<!tpu.dma_semaphore, #tpu.memory_space<semaphore_mem>>) src(%dma_wait3A_80 : memref<16777216xf32, #tpu.memory_space<hbm>>) dst(%dma_wait3A : memref<96xf32, #tpu.memory_space<vmem>>)
        %mul3A_81 = arith.constant 15 : i32
        %mul3A_82 = arith.muli %scan3A_70, %mul3A_81 : i32
        %add3A_83 = arith.constant 1 : i32
        %add3A_84 = arith.addi %mul3A_82, %add3A_83 : i32
        %mul3A_85 = arith.constant 96 : i32
        %mul3A_86 = arith.muli %add3A_84, %mul3A_85 : i32
        %multiple_of3A_87 = tpu.assume_multiple %mul3A_86, 8 : i32
        %dma_wait3A_88 = tpu.memref_slice %arg9[%multiple_of3A_87] : memref<4320xf32, #tpu.memory_space<vmem>> -> memref<96xf32, #tpu.memory_space<vmem>>
        %dma_wait3A_89 = tpu.memref_slice %arg7[%multiple_of3A_87] : memref<4320xi32, #tpu.memory_space<vmem>> -> memref<96xi32, #tpu.memory_space<vmem>>
        %dma_wait3A_90 = arith.constant 0 : i32
        %dma_wait3A_91 = tpu.memref_slice %arg2[%dma_wait3A_90] : memref<16777216xf32, #tpu.memory_space<hbm>> -> memref<16777216xf32, #tpu.memory_space<hbm>>
        tpu.wait_indirect_dma semaphore(%arg13 : memref<!tpu.dma_semaphore, #tpu.memory_space<semaphore_mem>>) src(%dma_wait3A_91 : memref<16777216xf32, #tpu.memory_space<hbm>>) dst(%dma_wait3A_88 : memref<96xf32, #tpu.memory_space<vmem>>)
        %mul3A_92 = arith.constant 15 : i32
        %mul3A_93 = arith.muli %scan3A_70, %mul3A_92 : i32
        %add3A_94 = arith.constant 2 : i32
        %add3A_95 = arith.addi %mul3A_93, %add3A_94 : i32
        %mul3A_96 = arith.constant 96 : i32
        %mul3A_97 = arith.muli %add3A_95, %mul3A_96 : i32
        %multiple_of3A_98 = tpu.assume_multiple %mul3A_97, 8 : i32
        %dma_wait3A_99 = tpu.memref_slice %arg9[%multiple_of3A_98] : memref<4320xf32, #tpu.memory_space<vmem>> -> memref<96xf32, #tpu.memory_space<vmem>>
        %dma_wait3A_100 = tpu.memref_slice %arg7[%multiple_of3A_98] : memref<4320xi32, #tpu.memory_space<vmem>> -> memref<96xi32, #tpu.memory_space<vmem>>
        %dma_wait3A_101 = arith.constant 0 : i32
        %dma_wait3A_102 = tpu.memref_slice %arg2[%dma_wait3A_101] : memref<16777216xf32, #tpu.memory_space<hbm>> -> memref<16777216xf32, #tpu.memory_space<hbm>>
        tpu.wait_indirect_dma semaphore(%arg13 : memref<!tpu.dma_semaphore, #tpu.memory_space<semaphore_mem>>) src(%dma_wait3A_102 : memref<16777216xf32, #tpu.memory_space<hbm>>) dst(%dma_wait3A_99 : memref<96xf32, #tpu.memory_space<vmem>>)
        %mul3A_103 = arith.constant 15 : i32
        %mul3A_104 = arith.muli %scan3A_70, %mul3A_103 : i32
        %add3A_105 = arith.constant 3 : i32
        %add3A_106 = arith.addi %mul3A_104, %add3A_105 : i32
        %mul3A_107 = arith.constant 96 : i32
        %mul3A_108 = arith.muli %add3A_106, %mul3A_107 : i32
        %multiple_of3A_109 = tpu.assume_multiple %mul3A_108, 8 : i32
        %dma_wait3A_110 = tpu.memref_slice %arg9[%multiple_of3A_109] : memref<4320xf32, #tpu.memory_space<vmem>> -> memref<96xf32, #tpu.memory_space<vmem>>
        %dma_wait3A_111 = tpu.memref_slice %arg7[%multiple_of3A_109] : memref<4320xi32, #tpu.memory_space<vmem>> -> memref<96xi32, #tpu.memory_space<vmem>>
        %dma_wait3A_112 = arith.constant 0 : i32
        %dma_wait3A_113 = tpu.memref_slice %arg2[%dma_wait3A_112] : memref<16777216xf32, #tpu.memory_space<hbm>> -> memref<16777216xf32, #tpu.memory_space<hbm>>
        tpu.wait_indirect_dma semaphore(%arg13 : memref<!tpu.dma_semaphore, #tpu.memory_space<semaphore_mem>>) src(%dma_wait3A_113 : memref<16777216xf32, #tpu.memory_space<hbm>>) dst(%dma_wait3A_110 : memref<96xf32, #tpu.memory_space<vmem>>)
        %mul3A_114 = arith.constant 15 : i32
        %mul3A_115 = arith.muli %scan3A_70, %mul3A_114 : i32
        %add3A_116 = arith.constant 4 : i32
        %add3A_117 = arith.addi %mul3A_115, %add3A_116 : i32
        %mul3A_118 = arith.constant 96 : i32
        %mul3A_119 = arith.muli %add3A_117, %mul3A_118 : i32
        %multiple_of3A_120 = tpu.assume_multiple %mul3A_119, 8 : i32
        %dma_wait3A_121 = tpu.memref_slice %arg9[%multiple_of3A_120] : memref<4320xf32, #tpu.memory_space<vmem>> -> memref<96xf32, #tpu.memory_space<vmem>>
        %dma_wait3A_122 = tpu.memref_slice %arg7[%multiple_of3A_120] : memref<4320xi32, #tpu.memory_space<vmem>> -> memref<96xi32, #tpu.memory_space<vmem>>
        %dma_wait3A_123 = arith.constant 0 : i32
        %dma_wait3A_124 = tpu.memref_slice %arg2[%dma_wait3A_123] : memref<16777216xf32, #tpu.memory_space<hbm>> -> memref<16777216xf32, #tpu.memory_space<hbm>>
        tpu.wait_indirect_dma semaphore(%arg13 : memref<!tpu.dma_semaphore, #tpu.memory_space<semaphore_mem>>) src(%dma_wait3A_124 : memref<16777216xf32, #tpu.memory_space<hbm>>) dst(%dma_wait3A_121 : memref<96xf32, #tpu.memory_space<vmem>>)
        %mul3A_125 = arith.constant 15 : i32
        %mul3A_126 = arith.muli %scan3A_70, %mul3A_125 : i32
        %add3A_127 = arith.constant 5 : i32
        %add3A_128 = arith.addi %mul3A_126, %add3A_127 : i32
        %mul3A_129 = arith.constant 96 : i32
        %mul3A_130 = arith.muli %add3A_128, %mul3A_129 : i32
        %multiple_of3A_131 = tpu.assume_multiple %mul3A_130, 8 : i32
        %dma_wait3A_132 = tpu.memref_slice %arg9[%multiple_of3A_131] : memref<4320xf32, #tpu.memory_space<vmem>> -> memref<96xf32, #tpu.memory_space<vmem>>
        %dma_wait3A_133 = tpu.memref_slice %arg7[%multiple_of3A_131] : memref<4320xi32, #tpu.memory_space<vmem>> -> memref<96xi32, #tpu.memory_space<vmem>>
        %dma_wait3A_134 = arith.constant 0 : i32
        %dma_wait3A_135 = tpu.memref_slice %arg2[%dma_wait3A_134] : memref<16777216xf32, #tpu.memory_space<hbm>> -> memref<16777216xf32, #tpu.memory_space<hbm>>
        tpu.wait_indirect_dma semaphore(%arg13 : memref<!tpu.dma_semaphore, #tpu.memory_space<semaphore_mem>>) src(%dma_wait3A_135 : memref<16777216xf32, #tpu.memory_space<hbm>>) dst(%dma_wait3A_132 : memref<96xf32, #tpu.memory_space<vmem>>)
        %mul3A_136 = arith.constant 15 : i32
        %mul3A_137 = arith.muli %scan3A_70, %mul3A_136 : i32
        %add3A_138 = arith.constant 6 : i32
        %add3A_139 = arith.addi %mul3A_137, %add3A_138 : i32
        %mul3A_140 = arith.constant 96 : i32
        %mul3A_141 = arith.muli %add3A_139, %mul3A_140 : i32
        %multiple_of3A_142 = tpu.assume_multiple %mul3A_141, 8 : i32
        %dma_wait3A_143 = tpu.memref_slice %arg9[%multiple_of3A_142] : memref<4320xf32, #tpu.memory_space<vmem>> -> memref<96xf32, #tpu.memory_space<vmem>>
        %dma_wait3A_144 = tpu.memref_slice %arg7[%multiple_of3A_142] : memref<4320xi32, #tpu.memory_space<vmem>> -> memref<96xi32, #tpu.memory_space<vmem>>
        %dma_wait3A_145 = arith.constant 0 : i32
        %dma_wait3A_146 = tpu.memref_slice %arg2[%dma_wait3A_145] : memref<16777216xf32, #tpu.memory_space<hbm>> -> memref<16777216xf32, #tpu.memory_space<hbm>>
        tpu.wait_indirect_dma semaphore(%arg13 : memref<!tpu.dma_semaphore, #tpu.memory_space<semaphore_mem>>) src(%dma_wait3A_146 : memref<16777216xf32, #tpu.memory_space<hbm>>) dst(%dma_wait3A_143 : memref<96xf32, #tpu.memory_space<vmem>>)
        %mul3A_147 = arith.constant 15 : i32
        %mul3A_148 = arith.muli %scan3A_70, %mul3A_147 : i32
        %add3A_149 = arith.constant 7 : i32
        %add3A_150 = arith.addi %mul3A_148, %add3A_149 : i32
        %mul3A_151 = arith.constant 96 : i32
        %mul3A_152 = arith.muli %add3A_150, %mul3A_151 : i32
        %multiple_of3A_153 = tpu.assume_multiple %mul3A_152, 8 : i32
        %dma_wait3A_154 = tpu.memref_slice %arg9[%multiple_of3A_153] : memref<4320xf32, #tpu.memory_space<vmem>> -> memref<96xf32, #tpu.memory_space<vmem>>
        %dma_wait3A_155 = tpu.memref_slice %arg7[%multiple_of3A_153] : memref<4320xi32, #tpu.memory_space<vmem>> -> memref<96xi32, #tpu.memory_space<vmem>>
        %dma_wait3A_156 = arith.constant 0 : i32
        %dma_wait3A_157 = tpu.memref_slice %arg2[%dma_wait3A_156] : memref<16777216xf32, #tpu.memory_space<hbm>> -> memref<16777216xf32, #tpu.memory_space<hbm>>
        tpu.wait_indirect_dma semaphore(%arg13 : memref<!tpu.dma_semaphore, #tpu.memory_space<semaphore_mem>>) src(%dma_wait3A_157 : memref<16777216xf32, #tpu.memory_space<hbm>>) dst(%dma_wait3A_154 : memref<96xf32, #tpu.memory_space<vmem>>)
        %mul3A_158 = arith.constant 15 : i32
        %mul3A_159 = arith.muli %scan3A_70, %mul3A_158 : i32
        %add3A_160 = arith.constant 8 : i32
        %add3A_161 = arith.addi %mul3A_159, %add3A_160 : i32
        %mul3A_162 = arith.constant 96 : i32
        %mul3A_163 = arith.muli %add3A_161, %mul3A_162 : i32
        %multiple_of3A_164 = tpu.assume_multiple %mul3A_163, 8 : i32
        %dma_wait3A_165 = tpu.memref_slice %arg9[%multiple_of3A_164] : memref<4320xf32, #tpu.memory_space<vmem>> -> memref<96xf32, #tpu.memory_space<vmem>>
        %dma_wait3A_166 = tpu.memref_slice %arg7[%multiple_of3A_164] : memref<4320xi32, #tpu.memory_space<vmem>> -> memref<96xi32, #tpu.memory_space<vmem>>
        %dma_wait3A_167 = arith.constant 0 : i32
        %dma_wait3A_168 = tpu.memref_slice %arg2[%dma_wait3A_167] : memref<16777216xf32, #tpu.memory_space<hbm>> -> memref<16777216xf32, #tpu.memory_space<hbm>>
        tpu.wait_indirect_dma semaphore(%arg13 : memref<!tpu.dma_semaphore, #tpu.memory_space<semaphore_mem>>) src(%dma_wait3A_168 : memref<16777216xf32, #tpu.memory_space<hbm>>) dst(%dma_wait3A_165 : memref<96xf32, #tpu.memory_space<vmem>>)
        %mul3A_169 = arith.constant 15 : i32
        %mul3A_170 = arith.muli %scan3A_70, %mul3A_169 : i32
        %add3A_171 = arith.constant 9 : i32
        %add3A_172 = arith.addi %mul3A_170, %add3A_171 : i32
        %mul3A_173 = arith.constant 96 : i32
        %mul3A_174 = arith.muli %add3A_172, %mul3A_173 : i32
        %multiple_of3A_175 = tpu.assume_multiple %mul3A_174, 8 : i32
        %dma_wait3A_176 = tpu.memref_slice %arg9[%multiple_of3A_175] : memref<4320xf32, #tpu.memory_space<vmem>> -> memref<96xf32, #tpu.memory_space<vmem>>
        %dma_wait3A_177 = tpu.memref_slice %arg7[%multiple_of3A_175] : memref<4320xi32, #tpu.memory_space<vmem>> -> memref<96xi32, #tpu.memory_space<vmem>>
        %dma_wait3A_178 = arith.constant 0 : i32
        %dma_wait3A_179 = tpu.memref_slice %arg2[%dma_wait3A_178] : memref<16777216xf32, #tpu.memory_space<hbm>> -> memref<16777216xf32, #tpu.memory_space<hbm>>
        tpu.wait_indirect_dma semaphore(%arg13 : memref<!tpu.dma_semaphore, #tpu.memory_space<semaphore_mem>>) src(%dma_wait3A_179 : memref<16777216xf32, #tpu.memory_space<hbm>>) dst(%dma_wait3A_176 : memref<96xf32, #tpu.memory_space<vmem>>)
        %mul3A_180 = arith.constant 15 : i32
        %mul3A_181 = arith.muli %scan3A_70, %mul3A_180 : i32
        %add3A_182 = arith.constant 10 : i32
        %add3A_183 = arith.addi %mul3A_181, %add3A_182 : i32
        %mul3A_184 = arith.constant 96 : i32
        %mul3A_185 = arith.muli %add3A_183, %mul3A_184 : i32
        %multiple_of3A_186 = tpu.assume_multiple %mul3A_185, 8 : i32
        %dma_wait3A_187 = tpu.memref_slice %arg9[%multiple_of3A_186] : memref<4320xf32, #tpu.memory_space<vmem>> -> memref<96xf32, #tpu.memory_space<vmem>>
        %dma_wait3A_188 = tpu.memref_slice %arg7[%multiple_of3A_186] : memref<4320xi32, #tpu.memory_space<vmem>> -> memref<96xi32, #tpu.memory_space<vmem>>
        %dma_wait3A_189 = arith.constant 0 : i32
        %dma_wait3A_190 = tpu.memref_slice %arg2[%dma_wait3A_189] : memref<16777216xf32, #tpu.memory_space<hbm>> -> memref<16777216xf32, #tpu.memory_space<hbm>>
        tpu.wait_indirect_dma semaphore(%arg13 : memref<!tpu.dma_semaphore, #tpu.memory_space<semaphore_mem>>) src(%dma_wait3A_190 : memref<16777216xf32, #tpu.memory_space<hbm>>) dst(%dma_wait3A_187 : memref<96xf32, #tpu.memory_space<vmem>>)
        %mul3A_191 = arith.constant 15 : i32
        %mul3A_192 = arith.muli %scan3A_70, %mul3A_191 : i32
        %add3A_193 = arith.constant 11 : i32
        %add3A_194 = arith.addi %mul3A_192, %add3A_193 : i32
        %mul3A_195 = arith.constant 96 : i32
        %mul3A_196 = arith.muli %add3A_194, %mul3A_195 : i32
        %multiple_of3A_197 = tpu.assume_multiple %mul3A_196, 8 : i32
        %dma_wait3A_198 = tpu.memref_slice %arg9[%multiple_of3A_197] : memref<4320xf32, #tpu.memory_space<vmem>> -> memref<96xf32, #tpu.memory_space<vmem>>
        %dma_wait3A_199 = tpu.memref_slice %arg7[%multiple_of3A_197] : memref<4320xi32, #tpu.memory_space<vmem>> -> memref<96xi32, #tpu.memory_space<vmem>>
        %dma_wait3A_200 = arith.constant 0 : i32
        %dma_wait3A_201 = tpu.memref_slice %arg2[%dma_wait3A_200] : memref<16777216xf32, #tpu.memory_space<hbm>> -> memref<16777216xf32, #tpu.memory_space<hbm>>
        tpu.wait_indirect_dma semaphore(%arg13 : memref<!tpu.dma_semaphore, #tpu.memory_space<semaphore_mem>>) src(%dma_wait3A_201 : memref<16777216xf32, #tpu.memory_space<hbm>>) dst(%dma_wait3A_198 : memref<96xf32, #tpu.memory_space<vmem>>)
        %mul3A_202 = arith.constant 15 : i32
        %mul3A_203 = arith.muli %scan3A_70, %mul3A_202 : i32
        %add3A_204 = arith.constant 12 : i32
        %add3A_205 = arith.addi %mul3A_203, %add3A_204 : i32
        %mul3A_206 = arith.constant 96 : i32
        %mul3A_207 = arith.muli %add3A_205, %mul3A_206 : i32
        %multiple_of3A_208 = tpu.assume_multiple %mul3A_207, 8 : i32
        %dma_wait3A_209 = tpu.memref_slice %arg9[%multiple_of3A_208] : memref<4320xf32, #tpu.memory_space<vmem>> -> memref<96xf32, #tpu.memory_space<vmem>>
        %dma_wait3A_210 = tpu.memref_slice %arg7[%multiple_of3A_208] : memref<4320xi32, #tpu.memory_space<vmem>> -> memref<96xi32, #tpu.memory_space<vmem>>
        %dma_wait3A_211 = arith.constant 0 : i32
        %dma_wait3A_212 = tpu.memref_slice %arg2[%dma_wait3A_211] : memref<16777216xf32, #tpu.memory_space<hbm>> -> memref<16777216xf32, #tpu.memory_space<hbm>>
        tpu.wait_indirect_dma semaphore(%arg13 : memref<!tpu.dma_semaphore, #tpu.memory_space<semaphore_mem>>) src(%dma_wait3A_212 : memref<16777216xf32, #tpu.memory_space<hbm>>) dst(%dma_wait3A_209 : memref<96xf32, #tpu.memory_space<vmem>>)
        %mul3A_213 = arith.constant 15 : i32
        %mul3A_214 = arith.muli %scan3A_70, %mul3A_213 : i32
        %add3A_215 = arith.constant 13 : i32
        %add3A_216 = arith.addi %mul3A_214, %add3A_215 : i32
        %mul3A_217 = arith.constant 96 : i32
        %mul3A_218 = arith.muli %add3A_216, %mul3A_217 : i32
        %multiple_of3A_219 = tpu.assume_multiple %mul3A_218, 8 : i32
        %dma_wait3A_220 = tpu.memref_slice %arg9[%multiple_of3A_219] : memref<4320xf32, #tpu.memory_space<vmem>> -> memref<96xf32, #tpu.memory_space<vmem>>
        %dma_wait3A_221 = tpu.memref_slice %arg7[%multiple_of3A_219] : memref<4320xi32, #tpu.memory_space<vmem>> -> memref<96xi32, #tpu.memory_space<vmem>>
        %dma_wait3A_222 = arith.constant 0 : i32
        %dma_wait3A_223 = tpu.memref_slice %arg2[%dma_wait3A_222] : memref<16777216xf32, #tpu.memory_space<hbm>> -> memref<16777216xf32, #tpu.memory_space<hbm>>
        tpu.wait_indirect_dma semaphore(%arg13 : memref<!tpu.dma_semaphore, #tpu.memory_space<semaphore_mem>>) src(%dma_wait3A_223 : memref<16777216xf32, #tpu.memory_space<hbm>>) dst(%dma_wait3A_220 : memref<96xf32, #tpu.memory_space<vmem>>)
        %mul3A_224 = arith.constant 15 : i32
        %mul3A_225 = arith.muli %scan3A_70, %mul3A_224 : i32
        %add3A_226 = arith.constant 14 : i32
        %add3A_227 = arith.addi %mul3A_225, %add3A_226 : i32
        %mul3A_228 = arith.constant 96 : i32
        %mul3A_229 = arith.muli %add3A_227, %mul3A_228 : i32
        %multiple_of3A_230 = tpu.assume_multiple %mul3A_229, 8 : i32
        %dma_wait3A_231 = tpu.memref_slice %arg9[%multiple_of3A_230] : memref<4320xf32, #tpu.memory_space<vmem>> -> memref<96xf32, #tpu.memory_space<vmem>>
        %dma_wait3A_232 = tpu.memref_slice %arg7[%multiple_of3A_230] : memref<4320xi32, #tpu.memory_space<vmem>> -> memref<96xi32, #tpu.memory_space<vmem>>
        %dma_wait3A_233 = arith.constant 0 : i32
        %dma_wait3A_234 = tpu.memref_slice %arg2[%dma_wait3A_233] : memref<16777216xf32, #tpu.memory_space<hbm>> -> memref<16777216xf32, #tpu.memory_space<hbm>>
        tpu.wait_indirect_dma semaphore(%arg13 : memref<!tpu.dma_semaphore, #tpu.memory_space<semaphore_mem>>) src(%dma_wait3A_234 : memref<16777216xf32, #tpu.memory_space<hbm>>) dst(%dma_wait3A_231 : memref<96xf32, #tpu.memory_space<vmem>>)
      }
      %scan3A_59 = arith.constant 3 : i32
      %scan3A_60 = arith.constant 0 : i32
      %scan3A_61 = arith.constant 0 : i32
      %scan3A_62 = arith.constant 270 : i32
      %scan3A_63 = arith.addi %scan3A_61, %scan3A_62 : i32
      %scan3A_64 = arith.constant 1 : i32
      scf.for %scan3A_70 = %scan3A_61 to %scan3A_63 step %scan3A_64  : i32 {
        %mul3A_71 = arith.constant 16 : i32
        %mul3A_72 = arith.muli %scan3A_70, %mul3A_71 : i32
        %get3A = arith.index_cast %mul3A_72 : i32 to index
        %get3A_73 = tpu.vector_load %arg9[%get3A] {strides = array<i32>} : memref<4320xf32, #tpu.memory_space<vmem>>, vector<16xf32>,
        %get3A_74 = vector.shape_cast %get3A_73 : vector<16xf32> to vector<16xf32>
        %get3A_75 = arith.index_cast %mul3A_72 : i32 to index
        %get3A_76 = tpu.vector_load %arg11[%get3A_75] {strides = array<i32>} : memref<4320xf32, #tpu.memory_space<vmem>>, vector<16xf32>,
        %get3A_77 = vector.shape_cast %get3A_76 : vector<16xf32> to vector<16xf32>
        %mul3A_78 = arith.mulf %get3A_74, %get3A_77 : vector<16xf32>
        %swap3A = arith.index_cast %mul3A_72 : i32 to index
        %swap3A_79 = tpu.vector_load %arg9[%swap3A] {strides = array<i32>} : memref<4320xf32, #tpu.memory_space<vmem>>, vector<16xf32>,
        %swap3A_80 = vector.shape_cast %swap3A_79 : vector<16xf32> to vector<16xf32>
        %swap3A_81 = vector.shape_cast %mul3A_78 : vector<16xf32> to vector<16xf32>
        tpu.vector_store %arg9[%swap3A], %swap3A_81 {strides = array<i32>} : memref<4320xf32, #tpu.memory_space<vmem>>, vector<16xf32>,
      }
      %scan3A_65 = arith.constant 270 : i32
      %mul3A_66 = arith.constant 4320 : i32
      %mul3A_67 = arith.muli %add3A_53, %mul3A_66 : i32
      %add3A_68 = arith.addi %multiple_of3A, %mul3A_67 : i32
      %multiple_of3A_69 = tpu.assume_multiple %add3A_68, 8 : i32
      "tpu.region"() ({
        %run_scoped3A = tpu.sem_alloc : memref<!tpu.dma_semaphore, #tpu.memory_space<semaphore_mem>>
        %dma_start3A = tpu.memref_slice %arg5[%multiple_of3A_69] : memref<1382400xf32, #tpu.memory_space<hbm>> -> memref<4320xf32, #tpu.memory_space<hbm>>
        %dma_start3A_70 = tpu.memref_slice %arg5[%multiple_of3A_69] : memref<1382400xf32, #tpu.memory_space<hbm>> -> memref<4320xf32, #tpu.memory_space<hbm>>
        tpu.enqueue_dma source(%arg9 : memref<4320xf32, #tpu.memory_space<vmem>>) target(%dma_start3A_70 : memref<4320xf32, #tpu.memory_space<hbm>>) target_semaphore(%run_scoped3A : memref<!tpu.dma_semaphore, #tpu.memory_space<semaphore_mem>>)
        %dma_wait3A = tpu.memref_slice %arg5[%multiple_of3A_69] : memref<1382400xf32, #tpu.memory_space<hbm>> -> memref<4320xf32, #tpu.memory_space<hbm>>
        %dma_wait3A_71 = tpu.memref_slice %arg5[%multiple_of3A_69] : memref<1382400xf32, #tpu.memory_space<hbm>> -> memref<4320xf32, #tpu.memory_space<hbm>>
        tpu.wait_dma2 semaphore(%run_scoped3A : memref<!tpu.dma_semaphore, #tpu.memory_space<semaphore_mem>>) src(%arg9 : memref<4320xf32, #tpu.memory_space<vmem>>) dst(%dma_wait3A_71 : memref<4320xf32, #tpu.memory_space<hbm>>)
        tpu.yield
      }) : () -> ()
    }
    %scan3A_16 = arith.constant 5 : i32
    return
  }
}

module attributes {stable_mosaic.version = 14 : i64} {
  func.func @_dense_body(%arg0: i32, %arg1: memref<2x32xf32, #tpu.memory_space<smem>>, %arg2: memref<40x128xf32, #tpu.memory_space<vmem>>, %arg3: memref<3x40x128xf32, #tpu.memory_space<vmem>>, %arg4: memref<3x40x128xf32, #tpu.memory_space<vmem>>, %arg5: memref<27x40x128xf32, #tpu.memory_space<vmem>>, %arg6: memref<27x40x128xi32, #tpu.memory_space<vmem>>, %arg7: memref<9x40x128xi32, #tpu.memory_space<vmem>>, %arg8: memref<9x40x128xf32, #tpu.memory_space<vmem>>) attributes {dimension_semantics = [#tpu.dimension_semantics<arbitrary>], iteration_bounds = array<i64: 30>, scalar_prefetch = 0 : i64, scratch_operands = 0 : i64, tpu.core_type = #tpu.core_type<tc>, window_params = [{transform_indices = @transform_0, window_bounds = array<i64: 2, 32>}, {transform_indices = @transform_1, window_bounds = array<i64: 40, 128>}, {transform_indices = @transform_2, window_bounds = array<i64: 3, 40, 128>}, {transform_indices = @transform_3, window_bounds = array<i64: 3, 40, 128>}, {transform_indices = @transform_4, window_bounds = array<i64: 27, 40, 128>}, {transform_indices = @transform_5, window_bounds = array<i64: 27, 40, 128>}, {transform_indices = @transform_6, window_bounds = array<i64: 9, 40, 128>}, {transform_indices = @transform_7, window_bounds = array<i64: 9, 40, 128>}]} {
    %mul3A = arith.constant 40 : i32
    %mul3A_0 = arith.muli %arg0, %mul3A : i32
    %jit3A = arith.constant 600 : i32
    %div3A = arith.divsi %mul3A_0, %jit3A : i32
    %sign3A = arith.constant 0 : i32
    %sign3A_1 = arith.cmpi sgt, %mul3A_0, %sign3A : i32
    %sign3A_2 = arith.extui %sign3A_1 : i1 to i32
    %sign3A_3 = arith.constant 0 : i32
    %sign3A_4 = arith.cmpi slt, %mul3A_0, %sign3A_3 : i32
    %sign3A_5 = arith.extui %sign3A_4 : i1 to i32
    %sign3A_6 = arith.subi %sign3A_2, %sign3A_5 : i32
    %sign3A_7 = arith.constant 0 : i32
    %sign3A_8 = arith.cmpi sgt, %jit3A, %sign3A_7 : i32
    %sign3A_9 = arith.extui %sign3A_8 : i1 to i32
    %sign3A_10 = arith.constant 0 : i32
    %sign3A_11 = arith.cmpi slt, %jit3A, %sign3A_10 : i32
    %sign3A_12 = arith.extui %sign3A_11 : i1 to i32
    %sign3A_13 = arith.subi %sign3A_9, %sign3A_12 : i32
    %ne3A = arith.cmpi ne, %sign3A_6, %sign3A_13 : i32
    %rem3A = arith.remsi %mul3A_0, %jit3A : i32
    %ne3A_14 = arith.constant 0 : i32
    %ne3A_15 = arith.cmpi ne, %rem3A, %ne3A_14 : i32
    %and3A = arith.andi %ne3A, %ne3A_15 : i1
    %sub3A = arith.constant 1 : i32
    %sub3A_16 = arith.subi %div3A, %sub3A : i32
    %select_n3A = arith.select %and3A, %sub3A_16, %div3A : i32
    %iota3A = tpu.iota {dimensions = array<i32: 0>} : vector<40x128xi32>
    %mul3A_17 = arith.constant 40 : i32
    %mul3A_18 = arith.muli %arg0, %mul3A_17 : i32
    %add3A = vector.broadcast %mul3A_18 : i32 to vector<40x128xi32>
    %add3A_19 = arith.addi %iota3A, %add3A : vector<40x128xi32>
    %iota3A_20 = tpu.iota {dimensions = array<i32: 1>} : vector<40x128xi32>
    %jit3A_21 = arith.constant 600 : i32
    %eq3A = arith.constant 0 : i32
    %eq3A_22 = arith.cmpi eq, %jit3A_21, %eq3A : i32
    %jit3A_23 = arith.constant 1 : i32
    %select_n3A_24 = arith.select %eq3A_22, %jit3A_23, %jit3A_21 : i32
    %rem3A_25 = vector.broadcast %select_n3A_24 : i32 to vector<40x128xi32>
    %rem3A_26 = arith.remsi %add3A_19, %rem3A_25 : vector<40x128xi32>
    %ne3A_27 = arith.constant 0 : i32
    %ne3A_28 = vector.broadcast %ne3A_27 : i32 to vector<40x128xi32>
    %ne3A_29 = arith.cmpi ne, %rem3A_26, %ne3A_28 : vector<40x128xi32>
    %lt3A = arith.constant 0 : i32
    %lt3A_30 = vector.broadcast %lt3A : i32 to vector<40x128xi32>
    %lt3A_31 = arith.cmpi slt, %rem3A_26, %lt3A_30 : vector<40x128xi32>
    %lt3A_32 = arith.constant 0 : i32
    %lt3A_33 = arith.cmpi slt, %select_n3A_24, %lt3A_32 : i32
    %ne3A_34 = vector.broadcast %lt3A_33 : i1 to vector<40x128xi1>
    %ne3A_35 = vector.broadcast %ne3A_34 : vector<40x128xi1> to vector<40x128xi1>
    %ne3A_36 = arith.xori %lt3A_31, %ne3A_35 : vector<40x128xi1>
    %and3A_37 = arith.andi %ne3A_36, %ne3A_29 : vector<40x128xi1>
    %add3A_38 = vector.broadcast %select_n3A_24 : i32 to vector<40x128xi32>
    %add3A_39 = arith.addi %rem3A_26, %add3A_38 : vector<40x128xi32>
    %select_n3A_40 = arith.select %and3A_37, %add3A_39, %rem3A_26 : vector<40x128xi1>, vector<40x128xi32>
    %mul3A_41 = arith.constant 128 : i32
    %mul3A_42 = vector.broadcast %mul3A_41 : i32 to vector<40x128xi32>
    %mul3A_43 = arith.muli %select_n3A_40, %mul3A_42 : vector<40x128xi32>
    %add3A_44 = arith.addi %mul3A_43, %iota3A_20 : vector<40x128xi32>
    %jit3A_45 = arith.constant 320 : i32
    %div3A_46 = vector.broadcast %jit3A_45 : i32 to vector<40x128xi32>
    %div3A_47 = arith.divsi %add3A_44, %div3A_46 : vector<40x128xi32>
    %sign3A_48 = arith.constant 0 : i32
    %sign3A_49 = vector.broadcast %sign3A_48 : i32 to vector<40x128xi32>
    %sign3A_50 = arith.cmpi sgt, %add3A_44, %sign3A_49 : vector<40x128xi32>
    %sign3A_51 = arith.extui %sign3A_50 : vector<40x128xi1> to vector<40x128xi32>
    %sign3A_52 = arith.constant 0 : i32
    %sign3A_53 = vector.broadcast %sign3A_52 : i32 to vector<40x128xi32>
    %sign3A_54 = arith.cmpi slt, %add3A_44, %sign3A_53 : vector<40x128xi32>
    %sign3A_55 = arith.extui %sign3A_54 : vector<40x128xi1> to vector<40x128xi32>
    %sign3A_56 = arith.subi %sign3A_51, %sign3A_55 : vector<40x128xi32>
    %sign3A_57 = arith.constant 0 : i32
    %sign3A_58 = arith.cmpi sgt, %jit3A_45, %sign3A_57 : i32
    %sign3A_59 = arith.extui %sign3A_58 : i1 to i32
    %sign3A_60 = arith.constant 0 : i32
    %sign3A_61 = arith.cmpi slt, %jit3A_45, %sign3A_60 : i32
    %sign3A_62 = arith.extui %sign3A_61 : i1 to i32
    %sign3A_63 = arith.subi %sign3A_59, %sign3A_62 : i32
    %ne3A_64 = vector.broadcast %sign3A_63 : i32 to vector<40x128xi32>
    %ne3A_65 = arith.cmpi ne, %sign3A_56, %ne3A_64 : vector<40x128xi32>
    %rem3A_66 = vector.broadcast %jit3A_45 : i32 to vector<40x128xi32>
    %rem3A_67 = arith.remsi %add3A_44, %rem3A_66 : vector<40x128xi32>
    %ne3A_68 = arith.constant 0 : i32
    %ne3A_69 = vector.broadcast %ne3A_68 : i32 to vector<40x128xi32>
    %ne3A_70 = arith.cmpi ne, %rem3A_67, %ne3A_69 : vector<40x128xi32>
    %and3A_71 = arith.andi %ne3A_65, %ne3A_70 : vector<40x128xi1>
    %sub3A_72 = arith.constant 1 : i32
    %sub3A_73 = vector.broadcast %sub3A_72 : i32 to vector<40x128xi32>
    %sub3A_74 = arith.subi %div3A_47, %sub3A_73 : vector<40x128xi32>
    %select_n3A_75 = arith.select %and3A_71, %sub3A_74, %div3A_47 : vector<40x128xi1>, vector<40x128xi32>
    %mul3A_76 = arith.constant 320 : i32
    %mul3A_77 = vector.broadcast %mul3A_76 : i32 to vector<40x128xi32>
    %mul3A_78 = arith.muli %select_n3A_75, %mul3A_77 : vector<40x128xi32>
    %sub3A_79 = arith.subi %add3A_44, %mul3A_78 : vector<40x128xi32>
    %get3A = arith.constant 0 : index
    %get3A_80 = arith.constant 0 : index
    %get3A_81 = vector.load %arg2[%get3A, %get3A_80] : memref<40x128xf32, #tpu.memory_space<vmem>>, vector<40x128xf32>
    %convert_element_type3A = arith.sitofp %sub3A_79 : vector<40x128xi32> to vector<40x128xf32>
    %convert_element_type3A_82 = arith.sitofp %select_n3A_75 : vector<40x128xi32> to vector<40x128xf32>
    %mul3A_83 = arith.mulf %convert_element_type3A, %get3A_81 : vector<40x128xf32>
    %convert_element_type3A_84 = arith.truncf %mul3A_83 : vector<40x128xf32> to vector<40x128xbf16>
    %convert_element_type3A_85 = arith.extf %convert_element_type3A_84 : vector<40x128xbf16> to vector<40x128xf32>
    %mul3A_86 = arith.mulf %convert_element_type3A_82, %get3A_81 : vector<40x128xf32>
    %convert_element_type3A_87 = arith.truncf %mul3A_86 : vector<40x128xf32> to vector<40x128xbf16>
    %convert_element_type3A_88 = arith.extf %convert_element_type3A_87 : vector<40x128xbf16> to vector<40x128xf32>
    %convert_element_type3A_89 = arith.truncf %get3A_81 : vector<40x128xf32> to vector<40x128xbf16>
    %convert_element_type3A_90 = arith.extf %convert_element_type3A_89 : vector<40x128xbf16> to vector<40x128xf32>
    %get3A_91 = arith.index_cast %select_n3A : i32 to index
    %get3A_92 = arith.constant 0 : index
    %get3A_93 = memref.load %arg1[%get3A_91, %get3A_92] : memref<2x32xf32, #tpu.memory_space<smem>>
    %get3A_94 = arith.index_cast %select_n3A : i32 to index
    %get3A_95 = arith.constant 1 : index
    %get3A_96 = memref.load %arg1[%get3A_94, %get3A_95] : memref<2x32xf32, #tpu.memory_space<smem>>
    %get3A_97 = arith.index_cast %select_n3A : i32 to index
    %get3A_98 = arith.constant 2 : index
    %get3A_99 = memref.load %arg1[%get3A_97, %get3A_98] : memref<2x32xf32, #tpu.memory_space<smem>>
    %get3A_100 = arith.index_cast %select_n3A : i32 to index
    %get3A_101 = arith.constant 3 : index
    %get3A_102 = memref.load %arg1[%get3A_100, %get3A_101] : memref<2x32xf32, #tpu.memory_space<smem>>
    %get3A_103 = arith.index_cast %select_n3A : i32 to index
    %get3A_104 = arith.constant 4 : index
    %get3A_105 = memref.load %arg1[%get3A_103, %get3A_104] : memref<2x32xf32, #tpu.memory_space<smem>>
    %get3A_106 = arith.index_cast %select_n3A : i32 to index
    %get3A_107 = arith.constant 5 : index
    %get3A_108 = memref.load %arg1[%get3A_106, %get3A_107] : memref<2x32xf32, #tpu.memory_space<smem>>
    %get3A_109 = arith.index_cast %select_n3A : i32 to index
    %get3A_110 = arith.constant 6 : index
    %get3A_111 = memref.load %arg1[%get3A_109, %get3A_110] : memref<2x32xf32, #tpu.memory_space<smem>>
    %get3A_112 = arith.index_cast %select_n3A : i32 to index
    %get3A_113 = arith.constant 7 : index
    %get3A_114 = memref.load %arg1[%get3A_112, %get3A_113] : memref<2x32xf32, #tpu.memory_space<smem>>
    %get3A_115 = arith.index_cast %select_n3A : i32 to index
    %get3A_116 = arith.constant 8 : index
    %get3A_117 = memref.load %arg1[%get3A_115, %get3A_116] : memref<2x32xf32, #tpu.memory_space<smem>>
    %get3A_118 = arith.index_cast %select_n3A : i32 to index
    %get3A_119 = arith.constant 9 : index
    %get3A_120 = memref.load %arg1[%get3A_118, %get3A_119] : memref<2x32xf32, #tpu.memory_space<smem>>
    %get3A_121 = arith.index_cast %select_n3A : i32 to index
    %get3A_122 = arith.constant 10 : index
    %get3A_123 = memref.load %arg1[%get3A_121, %get3A_122] : memref<2x32xf32, #tpu.memory_space<smem>>
    %get3A_124 = arith.index_cast %select_n3A : i32 to index
    %get3A_125 = arith.constant 11 : index
    %get3A_126 = memref.load %arg1[%get3A_124, %get3A_125] : memref<2x32xf32, #tpu.memory_space<smem>>
    %get3A_127 = arith.index_cast %select_n3A : i32 to index
    %get3A_128 = arith.constant 12 : index
    %get3A_129 = memref.load %arg1[%get3A_127, %get3A_128] : memref<2x32xf32, #tpu.memory_space<smem>>
    %get3A_130 = arith.index_cast %select_n3A : i32 to index
    %get3A_131 = arith.constant 13 : index
    %get3A_132 = memref.load %arg1[%get3A_130, %get3A_131] : memref<2x32xf32, #tpu.memory_space<smem>>
    %get3A_133 = arith.index_cast %select_n3A : i32 to index
    %get3A_134 = arith.constant 14 : index
    %get3A_135 = memref.load %arg1[%get3A_133, %get3A_134] : memref<2x32xf32, #tpu.memory_space<smem>>
    %get3A_136 = arith.index_cast %select_n3A : i32 to index
    %get3A_137 = arith.constant 15 : index
    %get3A_138 = memref.load %arg1[%get3A_136, %get3A_137] : memref<2x32xf32, #tpu.memory_space<smem>>
    %get3A_139 = arith.index_cast %select_n3A : i32 to index
    %get3A_140 = arith.constant 16 : index
    %get3A_141 = memref.load %arg1[%get3A_139, %get3A_140] : memref<2x32xf32, #tpu.memory_space<smem>>
    %get3A_142 = arith.index_cast %select_n3A : i32 to index
    %get3A_143 = arith.constant 17 : index
    %get3A_144 = memref.load %arg1[%get3A_142, %get3A_143] : memref<2x32xf32, #tpu.memory_space<smem>>
    %get3A_145 = arith.index_cast %select_n3A : i32 to index
    %get3A_146 = arith.constant 18 : index
    %get3A_147 = memref.load %arg1[%get3A_145, %get3A_146] : memref<2x32xf32, #tpu.memory_space<smem>>
    %get3A_148 = arith.index_cast %select_n3A : i32 to index
    %get3A_149 = arith.constant 19 : index
    %get3A_150 = memref.load %arg1[%get3A_148, %get3A_149] : memref<2x32xf32, #tpu.memory_space<smem>>
    %get3A_151 = arith.index_cast %select_n3A : i32 to index
    %get3A_152 = arith.constant 20 : index
    %get3A_153 = memref.load %arg1[%get3A_151, %get3A_152] : memref<2x32xf32, #tpu.memory_space<smem>>
    %get3A_154 = arith.index_cast %select_n3A : i32 to index
    %get3A_155 = arith.constant 21 : index
    %get3A_156 = memref.load %arg1[%get3A_154, %get3A_155] : memref<2x32xf32, #tpu.memory_space<smem>>
    %get3A_157 = arith.index_cast %select_n3A : i32 to index
    %get3A_158 = arith.constant 22 : index
    %get3A_159 = memref.load %arg1[%get3A_157, %get3A_158] : memref<2x32xf32, #tpu.memory_space<smem>>
    %get3A_160 = arith.index_cast %select_n3A : i32 to index
    %get3A_161 = arith.constant 23 : index
    %get3A_162 = memref.load %arg1[%get3A_160, %get3A_161] : memref<2x32xf32, #tpu.memory_space<smem>>
    %get3A_163 = arith.index_cast %select_n3A : i32 to index
    %get3A_164 = arith.constant 24 : index
    %get3A_165 = memref.load %arg1[%get3A_163, %get3A_164] : memref<2x32xf32, #tpu.memory_space<smem>>
    %mul3A_166 = vector.broadcast %get3A_93 : f32 to vector<40x128xf32>
    %mul3A_167 = arith.mulf %mul3A_166, %convert_element_type3A_85 : vector<40x128xf32>
    %mul3A_168 = vector.broadcast %get3A_96 : f32 to vector<40x128xf32>
    %mul3A_169 = arith.mulf %mul3A_168, %convert_element_type3A_88 : vector<40x128xf32>
    %add3A_170 = arith.addf %mul3A_167, %mul3A_169 : vector<40x128xf32>
    %mul3A_171 = vector.broadcast %get3A_99 : f32 to vector<40x128xf32>
    %mul3A_172 = arith.mulf %mul3A_171, %convert_element_type3A_90 : vector<40x128xf32>
    %add3A_173 = arith.addf %add3A_170, %mul3A_172 : vector<40x128xf32>
    %mul3A_174 = vector.broadcast %get3A_102 : f32 to vector<40x128xf32>
    %mul3A_175 = arith.mulf %mul3A_174, %convert_element_type3A_85 : vector<40x128xf32>
    %mul3A_176 = vector.broadcast %get3A_105 : f32 to vector<40x128xf32>
    %mul3A_177 = arith.mulf %mul3A_176, %convert_element_type3A_88 : vector<40x128xf32>
    %add3A_178 = arith.addf %mul3A_175, %mul3A_177 : vector<40x128xf32>
    %mul3A_179 = vector.broadcast %get3A_108 : f32 to vector<40x128xf32>
    %mul3A_180 = arith.mulf %mul3A_179, %convert_element_type3A_90 : vector<40x128xf32>
    %add3A_181 = arith.addf %add3A_178, %mul3A_180 : vector<40x128xf32>
    %mul3A_182 = vector.broadcast %get3A_111 : f32 to vector<40x128xf32>
    %mul3A_183 = arith.mulf %mul3A_182, %convert_element_type3A_85 : vector<40x128xf32>
    %mul3A_184 = vector.broadcast %get3A_114 : f32 to vector<40x128xf32>
    %mul3A_185 = arith.mulf %mul3A_184, %convert_element_type3A_88 : vector<40x128xf32>
    %add3A_186 = arith.addf %mul3A_183, %mul3A_185 : vector<40x128xf32>
    %mul3A_187 = vector.broadcast %get3A_117 : f32 to vector<40x128xf32>
    %mul3A_188 = arith.mulf %mul3A_187, %convert_element_type3A_90 : vector<40x128xf32>
    %add3A_189 = arith.addf %add3A_186, %mul3A_188 : vector<40x128xf32>
    %convert_element_type3A_190 = arith.truncf %add3A_173 : vector<40x128xf32> to vector<40x128xbf16>
    %convert_element_type3A_191 = arith.extf %convert_element_type3A_190 : vector<40x128xbf16> to vector<40x128xf32>
    %convert_element_type3A_192 = arith.truncf %add3A_181 : vector<40x128xf32> to vector<40x128xbf16>
    %convert_element_type3A_193 = arith.extf %convert_element_type3A_192 : vector<40x128xbf16> to vector<40x128xf32>
    %convert_element_type3A_194 = arith.truncf %add3A_189 : vector<40x128xf32> to vector<40x128xbf16>
    %convert_element_type3A_195 = arith.extf %convert_element_type3A_194 : vector<40x128xbf16> to vector<40x128xf32>
    %mul3A_196 = vector.broadcast %get3A_120 : f32 to vector<40x128xf32>
    %mul3A_197 = arith.mulf %mul3A_196, %convert_element_type3A_191 : vector<40x128xf32>
    %mul3A_198 = vector.broadcast %get3A_123 : f32 to vector<40x128xf32>
    %mul3A_199 = arith.mulf %mul3A_198, %convert_element_type3A_193 : vector<40x128xf32>
    %add3A_200 = arith.addf %mul3A_197, %mul3A_199 : vector<40x128xf32>
    %mul3A_201 = vector.broadcast %get3A_126 : f32 to vector<40x128xf32>
    %mul3A_202 = arith.mulf %mul3A_201, %convert_element_type3A_195 : vector<40x128xf32>
    %add3A_203 = arith.addf %add3A_200, %mul3A_202 : vector<40x128xf32>
    %add3A_204 = vector.broadcast %get3A_129 : f32 to vector<40x128xf32>
    %add3A_205 = arith.addf %add3A_203, %add3A_204 : vector<40x128xf32>
    %mul3A_206 = vector.broadcast %get3A_132 : f32 to vector<40x128xf32>
    %mul3A_207 = arith.mulf %mul3A_206, %convert_element_type3A_191 : vector<40x128xf32>
    %mul3A_208 = vector.broadcast %get3A_135 : f32 to vector<40x128xf32>
    %mul3A_209 = arith.mulf %mul3A_208, %convert_element_type3A_193 : vector<40x128xf32>
    %add3A_210 = arith.addf %mul3A_207, %mul3A_209 : vector<40x128xf32>
    %mul3A_211 = vector.broadcast %get3A_138 : f32 to vector<40x128xf32>
    %mul3A_212 = arith.mulf %mul3A_211, %convert_element_type3A_195 : vector<40x128xf32>
    %add3A_213 = arith.addf %add3A_210, %mul3A_212 : vector<40x128xf32>
    %add3A_214 = vector.broadcast %get3A_141 : f32 to vector<40x128xf32>
    %add3A_215 = arith.addf %add3A_213, %add3A_214 : vector<40x128xf32>
    %mul3A_216 = vector.broadcast %get3A_144 : f32 to vector<40x128xf32>
    %mul3A_217 = arith.mulf %mul3A_216, %convert_element_type3A_191 : vector<40x128xf32>
    %mul3A_218 = vector.broadcast %get3A_147 : f32 to vector<40x128xf32>
    %mul3A_219 = arith.mulf %mul3A_218, %convert_element_type3A_193 : vector<40x128xf32>
    %add3A_220 = arith.addf %mul3A_217, %mul3A_219 : vector<40x128xf32>
    %mul3A_221 = vector.broadcast %get3A_150 : f32 to vector<40x128xf32>
    %mul3A_222 = arith.mulf %mul3A_221, %convert_element_type3A_195 : vector<40x128xf32>
    %add3A_223 = arith.addf %add3A_220, %mul3A_222 : vector<40x128xf32>
    %add3A_224 = vector.broadcast %get3A_153 : f32 to vector<40x128xf32>
    %add3A_225 = arith.addf %add3A_223, %add3A_224 : vector<40x128xf32>
    %swap3A = arith.constant 0 : index
    %swap3A_226 = arith.constant 0 : index
    %swap3A_227 = arith.constant 0 : index
    %swap3A_228 = vector.load %arg3[%swap3A, %swap3A_226, %swap3A_227] : memref<3x40x128xf32, #tpu.memory_space<vmem>>, vector<1x40x128xf32>
    %swap3A_229 = vector.shape_cast %swap3A_228 : vector<1x40x128xf32> to vector<40x128xf32>
    %swap3A_230 = vector.shape_cast %add3A_205 : vector<40x128xf32> to vector<1x40x128xf32>
    tpu.vector_store %arg3[%swap3A, %swap3A_226, %swap3A_227], %swap3A_230 {strides = array<i32>} : memref<3x40x128xf32, #tpu.memory_space<vmem>>, vector<1x40x128xf32>,
    %swap3A_231 = arith.constant 1 : index
    %swap3A_232 = arith.constant 0 : index
    %swap3A_233 = arith.constant 0 : index
    %swap3A_234 = vector.load %arg3[%swap3A_231, %swap3A_232, %swap3A_233] : memref<3x40x128xf32, #tpu.memory_space<vmem>>, vector<1x40x128xf32>
    %swap3A_235 = vector.shape_cast %swap3A_234 : vector<1x40x128xf32> to vector<40x128xf32>
    %swap3A_236 = vector.shape_cast %add3A_215 : vector<40x128xf32> to vector<1x40x128xf32>
    tpu.vector_store %arg3[%swap3A_231, %swap3A_232, %swap3A_233], %swap3A_236 {strides = array<i32>} : memref<3x40x128xf32, #tpu.memory_space<vmem>>, vector<1x40x128xf32>,
    %swap3A_237 = arith.constant 2 : index
    %swap3A_238 = arith.constant 0 : index
    %swap3A_239 = arith.constant 0 : index
    %swap3A_240 = vector.load %arg3[%swap3A_237, %swap3A_238, %swap3A_239] : memref<3x40x128xf32, #tpu.memory_space<vmem>>, vector<1x40x128xf32>
    %swap3A_241 = vector.shape_cast %swap3A_240 : vector<1x40x128xf32> to vector<40x128xf32>
    %swap3A_242 = vector.shape_cast %add3A_225 : vector<40x128xf32> to vector<1x40x128xf32>
    tpu.vector_store %arg3[%swap3A_237, %swap3A_238, %swap3A_239], %swap3A_242 {strides = array<i32>} : memref<3x40x128xf32, #tpu.memory_space<vmem>>, vector<1x40x128xf32>,
    %sub3A_243 = vector.broadcast %get3A_156 : f32 to vector<40x128xf32>
    %sub3A_244 = arith.subf %add3A_205, %sub3A_243 : vector<40x128xf32>
    %div3A_245 = vector.broadcast %get3A_165 : f32 to vector<40x128xf32>
    %div3A_246 = arith.divf %sub3A_244, %div3A_245 : vector<40x128xf32>
    %sub3A_247 = vector.broadcast %get3A_159 : f32 to vector<40x128xf32>
    %sub3A_248 = arith.subf %add3A_215, %sub3A_247 : vector<40x128xf32>
    %div3A_249 = vector.broadcast %get3A_165 : f32 to vector<40x128xf32>
    %div3A_250 = arith.divf %sub3A_248, %div3A_249 : vector<40x128xf32>
    %sub3A_251 = vector.broadcast %get3A_162 : f32 to vector<40x128xf32>
    %sub3A_252 = arith.subf %add3A_225, %sub3A_251 : vector<40x128xf32>
    %div3A_253 = vector.broadcast %get3A_165 : f32 to vector<40x128xf32>
    %div3A_254 = arith.divf %sub3A_252, %div3A_253 : vector<40x128xf32>
    %sub3A_255 = arith.subf %get3A_129, %get3A_156 : f32
    %div3A_256 = arith.divf %sub3A_255, %get3A_165 : f32
    %sub3A_257 = arith.subf %get3A_141, %get3A_159 : f32
    %div3A_258 = arith.divf %sub3A_257, %get3A_165 : f32
    %sub3A_259 = arith.subf %get3A_153, %get3A_162 : f32
    %div3A_260 = arith.divf %sub3A_259, %get3A_165 : f32
    %sub3A_261 = vector.broadcast %div3A_256 : f32 to vector<40x128xf32>
    %sub3A_262 = arith.subf %div3A_246, %sub3A_261 : vector<40x128xf32>
    %sub3A_263 = vector.broadcast %div3A_258 : f32 to vector<40x128xf32>
    %sub3A_264 = arith.subf %div3A_250, %sub3A_263 : vector<40x128xf32>
    %sub3A_265 = vector.broadcast %div3A_260 : f32 to vector<40x128xf32>
    %sub3A_266 = arith.subf %div3A_254, %sub3A_265 : vector<40x128xf32>
    %mul3A_267 = arith.mulf %sub3A_262, %sub3A_262 : vector<40x128xf32>
    %mul3A_268 = arith.mulf %sub3A_264, %sub3A_264 : vector<40x128xf32>
    %add3A_269 = arith.addf %mul3A_267, %mul3A_268 : vector<40x128xf32>
    %mul3A_270 = arith.mulf %sub3A_266, %sub3A_266 : vector<40x128xf32>
    %add3A_271 = arith.addf %add3A_269, %mul3A_270 : vector<40x128xf32>
    %sqrt3A = math.sqrt %add3A_271 : vector<40x128xf32>
    %max3A = arith.constant 9.99999996E-13 : f32
    %max3A_272 = vector.broadcast %max3A : f32 to vector<40x128xf32>
    %max3A_273 = arith.maximumf %sqrt3A, %max3A_272 : vector<40x128xf32>
    %div3A_274 = arith.divf %sub3A_262, %max3A_273 : vector<40x128xf32>
    %div3A_275 = arith.divf %sub3A_264, %max3A_273 : vector<40x128xf32>
    %div3A_276 = arith.divf %sub3A_266, %max3A_273 : vector<40x128xf32>
    %swap3A_277 = arith.constant 0 : index
    %swap3A_278 = arith.constant 0 : index
    %swap3A_279 = arith.constant 0 : index
    %swap3A_280 = vector.load %arg4[%swap3A_277, %swap3A_278, %swap3A_279] : memref<3x40x128xf32, #tpu.memory_space<vmem>>, vector<1x40x128xf32>
    %swap3A_281 = vector.shape_cast %swap3A_280 : vector<1x40x128xf32> to vector<40x128xf32>
    %swap3A_282 = vector.shape_cast %div3A_274 : vector<40x128xf32> to vector<1x40x128xf32>
    tpu.vector_store %arg4[%swap3A_277, %swap3A_278, %swap3A_279], %swap3A_282 {strides = array<i32>} : memref<3x40x128xf32, #tpu.memory_space<vmem>>, vector<1x40x128xf32>,
    %swap3A_283 = arith.constant 1 : index
    %swap3A_284 = arith.constant 0 : index
    %swap3A_285 = arith.constant 0 : index
    %swap3A_286 = vector.load %arg4[%swap3A_283, %swap3A_284, %swap3A_285] : memref<3x40x128xf32, #tpu.memory_space<vmem>>, vector<1x40x128xf32>
    %swap3A_287 = vector.shape_cast %swap3A_286 : vector<1x40x128xf32> to vector<40x128xf32>
    %swap3A_288 = vector.shape_cast %div3A_275 : vector<40x128xf32> to vector<1x40x128xf32>
    tpu.vector_store %arg4[%swap3A_283, %swap3A_284, %swap3A_285], %swap3A_288 {strides = array<i32>} : memref<3x40x128xf32, #tpu.memory_space<vmem>>, vector<1x40x128xf32>,
    %swap3A_289 = arith.constant 2 : index
    %swap3A_290 = arith.constant 0 : index
    %swap3A_291 = arith.constant 0 : index
    %swap3A_292 = vector.load %arg4[%swap3A_289, %swap3A_290, %swap3A_291] : memref<3x40x128xf32, #tpu.memory_space<vmem>>, vector<1x40x128xf32>
    %swap3A_293 = vector.shape_cast %swap3A_292 : vector<1x40x128xf32> to vector<40x128xf32>
    %swap3A_294 = vector.shape_cast %div3A_276 : vector<40x128xf32> to vector<1x40x128xf32>
    tpu.vector_store %arg4[%swap3A_289, %swap3A_290, %swap3A_291], %swap3A_294 {strides = array<i32>} : memref<3x40x128xf32, #tpu.memory_space<vmem>>, vector<1x40x128xf32>,
    %mul3A_295 = arith.constant -4.000000e+00 : f32
    %mul3A_296 = vector.broadcast %mul3A_295 : f32 to vector<40x128xf32>
    %mul3A_297 = arith.mulf %mul3A_296, %div3A_274 : vector<40x128xf32>
    %add3A_298 = arith.addf %div3A_246, %mul3A_297 : vector<40x128xf32>
    %swap3A_299 = arith.constant 0 : index
    %swap3A_300 = arith.constant 0 : index
    %swap3A_301 = arith.constant 0 : index
    %swap3A_302 = vector.load %arg5[%swap3A_299, %swap3A_300, %swap3A_301] : memref<27x40x128xf32, #tpu.memory_space<vmem>>, vector<1x40x128xf32>
    %swap3A_303 = vector.shape_cast %swap3A_302 : vector<1x40x128xf32> to vector<40x128xf32>
    %swap3A_304 = vector.shape_cast %add3A_298 : vector<40x128xf32> to vector<1x40x128xf32>
    tpu.vector_store %arg5[%swap3A_299, %swap3A_300, %swap3A_301], %swap3A_304 {strides = array<i32>} : memref<27x40x128xf32, #tpu.memory_space<vmem>>, vector<1x40x128xf32>,
    %floor3A = math.floor %add3A_298 : vector<40x128xf32>
    %convert_element_type3A_305 = arith.fptosi %floor3A : vector<40x128xf32> to vector<40x128xi32>
    %swap3A_306 = arith.constant 0 : index
    %swap3A_307 = arith.constant 0 : index
    %swap3A_308 = arith.constant 0 : index
    %swap3A_309 = vector.load %arg6[%swap3A_306, %swap3A_307, %swap3A_308] : memref<27x40x128xi32, #tpu.memory_space<vmem>>, vector<1x40x128xi32>
    %swap3A_310 = vector.shape_cast %swap3A_309 : vector<1x40x128xi32> to vector<40x128xi32>
    %swap3A_311 = vector.shape_cast %convert_element_type3A_305 : vector<40x128xi32> to vector<1x40x128xi32>
    tpu.vector_store %arg6[%swap3A_306, %swap3A_307, %swap3A_308], %swap3A_311 {strides = array<i32>} : memref<27x40x128xi32, #tpu.memory_space<vmem>>, vector<1x40x128xi32>,
    %mul3A_312 = arith.constant -4.000000e+00 : f32
    %mul3A_313 = vector.broadcast %mul3A_312 : f32 to vector<40x128xf32>
    %mul3A_314 = arith.mulf %mul3A_313, %div3A_275 : vector<40x128xf32>
    %add3A_315 = arith.addf %div3A_250, %mul3A_314 : vector<40x128xf32>
    %swap3A_316 = arith.constant 1 : index
    %swap3A_317 = arith.constant 0 : index
    %swap3A_318 = arith.constant 0 : index
    %swap3A_319 = vector.load %arg5[%swap3A_316, %swap3A_317, %swap3A_318] : memref<27x40x128xf32, #tpu.memory_space<vmem>>, vector<1x40x128xf32>
    %swap3A_320 = vector.shape_cast %swap3A_319 : vector<1x40x128xf32> to vector<40x128xf32>
    %swap3A_321 = vector.shape_cast %add3A_315 : vector<40x128xf32> to vector<1x40x128xf32>
    tpu.vector_store %arg5[%swap3A_316, %swap3A_317, %swap3A_318], %swap3A_321 {strides = array<i32>} : memref<27x40x128xf32, #tpu.memory_space<vmem>>, vector<1x40x128xf32>,
    %floor3A_322 = math.floor %add3A_315 : vector<40x128xf32>
    %convert_element_type3A_323 = arith.fptosi %floor3A_322 : vector<40x128xf32> to vector<40x128xi32>
    %swap3A_324 = arith.constant 1 : index
    %swap3A_325 = arith.constant 0 : index
    %swap3A_326 = arith.constant 0 : index
    %swap3A_327 = vector.load %arg6[%swap3A_324, %swap3A_325, %swap3A_326] : memref<27x40x128xi32, #tpu.memory_space<vmem>>, vector<1x40x128xi32>
    %swap3A_328 = vector.shape_cast %swap3A_327 : vector<1x40x128xi32> to vector<40x128xi32>
    %swap3A_329 = vector.shape_cast %convert_element_type3A_323 : vector<40x128xi32> to vector<1x40x128xi32>
    tpu.vector_store %arg6[%swap3A_324, %swap3A_325, %swap3A_326], %swap3A_329 {strides = array<i32>} : memref<27x40x128xi32, #tpu.memory_space<vmem>>, vector<1x40x128xi32>,
    %mul3A_330 = arith.constant -4.000000e+00 : f32
    %mul3A_331 = vector.broadcast %mul3A_330 : f32 to vector<40x128xf32>
    %mul3A_332 = arith.mulf %mul3A_331, %div3A_276 : vector<40x128xf32>
    %add3A_333 = arith.addf %div3A_254, %mul3A_332 : vector<40x128xf32>
    %swap3A_334 = arith.constant 2 : index
    %swap3A_335 = arith.constant 0 : index
    %swap3A_336 = arith.constant 0 : index
    %swap3A_337 = vector.load %arg5[%swap3A_334, %swap3A_335, %swap3A_336] : memref<27x40x128xf32, #tpu.memory_space<vmem>>, vector<1x40x128xf32>
    %swap3A_338 = vector.shape_cast %swap3A_337 : vector<1x40x128xf32> to vector<40x128xf32>
    %swap3A_339 = vector.shape_cast %add3A_333 : vector<40x128xf32> to vector<1x40x128xf32>
    tpu.vector_store %arg5[%swap3A_334, %swap3A_335, %swap3A_336], %swap3A_339 {strides = array<i32>} : memref<27x40x128xf32, #tpu.memory_space<vmem>>, vector<1x40x128xf32>,
    %floor3A_340 = math.floor %add3A_333 : vector<40x128xf32>
    %convert_element_type3A_341 = arith.fptosi %floor3A_340 : vector<40x128xf32> to vector<40x128xi32>
    %swap3A_342 = arith.constant 2 : index
    %swap3A_343 = arith.constant 0 : index
    %swap3A_344 = arith.constant 0 : index
    %swap3A_345 = vector.load %arg6[%swap3A_342, %swap3A_343, %swap3A_344] : memref<27x40x128xi32, #tpu.memory_space<vmem>>, vector<1x40x128xi32>
    %swap3A_346 = vector.shape_cast %swap3A_345 : vector<1x40x128xi32> to vector<40x128xi32>
    %swap3A_347 = vector.shape_cast %convert_element_type3A_341 : vector<40x128xi32> to vector<1x40x128xi32>
    tpu.vector_store %arg6[%swap3A_342, %swap3A_343, %swap3A_344], %swap3A_347 {strides = array<i32>} : memref<27x40x128xi32, #tpu.memory_space<vmem>>, vector<1x40x128xi32>,
    %ge3A = arith.constant 0 : i32
    %ge3A_348 = vector.broadcast %ge3A : i32 to vector<40x128xi32>
    %ge3A_349 = arith.cmpi sge, %convert_element_type3A_305, %ge3A_348 : vector<40x128xi32>
    %lt3A_350 = arith.constant 256 : i32
    %lt3A_351 = vector.broadcast %lt3A_350 : i32 to vector<40x128xi32>
    %lt3A_352 = arith.cmpi slt, %convert_element_type3A_305, %lt3A_351 : vector<40x128xi32>
    %and3A_353 = arith.andi %ge3A_349, %lt3A_352 : vector<40x128xi1>
    %ge3A_354 = arith.constant 0 : i32
    %ge3A_355 = vector.broadcast %ge3A_354 : i32 to vector<40x128xi32>
    %ge3A_356 = arith.cmpi sge, %convert_element_type3A_323, %ge3A_355 : vector<40x128xi32>
    %and3A_357 = arith.andi %and3A_353, %ge3A_356 : vector<40x128xi1>
    %lt3A_358 = arith.constant 256 : i32
    %lt3A_359 = vector.broadcast %lt3A_358 : i32 to vector<40x128xi32>
    %lt3A_360 = arith.cmpi slt, %convert_element_type3A_323, %lt3A_359 : vector<40x128xi32>
    %and3A_361 = arith.andi %and3A_357, %lt3A_360 : vector<40x128xi1>
    %ge3A_362 = arith.constant 0 : i32
    %ge3A_363 = vector.broadcast %ge3A_362 : i32 to vector<40x128xi32>
    %ge3A_364 = arith.cmpi sge, %convert_element_type3A_341, %ge3A_363 : vector<40x128xi32>
    %and3A_365 = arith.andi %and3A_361, %ge3A_364 : vector<40x128xi1>
    %lt3A_366 = arith.constant 256 : i32
    %lt3A_367 = vector.broadcast %lt3A_366 : i32 to vector<40x128xi32>
    %lt3A_368 = arith.cmpi slt, %convert_element_type3A_341, %lt3A_367 : vector<40x128xi32>
    %and3A_369 = arith.andi %and3A_365, %lt3A_368 : vector<40x128xi1>
    %jit3A_370 = arith.constant 0 : i32
    %jit3A_371 = arith.constant 255 : i32
    %max3A_372 = vector.broadcast %jit3A_370 : i32 to vector<40x128xi32>
    %max3A_373 = arith.maxsi %max3A_372, %convert_element_type3A_305 : vector<40x128xi32>
    %min3A = vector.broadcast %jit3A_371 : i32 to vector<40x128xi32>
    %min3A_374 = arith.minsi %min3A, %max3A_373 : vector<40x128xi32>
    %jit3A_375 = arith.constant 0 : i32
    %jit3A_376 = arith.constant 255 : i32
    %max3A_377 = vector.broadcast %jit3A_375 : i32 to vector<40x128xi32>
    %max3A_378 = arith.maxsi %max3A_377, %convert_element_type3A_323 : vector<40x128xi32>
    %min3A_379 = vector.broadcast %jit3A_376 : i32 to vector<40x128xi32>
    %min3A_380 = arith.minsi %min3A_379, %max3A_378 : vector<40x128xi32>
    %jit3A_381 = arith.constant 0 : i32
    %jit3A_382 = arith.constant 255 : i32
    %max3A_383 = vector.broadcast %jit3A_381 : i32 to vector<40x128xi32>
    %max3A_384 = arith.maxsi %max3A_383, %convert_element_type3A_341 : vector<40x128xi32>
    %min3A_385 = vector.broadcast %jit3A_382 : i32 to vector<40x128xi32>
    %min3A_386 = arith.minsi %min3A_385, %max3A_384 : vector<40x128xi32>
    %mul3A_387 = arith.constant 65536 : i32
    %mul3A_388 = vector.broadcast %mul3A_387 : i32 to vector<40x128xi32>
    %mul3A_389 = arith.muli %min3A_374, %mul3A_388 : vector<40x128xi32>
    %mul3A_390 = arith.constant 256 : i32
    %mul3A_391 = vector.broadcast %mul3A_390 : i32 to vector<40x128xi32>
    %mul3A_392 = arith.muli %min3A_380, %mul3A_391 : vector<40x128xi32>
    %add3A_393 = arith.addi %mul3A_389, %mul3A_392 : vector<40x128xi32>
    %add3A_394 = arith.addi %add3A_393, %min3A_386 : vector<40x128xi32>
    %swap3A_395 = arith.constant 0 : index
    %swap3A_396 = arith.constant 0 : index
    %swap3A_397 = arith.constant 0 : index
    %swap3A_398 = vector.load %arg7[%swap3A_395, %swap3A_396, %swap3A_397] : memref<9x40x128xi32, #tpu.memory_space<vmem>>, vector<1x40x128xi32>
    %swap3A_399 = vector.shape_cast %swap3A_398 : vector<1x40x128xi32> to vector<40x128xi32>
    %swap3A_400 = vector.shape_cast %add3A_394 : vector<40x128xi32> to vector<1x40x128xi32>
    tpu.vector_store %arg7[%swap3A_395, %swap3A_396, %swap3A_397], %swap3A_400 {strides = array<i32>} : memref<9x40x128xi32, #tpu.memory_space<vmem>>, vector<1x40x128xi32>,
    %jit3A_401 = arith.constant 1.000000e+00 : f32
    %jit3A_402 = arith.constant 0.000000e+00 : f32
    %broadcast_in_dim3A = vector.broadcast %jit3A_401 : f32 to vector<40x128xf32>
    %broadcast_in_dim3A_403 = vector.broadcast %jit3A_402 : f32 to vector<40x128xf32>
    %select_n3A_404 = arith.select %and3A_369, %broadcast_in_dim3A, %broadcast_in_dim3A_403 : vector<40x128xi1>, vector<40x128xf32>
    %swap3A_405 = arith.constant 0 : index
    %swap3A_406 = arith.constant 0 : index
    %swap3A_407 = arith.constant 0 : index
    %swap3A_408 = vector.load %arg8[%swap3A_405, %swap3A_406, %swap3A_407] : memref<9x40x128xf32, #tpu.memory_space<vmem>>, vector<1x40x128xf32>
    %swap3A_409 = vector.shape_cast %swap3A_408 : vector<1x40x128xf32> to vector<40x128xf32>
    %swap3A_410 = vector.shape_cast %select_n3A_404 : vector<40x128xf32> to vector<1x40x128xf32>
    tpu.vector_store %arg8[%swap3A_405, %swap3A_406, %swap3A_407], %swap3A_410 {strides = array<i32>} : memref<9x40x128xf32, #tpu.memory_space<vmem>>, vector<1x40x128xf32>,
    %mul3A_411 = arith.constant -3.000000e+00 : f32
    %mul3A_412 = vector.broadcast %mul3A_411 : f32 to vector<40x128xf32>
    %mul3A_413 = arith.mulf %mul3A_412, %div3A_274 : vector<40x128xf32>
    %add3A_414 = arith.addf %div3A_246, %mul3A_413 : vector<40x128xf32>
    %swap3A_415 = arith.constant 3 : index
    %swap3A_416 = arith.constant 0 : index
    %swap3A_417 = arith.constant 0 : index
    %swap3A_418 = vector.load %arg5[%swap3A_415, %swap3A_416, %swap3A_417] : memref<27x40x128xf32, #tpu.memory_space<vmem>>, vector<1x40x128xf32>
    %swap3A_419 = vector.shape_cast %swap3A_418 : vector<1x40x128xf32> to vector<40x128xf32>
    %swap3A_420 = vector.shape_cast %add3A_414 : vector<40x128xf32> to vector<1x40x128xf32>
    tpu.vector_store %arg5[%swap3A_415, %swap3A_416, %swap3A_417], %swap3A_420 {strides = array<i32>} : memref<27x40x128xf32, #tpu.memory_space<vmem>>, vector<1x40x128xf32>,
    %floor3A_421 = math.floor %add3A_414 : vector<40x128xf32>
    %convert_element_type3A_422 = arith.fptosi %floor3A_421 : vector<40x128xf32> to vector<40x128xi32>
    %swap3A_423 = arith.constant 3 : index
    %swap3A_424 = arith.constant 0 : index
    %swap3A_425 = arith.constant 0 : index
    %swap3A_426 = vector.load %arg6[%swap3A_423, %swap3A_424, %swap3A_425] : memref<27x40x128xi32, #tpu.memory_space<vmem>>, vector<1x40x128xi32>
    %swap3A_427 = vector.shape_cast %swap3A_426 : vector<1x40x128xi32> to vector<40x128xi32>
    %swap3A_428 = vector.shape_cast %convert_element_type3A_422 : vector<40x128xi32> to vector<1x40x128xi32>
    tpu.vector_store %arg6[%swap3A_423, %swap3A_424, %swap3A_425], %swap3A_428 {strides = array<i32>} : memref<27x40x128xi32, #tpu.memory_space<vmem>>, vector<1x40x128xi32>,
    %mul3A_429 = arith.constant -3.000000e+00 : f32
    %mul3A_430 = vector.broadcast %mul3A_429 : f32 to vector<40x128xf32>
    %mul3A_431 = arith.mulf %mul3A_430, %div3A_275 : vector<40x128xf32>
    %add3A_432 = arith.addf %div3A_250, %mul3A_431 : vector<40x128xf32>
    %swap3A_433 = arith.constant 4 : index
    %swap3A_434 = arith.constant 0 : index
    %swap3A_435 = arith.constant 0 : index
    %swap3A_436 = vector.load %arg5[%swap3A_433, %swap3A_434, %swap3A_435] : memref<27x40x128xf32, #tpu.memory_space<vmem>>, vector<1x40x128xf32>
    %swap3A_437 = vector.shape_cast %swap3A_436 : vector<1x40x128xf32> to vector<40x128xf32>
    %swap3A_438 = vector.shape_cast %add3A_432 : vector<40x128xf32> to vector<1x40x128xf32>
    tpu.vector_store %arg5[%swap3A_433, %swap3A_434, %swap3A_435], %swap3A_438 {strides = array<i32>} : memref<27x40x128xf32, #tpu.memory_space<vmem>>, vector<1x40x128xf32>,
    %floor3A_439 = math.floor %add3A_432 : vector<40x128xf32>
    %convert_element_type3A_440 = arith.fptosi %floor3A_439 : vector<40x128xf32> to vector<40x128xi32>
    %swap3A_441 = arith.constant 4 : index
    %swap3A_442 = arith.constant 0 : index
    %swap3A_443 = arith.constant 0 : index
    %swap3A_444 = vector.load %arg6[%swap3A_441, %swap3A_442, %swap3A_443] : memref<27x40x128xi32, #tpu.memory_space<vmem>>, vector<1x40x128xi32>
    %swap3A_445 = vector.shape_cast %swap3A_444 : vector<1x40x128xi32> to vector<40x128xi32>
    %swap3A_446 = vector.shape_cast %convert_element_type3A_440 : vector<40x128xi32> to vector<1x40x128xi32>
    tpu.vector_store %arg6[%swap3A_441, %swap3A_442, %swap3A_443], %swap3A_446 {strides = array<i32>} : memref<27x40x128xi32, #tpu.memory_space<vmem>>, vector<1x40x128xi32>,
    %mul3A_447 = arith.constant -3.000000e+00 : f32
    %mul3A_448 = vector.broadcast %mul3A_447 : f32 to vector<40x128xf32>
    %mul3A_449 = arith.mulf %mul3A_448, %div3A_276 : vector<40x128xf32>
    %add3A_450 = arith.addf %div3A_254, %mul3A_449 : vector<40x128xf32>
    %swap3A_451 = arith.constant 5 : index
    %swap3A_452 = arith.constant 0 : index
    %swap3A_453 = arith.constant 0 : index
    %swap3A_454 = vector.load %arg5[%swap3A_451, %swap3A_452, %swap3A_453] : memref<27x40x128xf32, #tpu.memory_space<vmem>>, vector<1x40x128xf32>
    %swap3A_455 = vector.shape_cast %swap3A_454 : vector<1x40x128xf32> to vector<40x128xf32>
    %swap3A_456 = vector.shape_cast %add3A_450 : vector<40x128xf32> to vector<1x40x128xf32>
    tpu.vector_store %arg5[%swap3A_451, %swap3A_452, %swap3A_453], %swap3A_456 {strides = array<i32>} : memref<27x40x128xf32, #tpu.memory_space<vmem>>, vector<1x40x128xf32>,
    %floor3A_457 = math.floor %add3A_450 : vector<40x128xf32>
    %convert_element_type3A_458 = arith.fptosi %floor3A_457 : vector<40x128xf32> to vector<40x128xi32>
    %swap3A_459 = arith.constant 5 : index
    %swap3A_460 = arith.constant 0 : index
    %swap3A_461 = arith.constant 0 : index
    %swap3A_462 = vector.load %arg6[%swap3A_459, %swap3A_460, %swap3A_461] : memref<27x40x128xi32, #tpu.memory_space<vmem>>, vector<1x40x128xi32>
    %swap3A_463 = vector.shape_cast %swap3A_462 : vector<1x40x128xi32> to vector<40x128xi32>
    %swap3A_464 = vector.shape_cast %convert_element_type3A_458 : vector<40x128xi32> to vector<1x40x128xi32>
    tpu.vector_store %arg6[%swap3A_459, %swap3A_460, %swap3A_461], %swap3A_464 {strides = array<i32>} : memref<27x40x128xi32, #tpu.memory_space<vmem>>, vector<1x40x128xi32>,
    %ge3A_465 = arith.constant 0 : i32
    %ge3A_466 = vector.broadcast %ge3A_465 : i32 to vector<40x128xi32>
    %ge3A_467 = arith.cmpi sge, %convert_element_type3A_422, %ge3A_466 : vector<40x128xi32>
    %lt3A_468 = arith.constant 256 : i32
    %lt3A_469 = vector.broadcast %lt3A_468 : i32 to vector<40x128xi32>
    %lt3A_470 = arith.cmpi slt, %convert_element_type3A_422, %lt3A_469 : vector<40x128xi32>
    %and3A_471 = arith.andi %ge3A_467, %lt3A_470 : vector<40x128xi1>
    %ge3A_472 = arith.constant 0 : i32
    %ge3A_473 = vector.broadcast %ge3A_472 : i32 to vector<40x128xi32>
    %ge3A_474 = arith.cmpi sge, %convert_element_type3A_440, %ge3A_473 : vector<40x128xi32>
    %and3A_475 = arith.andi %and3A_471, %ge3A_474 : vector<40x128xi1>
    %lt3A_476 = arith.constant 256 : i32
    %lt3A_477 = vector.broadcast %lt3A_476 : i32 to vector<40x128xi32>
    %lt3A_478 = arith.cmpi slt, %convert_element_type3A_440, %lt3A_477 : vector<40x128xi32>
    %and3A_479 = arith.andi %and3A_475, %lt3A_478 : vector<40x128xi1>
    %ge3A_480 = arith.constant 0 : i32
    %ge3A_481 = vector.broadcast %ge3A_480 : i32 to vector<40x128xi32>
    %ge3A_482 = arith.cmpi sge, %convert_element_type3A_458, %ge3A_481 : vector<40x128xi32>
    %and3A_483 = arith.andi %and3A_479, %ge3A_482 : vector<40x128xi1>
    %lt3A_484 = arith.constant 256 : i32
    %lt3A_485 = vector.broadcast %lt3A_484 : i32 to vector<40x128xi32>
    %lt3A_486 = arith.cmpi slt, %convert_element_type3A_458, %lt3A_485 : vector<40x128xi32>
    %and3A_487 = arith.andi %and3A_483, %lt3A_486 : vector<40x128xi1>
    %jit3A_488 = arith.constant 0 : i32
    %jit3A_489 = arith.constant 255 : i32
    %max3A_490 = vector.broadcast %jit3A_488 : i32 to vector<40x128xi32>
    %max3A_491 = arith.maxsi %max3A_490, %convert_element_type3A_422 : vector<40x128xi32>
    %min3A_492 = vector.broadcast %jit3A_489 : i32 to vector<40x128xi32>
    %min3A_493 = arith.minsi %min3A_492, %max3A_491 : vector<40x128xi32>
    %jit3A_494 = arith.constant 0 : i32
    %jit3A_495 = arith.constant 255 : i32
    %max3A_496 = vector.broadcast %jit3A_494 : i32 to vector<40x128xi32>
    %max3A_497 = arith.maxsi %max3A_496, %convert_element_type3A_440 : vector<40x128xi32>
    %min3A_498 = vector.broadcast %jit3A_495 : i32 to vector<40x128xi32>
    %min3A_499 = arith.minsi %min3A_498, %max3A_497 : vector<40x128xi32>
    %jit3A_500 = arith.constant 0 : i32
    %jit3A_501 = arith.constant 255 : i32
    %max3A_502 = vector.broadcast %jit3A_500 : i32 to vector<40x128xi32>
    %max3A_503 = arith.maxsi %max3A_502, %convert_element_type3A_458 : vector<40x128xi32>
    %min3A_504 = vector.broadcast %jit3A_501 : i32 to vector<40x128xi32>
    %min3A_505 = arith.minsi %min3A_504, %max3A_503 : vector<40x128xi32>
    %mul3A_506 = arith.constant 65536 : i32
    %mul3A_507 = vector.broadcast %mul3A_506 : i32 to vector<40x128xi32>
    %mul3A_508 = arith.muli %min3A_493, %mul3A_507 : vector<40x128xi32>
    %mul3A_509 = arith.constant 256 : i32
    %mul3A_510 = vector.broadcast %mul3A_509 : i32 to vector<40x128xi32>
    %mul3A_511 = arith.muli %min3A_499, %mul3A_510 : vector<40x128xi32>
    %add3A_512 = arith.addi %mul3A_508, %mul3A_511 : vector<40x128xi32>
    %add3A_513 = arith.addi %add3A_512, %min3A_505 : vector<40x128xi32>
    %swap3A_514 = arith.constant 1 : index
    %swap3A_515 = arith.constant 0 : index
    %swap3A_516 = arith.constant 0 : index
    %swap3A_517 = vector.load %arg7[%swap3A_514, %swap3A_515, %swap3A_516] : memref<9x40x128xi32, #tpu.memory_space<vmem>>, vector<1x40x128xi32>
    %swap3A_518 = vector.shape_cast %swap3A_517 : vector<1x40x128xi32> to vector<40x128xi32>
    %swap3A_519 = vector.shape_cast %add3A_513 : vector<40x128xi32> to vector<1x40x128xi32>
    tpu.vector_store %arg7[%swap3A_514, %swap3A_515, %swap3A_516], %swap3A_519 {strides = array<i32>} : memref<9x40x128xi32, #tpu.memory_space<vmem>>, vector<1x40x128xi32>,
    %jit3A_520 = arith.constant 1.000000e+00 : f32
    %jit3A_521 = arith.constant 0.000000e+00 : f32
    %broadcast_in_dim3A_522 = vector.broadcast %jit3A_520 : f32 to vector<40x128xf32>
    %broadcast_in_dim3A_523 = vector.broadcast %jit3A_521 : f32 to vector<40x128xf32>
    %select_n3A_524 = arith.select %and3A_487, %broadcast_in_dim3A_522, %broadcast_in_dim3A_523 : vector<40x128xi1>, vector<40x128xf32>
    %swap3A_525 = arith.constant 1 : index
    %swap3A_526 = arith.constant 0 : index
    %swap3A_527 = arith.constant 0 : index
    %swap3A_528 = vector.load %arg8[%swap3A_525, %swap3A_526, %swap3A_527] : memref<9x40x128xf32, #tpu.memory_space<vmem>>, vector<1x40x128xf32>
    %swap3A_529 = vector.shape_cast %swap3A_528 : vector<1x40x128xf32> to vector<40x128xf32>
    %swap3A_530 = vector.shape_cast %select_n3A_524 : vector<40x128xf32> to vector<1x40x128xf32>
    tpu.vector_store %arg8[%swap3A_525, %swap3A_526, %swap3A_527], %swap3A_530 {strides = array<i32>} : memref<9x40x128xf32, #tpu.memory_space<vmem>>, vector<1x40x128xf32>,
    %mul3A_531 = arith.constant -2.000000e+00 : f32
    %mul3A_532 = vector.broadcast %mul3A_531 : f32 to vector<40x128xf32>
    %mul3A_533 = arith.mulf %mul3A_532, %div3A_274 : vector<40x128xf32>
    %add3A_534 = arith.addf %div3A_246, %mul3A_533 : vector<40x128xf32>
    %swap3A_535 = arith.constant 6 : index
    %swap3A_536 = arith.constant 0 : index
    %swap3A_537 = arith.constant 0 : index
    %swap3A_538 = vector.load %arg5[%swap3A_535, %swap3A_536, %swap3A_537] : memref<27x40x128xf32, #tpu.memory_space<vmem>>, vector<1x40x128xf32>
    %swap3A_539 = vector.shape_cast %swap3A_538 : vector<1x40x128xf32> to vector<40x128xf32>
    %swap3A_540 = vector.shape_cast %add3A_534 : vector<40x128xf32> to vector<1x40x128xf32>
    tpu.vector_store %arg5[%swap3A_535, %swap3A_536, %swap3A_537], %swap3A_540 {strides = array<i32>} : memref<27x40x128xf32, #tpu.memory_space<vmem>>, vector<1x40x128xf32>,
    %floor3A_541 = math.floor %add3A_534 : vector<40x128xf32>
    %convert_element_type3A_542 = arith.fptosi %floor3A_541 : vector<40x128xf32> to vector<40x128xi32>
    %swap3A_543 = arith.constant 6 : index
    %swap3A_544 = arith.constant 0 : index
    %swap3A_545 = arith.constant 0 : index
    %swap3A_546 = vector.load %arg6[%swap3A_543, %swap3A_544, %swap3A_545] : memref<27x40x128xi32, #tpu.memory_space<vmem>>, vector<1x40x128xi32>
    %swap3A_547 = vector.shape_cast %swap3A_546 : vector<1x40x128xi32> to vector<40x128xi32>
    %swap3A_548 = vector.shape_cast %convert_element_type3A_542 : vector<40x128xi32> to vector<1x40x128xi32>
    tpu.vector_store %arg6[%swap3A_543, %swap3A_544, %swap3A_545], %swap3A_548 {strides = array<i32>} : memref<27x40x128xi32, #tpu.memory_space<vmem>>, vector<1x40x128xi32>,
    %mul3A_549 = arith.constant -2.000000e+00 : f32
    %mul3A_550 = vector.broadcast %mul3A_549 : f32 to vector<40x128xf32>
    %mul3A_551 = arith.mulf %mul3A_550, %div3A_275 : vector<40x128xf32>
    %add3A_552 = arith.addf %div3A_250, %mul3A_551 : vector<40x128xf32>
    %swap3A_553 = arith.constant 7 : index
    %swap3A_554 = arith.constant 0 : index
    %swap3A_555 = arith.constant 0 : index
    %swap3A_556 = vector.load %arg5[%swap3A_553, %swap3A_554, %swap3A_555] : memref<27x40x128xf32, #tpu.memory_space<vmem>>, vector<1x40x128xf32>
    %swap3A_557 = vector.shape_cast %swap3A_556 : vector<1x40x128xf32> to vector<40x128xf32>
    %swap3A_558 = vector.shape_cast %add3A_552 : vector<40x128xf32> to vector<1x40x128xf32>
    tpu.vector_store %arg5[%swap3A_553, %swap3A_554, %swap3A_555], %swap3A_558 {strides = array<i32>} : memref<27x40x128xf32, #tpu.memory_space<vmem>>, vector<1x40x128xf32>,
    %floor3A_559 = math.floor %add3A_552 : vector<40x128xf32>
    %convert_element_type3A_560 = arith.fptosi %floor3A_559 : vector<40x128xf32> to vector<40x128xi32>
    %swap3A_561 = arith.constant 7 : index
    %swap3A_562 = arith.constant 0 : index
    %swap3A_563 = arith.constant 0 : index
    %swap3A_564 = vector.load %arg6[%swap3A_561, %swap3A_562, %swap3A_563] : memref<27x40x128xi32, #tpu.memory_space<vmem>>, vector<1x40x128xi32>
    %swap3A_565 = vector.shape_cast %swap3A_564 : vector<1x40x128xi32> to vector<40x128xi32>
    %swap3A_566 = vector.shape_cast %convert_element_type3A_560 : vector<40x128xi32> to vector<1x40x128xi32>
    tpu.vector_store %arg6[%swap3A_561, %swap3A_562, %swap3A_563], %swap3A_566 {strides = array<i32>} : memref<27x40x128xi32, #tpu.memory_space<vmem>>, vector<1x40x128xi32>,
    %mul3A_567 = arith.constant -2.000000e+00 : f32
    %mul3A_568 = vector.broadcast %mul3A_567 : f32 to vector<40x128xf32>
    %mul3A_569 = arith.mulf %mul3A_568, %div3A_276 : vector<40x128xf32>
    %add3A_570 = arith.addf %div3A_254, %mul3A_569 : vector<40x128xf32>
    %swap3A_571 = arith.constant 8 : index
    %swap3A_572 = arith.constant 0 : index
    %swap3A_573 = arith.constant 0 : index
    %swap3A_574 = vector.load %arg5[%swap3A_571, %swap3A_572, %swap3A_573] : memref<27x40x128xf32, #tpu.memory_space<vmem>>, vector<1x40x128xf32>
    %swap3A_575 = vector.shape_cast %swap3A_574 : vector<1x40x128xf32> to vector<40x128xf32>
    %swap3A_576 = vector.shape_cast %add3A_570 : vector<40x128xf32> to vector<1x40x128xf32>
    tpu.vector_store %arg5[%swap3A_571, %swap3A_572, %swap3A_573], %swap3A_576 {strides = array<i32>} : memref<27x40x128xf32, #tpu.memory_space<vmem>>, vector<1x40x128xf32>,
    %floor3A_577 = math.floor %add3A_570 : vector<40x128xf32>
    %convert_element_type3A_578 = arith.fptosi %floor3A_577 : vector<40x128xf32> to vector<40x128xi32>
    %swap3A_579 = arith.constant 8 : index
    %swap3A_580 = arith.constant 0 : index
    %swap3A_581 = arith.constant 0 : index
    %swap3A_582 = vector.load %arg6[%swap3A_579, %swap3A_580, %swap3A_581] : memref<27x40x128xi32, #tpu.memory_space<vmem>>, vector<1x40x128xi32>
    %swap3A_583 = vector.shape_cast %swap3A_582 : vector<1x40x128xi32> to vector<40x128xi32>
    %swap3A_584 = vector.shape_cast %convert_element_type3A_578 : vector<40x128xi32> to vector<1x40x128xi32>
    tpu.vector_store %arg6[%swap3A_579, %swap3A_580, %swap3A_581], %swap3A_584 {strides = array<i32>} : memref<27x40x128xi32, #tpu.memory_space<vmem>>, vector<1x40x128xi32>,
    %ge3A_585 = arith.constant 0 : i32
    %ge3A_586 = vector.broadcast %ge3A_585 : i32 to vector<40x128xi32>
    %ge3A_587 = arith.cmpi sge, %convert_element_type3A_542, %ge3A_586 : vector<40x128xi32>
    %lt3A_588 = arith.constant 256 : i32
    %lt3A_589 = vector.broadcast %lt3A_588 : i32 to vector<40x128xi32>
    %lt3A_590 = arith.cmpi slt, %convert_element_type3A_542, %lt3A_589 : vector<40x128xi32>
    %and3A_591 = arith.andi %ge3A_587, %lt3A_590 : vector<40x128xi1>
    %ge3A_592 = arith.constant 0 : i32
    %ge3A_593 = vector.broadcast %ge3A_592 : i32 to vector<40x128xi32>
    %ge3A_594 = arith.cmpi sge, %convert_element_type3A_560, %ge3A_593 : vector<40x128xi32>
    %and3A_595 = arith.andi %and3A_591, %ge3A_594 : vector<40x128xi1>
    %lt3A_596 = arith.constant 256 : i32
    %lt3A_597 = vector.broadcast %lt3A_596 : i32 to vector<40x128xi32>
    %lt3A_598 = arith.cmpi slt, %convert_element_type3A_560, %lt3A_597 : vector<40x128xi32>
    %and3A_599 = arith.andi %and3A_595, %lt3A_598 : vector<40x128xi1>
    %ge3A_600 = arith.constant 0 : i32
    %ge3A_601 = vector.broadcast %ge3A_600 : i32 to vector<40x128xi32>
    %ge3A_602 = arith.cmpi sge, %convert_element_type3A_578, %ge3A_601 : vector<40x128xi32>
    %and3A_603 = arith.andi %and3A_599, %ge3A_602 : vector<40x128xi1>
    %lt3A_604 = arith.constant 256 : i32
    %lt3A_605 = vector.broadcast %lt3A_604 : i32 to vector<40x128xi32>
    %lt3A_606 = arith.cmpi slt, %convert_element_type3A_578, %lt3A_605 : vector<40x128xi32>
    %and3A_607 = arith.andi %and3A_603, %lt3A_606 : vector<40x128xi1>
    %jit3A_608 = arith.constant 0 : i32
    %jit3A_609 = arith.constant 255 : i32
    %max3A_610 = vector.broadcast %jit3A_608 : i32 to vector<40x128xi32>
    %max3A_611 = arith.maxsi %max3A_610, %convert_element_type3A_542 : vector<40x128xi32>
    %min3A_612 = vector.broadcast %jit3A_609 : i32 to vector<40x128xi32>
    %min3A_613 = arith.minsi %min3A_612, %max3A_611 : vector<40x128xi32>
    %jit3A_614 = arith.constant 0 : i32
    %jit3A_615 = arith.constant 255 : i32
    %max3A_616 = vector.broadcast %jit3A_614 : i32 to vector<40x128xi32>
    %max3A_617 = arith.maxsi %max3A_616, %convert_element_type3A_560 : vector<40x128xi32>
    %min3A_618 = vector.broadcast %jit3A_615 : i32 to vector<40x128xi32>
    %min3A_619 = arith.minsi %min3A_618, %max3A_617 : vector<40x128xi32>
    %jit3A_620 = arith.constant 0 : i32
    %jit3A_621 = arith.constant 255 : i32
    %max3A_622 = vector.broadcast %jit3A_620 : i32 to vector<40x128xi32>
    %max3A_623 = arith.maxsi %max3A_622, %convert_element_type3A_578 : vector<40x128xi32>
    %min3A_624 = vector.broadcast %jit3A_621 : i32 to vector<40x128xi32>
    %min3A_625 = arith.minsi %min3A_624, %max3A_623 : vector<40x128xi32>
    %mul3A_626 = arith.constant 65536 : i32
    %mul3A_627 = vector.broadcast %mul3A_626 : i32 to vector<40x128xi32>
    %mul3A_628 = arith.muli %min3A_613, %mul3A_627 : vector<40x128xi32>
    %mul3A_629 = arith.constant 256 : i32
    %mul3A_630 = vector.broadcast %mul3A_629 : i32 to vector<40x128xi32>
    %mul3A_631 = arith.muli %min3A_619, %mul3A_630 : vector<40x128xi32>
    %add3A_632 = arith.addi %mul3A_628, %mul3A_631 : vector<40x128xi32>
    %add3A_633 = arith.addi %add3A_632, %min3A_625 : vector<40x128xi32>
    %swap3A_634 = arith.constant 2 : index
    %swap3A_635 = arith.constant 0 : index
    %swap3A_636 = arith.constant 0 : index
    %swap3A_637 = vector.load %arg7[%swap3A_634, %swap3A_635, %swap3A_636] : memref<9x40x128xi32, #tpu.memory_space<vmem>>, vector<1x40x128xi32>
    %swap3A_638 = vector.shape_cast %swap3A_637 : vector<1x40x128xi32> to vector<40x128xi32>
    %swap3A_639 = vector.shape_cast %add3A_633 : vector<40x128xi32> to vector<1x40x128xi32>
    tpu.vector_store %arg7[%swap3A_634, %swap3A_635, %swap3A_636], %swap3A_639 {strides = array<i32>} : memref<9x40x128xi32, #tpu.memory_space<vmem>>, vector<1x40x128xi32>,
    %jit3A_640 = arith.constant 1.000000e+00 : f32
    %jit3A_641 = arith.constant 0.000000e+00 : f32
    %broadcast_in_dim3A_642 = vector.broadcast %jit3A_640 : f32 to vector<40x128xf32>
    %broadcast_in_dim3A_643 = vector.broadcast %jit3A_641 : f32 to vector<40x128xf32>
    %select_n3A_644 = arith.select %and3A_607, %broadcast_in_dim3A_642, %broadcast_in_dim3A_643 : vector<40x128xi1>, vector<40x128xf32>
    %swap3A_645 = arith.constant 2 : index
    %swap3A_646 = arith.constant 0 : index
    %swap3A_647 = arith.constant 0 : index
    %swap3A_648 = vector.load %arg8[%swap3A_645, %swap3A_646, %swap3A_647] : memref<9x40x128xf32, #tpu.memory_space<vmem>>, vector<1x40x128xf32>
    %swap3A_649 = vector.shape_cast %swap3A_648 : vector<1x40x128xf32> to vector<40x128xf32>
    %swap3A_650 = vector.shape_cast %select_n3A_644 : vector<40x128xf32> to vector<1x40x128xf32>
    tpu.vector_store %arg8[%swap3A_645, %swap3A_646, %swap3A_647], %swap3A_650 {strides = array<i32>} : memref<9x40x128xf32, #tpu.memory_space<vmem>>, vector<1x40x128xf32>,
    %mul3A_651 = arith.constant -1.000000e+00 : f32
    %mul3A_652 = vector.broadcast %mul3A_651 : f32 to vector<40x128xf32>
    %mul3A_653 = arith.mulf %mul3A_652, %div3A_274 : vector<40x128xf32>
    %add3A_654 = arith.addf %div3A_246, %mul3A_653 : vector<40x128xf32>
    %swap3A_655 = arith.constant 9 : index
    %swap3A_656 = arith.constant 0 : index
    %swap3A_657 = arith.constant 0 : index
    %swap3A_658 = vector.load %arg5[%swap3A_655, %swap3A_656, %swap3A_657] : memref<27x40x128xf32, #tpu.memory_space<vmem>>, vector<1x40x128xf32>
    %swap3A_659 = vector.shape_cast %swap3A_658 : vector<1x40x128xf32> to vector<40x128xf32>
    %swap3A_660 = vector.shape_cast %add3A_654 : vector<40x128xf32> to vector<1x40x128xf32>
    tpu.vector_store %arg5[%swap3A_655, %swap3A_656, %swap3A_657], %swap3A_660 {strides = array<i32>} : memref<27x40x128xf32, #tpu.memory_space<vmem>>, vector<1x40x128xf32>,
    %floor3A_661 = math.floor %add3A_654 : vector<40x128xf32>
    %convert_element_type3A_662 = arith.fptosi %floor3A_661 : vector<40x128xf32> to vector<40x128xi32>
    %swap3A_663 = arith.constant 9 : index
    %swap3A_664 = arith.constant 0 : index
    %swap3A_665 = arith.constant 0 : index
    %swap3A_666 = vector.load %arg6[%swap3A_663, %swap3A_664, %swap3A_665] : memref<27x40x128xi32, #tpu.memory_space<vmem>>, vector<1x40x128xi32>
    %swap3A_667 = vector.shape_cast %swap3A_666 : vector<1x40x128xi32> to vector<40x128xi32>
    %swap3A_668 = vector.shape_cast %convert_element_type3A_662 : vector<40x128xi32> to vector<1x40x128xi32>
    tpu.vector_store %arg6[%swap3A_663, %swap3A_664, %swap3A_665], %swap3A_668 {strides = array<i32>} : memref<27x40x128xi32, #tpu.memory_space<vmem>>, vector<1x40x128xi32>,
    %mul3A_669 = arith.constant -1.000000e+00 : f32
    %mul3A_670 = vector.broadcast %mul3A_669 : f32 to vector<40x128xf32>
    %mul3A_671 = arith.mulf %mul3A_670, %div3A_275 : vector<40x128xf32>
    %add3A_672 = arith.addf %div3A_250, %mul3A_671 : vector<40x128xf32>
    %swap3A_673 = arith.constant 10 : index
    %swap3A_674 = arith.constant 0 : index
    %swap3A_675 = arith.constant 0 : index
    %swap3A_676 = vector.load %arg5[%swap3A_673, %swap3A_674, %swap3A_675] : memref<27x40x128xf32, #tpu.memory_space<vmem>>, vector<1x40x128xf32>
    %swap3A_677 = vector.shape_cast %swap3A_676 : vector<1x40x128xf32> to vector<40x128xf32>
    %swap3A_678 = vector.shape_cast %add3A_672 : vector<40x128xf32> to vector<1x40x128xf32>
    tpu.vector_store %arg5[%swap3A_673, %swap3A_674, %swap3A_675], %swap3A_678 {strides = array<i32>} : memref<27x40x128xf32, #tpu.memory_space<vmem>>, vector<1x40x128xf32>,
    %floor3A_679 = math.floor %add3A_672 : vector<40x128xf32>
    %convert_element_type3A_680 = arith.fptosi %floor3A_679 : vector<40x128xf32> to vector<40x128xi32>
    %swap3A_681 = arith.constant 10 : index
    %swap3A_682 = arith.constant 0 : index
    %swap3A_683 = arith.constant 0 : index
    %swap3A_684 = vector.load %arg6[%swap3A_681, %swap3A_682, %swap3A_683] : memref<27x40x128xi32, #tpu.memory_space<vmem>>, vector<1x40x128xi32>
    %swap3A_685 = vector.shape_cast %swap3A_684 : vector<1x40x128xi32> to vector<40x128xi32>
    %swap3A_686 = vector.shape_cast %convert_element_type3A_680 : vector<40x128xi32> to vector<1x40x128xi32>
    tpu.vector_store %arg6[%swap3A_681, %swap3A_682, %swap3A_683], %swap3A_686 {strides = array<i32>} : memref<27x40x128xi32, #tpu.memory_space<vmem>>, vector<1x40x128xi32>,
    %mul3A_687 = arith.constant -1.000000e+00 : f32
    %mul3A_688 = vector.broadcast %mul3A_687 : f32 to vector<40x128xf32>
    %mul3A_689 = arith.mulf %mul3A_688, %div3A_276 : vector<40x128xf32>
    %add3A_690 = arith.addf %div3A_254, %mul3A_689 : vector<40x128xf32>
    %swap3A_691 = arith.constant 11 : index
    %swap3A_692 = arith.constant 0 : index
    %swap3A_693 = arith.constant 0 : index
    %swap3A_694 = vector.load %arg5[%swap3A_691, %swap3A_692, %swap3A_693] : memref<27x40x128xf32, #tpu.memory_space<vmem>>, vector<1x40x128xf32>
    %swap3A_695 = vector.shape_cast %swap3A_694 : vector<1x40x128xf32> to vector<40x128xf32>
    %swap3A_696 = vector.shape_cast %add3A_690 : vector<40x128xf32> to vector<1x40x128xf32>
    tpu.vector_store %arg5[%swap3A_691, %swap3A_692, %swap3A_693], %swap3A_696 {strides = array<i32>} : memref<27x40x128xf32, #tpu.memory_space<vmem>>, vector<1x40x128xf32>,
    %floor3A_697 = math.floor %add3A_690 : vector<40x128xf32>
    %convert_element_type3A_698 = arith.fptosi %floor3A_697 : vector<40x128xf32> to vector<40x128xi32>
    %swap3A_699 = arith.constant 11 : index
    %swap3A_700 = arith.constant 0 : index
    %swap3A_701 = arith.constant 0 : index
    %swap3A_702 = vector.load %arg6[%swap3A_699, %swap3A_700, %swap3A_701] : memref<27x40x128xi32, #tpu.memory_space<vmem>>, vector<1x40x128xi32>
    %swap3A_703 = vector.shape_cast %swap3A_702 : vector<1x40x128xi32> to vector<40x128xi32>
    %swap3A_704 = vector.shape_cast %convert_element_type3A_698 : vector<40x128xi32> to vector<1x40x128xi32>
    tpu.vector_store %arg6[%swap3A_699, %swap3A_700, %swap3A_701], %swap3A_704 {strides = array<i32>} : memref<27x40x128xi32, #tpu.memory_space<vmem>>, vector<1x40x128xi32>,
    %ge3A_705 = arith.constant 0 : i32
    %ge3A_706 = vector.broadcast %ge3A_705 : i32 to vector<40x128xi32>
    %ge3A_707 = arith.cmpi sge, %convert_element_type3A_662, %ge3A_706 : vector<40x128xi32>
    %lt3A_708 = arith.constant 256 : i32
    %lt3A_709 = vector.broadcast %lt3A_708 : i32 to vector<40x128xi32>
    %lt3A_710 = arith.cmpi slt, %convert_element_type3A_662, %lt3A_709 : vector<40x128xi32>
    %and3A_711 = arith.andi %ge3A_707, %lt3A_710 : vector<40x128xi1>
    %ge3A_712 = arith.constant 0 : i32
    %ge3A_713 = vector.broadcast %ge3A_712 : i32 to vector<40x128xi32>
    %ge3A_714 = arith.cmpi sge, %convert_element_type3A_680, %ge3A_713 : vector<40x128xi32>
    %and3A_715 = arith.andi %and3A_711, %ge3A_714 : vector<40x128xi1>
    %lt3A_716 = arith.constant 256 : i32
    %lt3A_717 = vector.broadcast %lt3A_716 : i32 to vector<40x128xi32>
    %lt3A_718 = arith.cmpi slt, %convert_element_type3A_680, %lt3A_717 : vector<40x128xi32>
    %and3A_719 = arith.andi %and3A_715, %lt3A_718 : vector<40x128xi1>
    %ge3A_720 = arith.constant 0 : i32
    %ge3A_721 = vector.broadcast %ge3A_720 : i32 to vector<40x128xi32>
    %ge3A_722 = arith.cmpi sge, %convert_element_type3A_698, %ge3A_721 : vector<40x128xi32>
    %and3A_723 = arith.andi %and3A_719, %ge3A_722 : vector<40x128xi1>
    %lt3A_724 = arith.constant 256 : i32
    %lt3A_725 = vector.broadcast %lt3A_724 : i32 to vector<40x128xi32>
    %lt3A_726 = arith.cmpi slt, %convert_element_type3A_698, %lt3A_725 : vector<40x128xi32>
    %and3A_727 = arith.andi %and3A_723, %lt3A_726 : vector<40x128xi1>
    %jit3A_728 = arith.constant 0 : i32
    %jit3A_729 = arith.constant 255 : i32
    %max3A_730 = vector.broadcast %jit3A_728 : i32 to vector<40x128xi32>
    %max3A_731 = arith.maxsi %max3A_730, %convert_element_type3A_662 : vector<40x128xi32>
    %min3A_732 = vector.broadcast %jit3A_729 : i32 to vector<40x128xi32>
    %min3A_733 = arith.minsi %min3A_732, %max3A_731 : vector<40x128xi32>
    %jit3A_734 = arith.constant 0 : i32
    %jit3A_735 = arith.constant 255 : i32
    %max3A_736 = vector.broadcast %jit3A_734 : i32 to vector<40x128xi32>
    %max3A_737 = arith.maxsi %max3A_736, %convert_element_type3A_680 : vector<40x128xi32>
    %min3A_738 = vector.broadcast %jit3A_735 : i32 to vector<40x128xi32>
    %min3A_739 = arith.minsi %min3A_738, %max3A_737 : vector<40x128xi32>
    %jit3A_740 = arith.constant 0 : i32
    %jit3A_741 = arith.constant 255 : i32
    %max3A_742 = vector.broadcast %jit3A_740 : i32 to vector<40x128xi32>
    %max3A_743 = arith.maxsi %max3A_742, %convert_element_type3A_698 : vector<40x128xi32>
    %min3A_744 = vector.broadcast %jit3A_741 : i32 to vector<40x128xi32>
    %min3A_745 = arith.minsi %min3A_744, %max3A_743 : vector<40x128xi32>
    %mul3A_746 = arith.constant 65536 : i32
    %mul3A_747 = vector.broadcast %mul3A_746 : i32 to vector<40x128xi32>
    %mul3A_748 = arith.muli %min3A_733, %mul3A_747 : vector<40x128xi32>
    %mul3A_749 = arith.constant 256 : i32
    %mul3A_750 = vector.broadcast %mul3A_749 : i32 to vector<40x128xi32>
    %mul3A_751 = arith.muli %min3A_739, %mul3A_750 : vector<40x128xi32>
    %add3A_752 = arith.addi %mul3A_748, %mul3A_751 : vector<40x128xi32>
    %add3A_753 = arith.addi %add3A_752, %min3A_745 : vector<40x128xi32>
    %swap3A_754 = arith.constant 3 : index
    %swap3A_755 = arith.constant 0 : index
    %swap3A_756 = arith.constant 0 : index
    %swap3A_757 = vector.load %arg7[%swap3A_754, %swap3A_755, %swap3A_756] : memref<9x40x128xi32, #tpu.memory_space<vmem>>, vector<1x40x128xi32>
    %swap3A_758 = vector.shape_cast %swap3A_757 : vector<1x40x128xi32> to vector<40x128xi32>
    %swap3A_759 = vector.shape_cast %add3A_753 : vector<40x128xi32> to vector<1x40x128xi32>
    tpu.vector_store %arg7[%swap3A_754, %swap3A_755, %swap3A_756], %swap3A_759 {strides = array<i32>} : memref<9x40x128xi32, #tpu.memory_space<vmem>>, vector<1x40x128xi32>,
    %jit3A_760 = arith.constant 1.000000e+00 : f32
    %jit3A_761 = arith.constant 0.000000e+00 : f32
    %broadcast_in_dim3A_762 = vector.broadcast %jit3A_760 : f32 to vector<40x128xf32>
    %broadcast_in_dim3A_763 = vector.broadcast %jit3A_761 : f32 to vector<40x128xf32>
    %select_n3A_764 = arith.select %and3A_727, %broadcast_in_dim3A_762, %broadcast_in_dim3A_763 : vector<40x128xi1>, vector<40x128xf32>
    %swap3A_765 = arith.constant 3 : index
    %swap3A_766 = arith.constant 0 : index
    %swap3A_767 = arith.constant 0 : index
    %swap3A_768 = vector.load %arg8[%swap3A_765, %swap3A_766, %swap3A_767] : memref<9x40x128xf32, #tpu.memory_space<vmem>>, vector<1x40x128xf32>
    %swap3A_769 = vector.shape_cast %swap3A_768 : vector<1x40x128xf32> to vector<40x128xf32>
    %swap3A_770 = vector.shape_cast %select_n3A_764 : vector<40x128xf32> to vector<1x40x128xf32>
    tpu.vector_store %arg8[%swap3A_765, %swap3A_766, %swap3A_767], %swap3A_770 {strides = array<i32>} : memref<9x40x128xf32, #tpu.memory_space<vmem>>, vector<1x40x128xf32>,
    %mul3A_771 = arith.constant 0.000000e+00 : f32
    %mul3A_772 = vector.broadcast %mul3A_771 : f32 to vector<40x128xf32>
    %mul3A_773 = arith.mulf %mul3A_772, %div3A_274 : vector<40x128xf32>
    %add3A_774 = arith.addf %div3A_246, %mul3A_773 : vector<40x128xf32>
    %swap3A_775 = arith.constant 12 : index
    %swap3A_776 = arith.constant 0 : index
    %swap3A_777 = arith.constant 0 : index
    %swap3A_778 = vector.load %arg5[%swap3A_775, %swap3A_776, %swap3A_777] : memref<27x40x128xf32, #tpu.memory_space<vmem>>, vector<1x40x128xf32>
    %swap3A_779 = vector.shape_cast %swap3A_778 : vector<1x40x128xf32> to vector<40x128xf32>
    %swap3A_780 = vector.shape_cast %add3A_774 : vector<40x128xf32> to vector<1x40x128xf32>
    tpu.vector_store %arg5[%swap3A_775, %swap3A_776, %swap3A_777], %swap3A_780 {strides = array<i32>} : memref<27x40x128xf32, #tpu.memory_space<vmem>>, vector<1x40x128xf32>,
    %floor3A_781 = math.floor %add3A_774 : vector<40x128xf32>
    %convert_element_type3A_782 = arith.fptosi %floor3A_781 : vector<40x128xf32> to vector<40x128xi32>
    %swap3A_783 = arith.constant 12 : index
    %swap3A_784 = arith.constant 0 : index
    %swap3A_785 = arith.constant 0 : index
    %swap3A_786 = vector.load %arg6[%swap3A_783, %swap3A_784, %swap3A_785] : memref<27x40x128xi32, #tpu.memory_space<vmem>>, vector<1x40x128xi32>
    %swap3A_787 = vector.shape_cast %swap3A_786 : vector<1x40x128xi32> to vector<40x128xi32>
    %swap3A_788 = vector.shape_cast %convert_element_type3A_782 : vector<40x128xi32> to vector<1x40x128xi32>
    tpu.vector_store %arg6[%swap3A_783, %swap3A_784, %swap3A_785], %swap3A_788 {strides = array<i32>} : memref<27x40x128xi32, #tpu.memory_space<vmem>>, vector<1x40x128xi32>,
    %mul3A_789 = arith.constant 0.000000e+00 : f32
    %mul3A_790 = vector.broadcast %mul3A_789 : f32 to vector<40x128xf32>
    %mul3A_791 = arith.mulf %mul3A_790, %div3A_275 : vector<40x128xf32>
    %add3A_792 = arith.addf %div3A_250, %mul3A_791 : vector<40x128xf32>
    %swap3A_793 = arith.constant 13 : index
    %swap3A_794 = arith.constant 0 : index
    %swap3A_795 = arith.constant 0 : index
    %swap3A_796 = vector.load %arg5[%swap3A_793, %swap3A_794, %swap3A_795] : memref<27x40x128xf32, #tpu.memory_space<vmem>>, vector<1x40x128xf32>
    %swap3A_797 = vector.shape_cast %swap3A_796 : vector<1x40x128xf32> to vector<40x128xf32>
    %swap3A_798 = vector.shape_cast %add3A_792 : vector<40x128xf32> to vector<1x40x128xf32>
    tpu.vector_store %arg5[%swap3A_793, %swap3A_794, %swap3A_795], %swap3A_798 {strides = array<i32>} : memref<27x40x128xf32, #tpu.memory_space<vmem>>, vector<1x40x128xf32>,
    %floor3A_799 = math.floor %add3A_792 : vector<40x128xf32>
    %convert_element_type3A_800 = arith.fptosi %floor3A_799 : vector<40x128xf32> to vector<40x128xi32>
    %swap3A_801 = arith.constant 13 : index
    %swap3A_802 = arith.constant 0 : index
    %swap3A_803 = arith.constant 0 : index
    %swap3A_804 = vector.load %arg6[%swap3A_801, %swap3A_802, %swap3A_803] : memref<27x40x128xi32, #tpu.memory_space<vmem>>, vector<1x40x128xi32>
    %swap3A_805 = vector.shape_cast %swap3A_804 : vector<1x40x128xi32> to vector<40x128xi32>
    %swap3A_806 = vector.shape_cast %convert_element_type3A_800 : vector<40x128xi32> to vector<1x40x128xi32>
    tpu.vector_store %arg6[%swap3A_801, %swap3A_802, %swap3A_803], %swap3A_806 {strides = array<i32>} : memref<27x40x128xi32, #tpu.memory_space<vmem>>, vector<1x40x128xi32>,
    %mul3A_807 = arith.constant 0.000000e+00 : f32
    %mul3A_808 = vector.broadcast %mul3A_807 : f32 to vector<40x128xf32>
    %mul3A_809 = arith.mulf %mul3A_808, %div3A_276 : vector<40x128xf32>
    %add3A_810 = arith.addf %div3A_254, %mul3A_809 : vector<40x128xf32>
    %swap3A_811 = arith.constant 14 : index
    %swap3A_812 = arith.constant 0 : index
    %swap3A_813 = arith.constant 0 : index
    %swap3A_814 = vector.load %arg5[%swap3A_811, %swap3A_812, %swap3A_813] : memref<27x40x128xf32, #tpu.memory_space<vmem>>, vector<1x40x128xf32>
    %swap3A_815 = vector.shape_cast %swap3A_814 : vector<1x40x128xf32> to vector<40x128xf32>
    %swap3A_816 = vector.shape_cast %add3A_810 : vector<40x128xf32> to vector<1x40x128xf32>
    tpu.vector_store %arg5[%swap3A_811, %swap3A_812, %swap3A_813], %swap3A_816 {strides = array<i32>} : memref<27x40x128xf32, #tpu.memory_space<vmem>>, vector<1x40x128xf32>,
    %floor3A_817 = math.floor %add3A_810 : vector<40x128xf32>
    %convert_element_type3A_818 = arith.fptosi %floor3A_817 : vector<40x128xf32> to vector<40x128xi32>
    %swap3A_819 = arith.constant 14 : index
    %swap3A_820 = arith.constant 0 : index
    %swap3A_821 = arith.constant 0 : index
    %swap3A_822 = vector.load %arg6[%swap3A_819, %swap3A_820, %swap3A_821] : memref<27x40x128xi32, #tpu.memory_space<vmem>>, vector<1x40x128xi32>
    %swap3A_823 = vector.shape_cast %swap3A_822 : vector<1x40x128xi32> to vector<40x128xi32>
    %swap3A_824 = vector.shape_cast %convert_element_type3A_818 : vector<40x128xi32> to vector<1x40x128xi32>
    tpu.vector_store %arg6[%swap3A_819, %swap3A_820, %swap3A_821], %swap3A_824 {strides = array<i32>} : memref<27x40x128xi32, #tpu.memory_space<vmem>>, vector<1x40x128xi32>,
    %ge3A_825 = arith.constant 0 : i32
    %ge3A_826 = vector.broadcast %ge3A_825 : i32 to vector<40x128xi32>
    %ge3A_827 = arith.cmpi sge, %convert_element_type3A_782, %ge3A_826 : vector<40x128xi32>
    %lt3A_828 = arith.constant 256 : i32
    %lt3A_829 = vector.broadcast %lt3A_828 : i32 to vector<40x128xi32>
    %lt3A_830 = arith.cmpi slt, %convert_element_type3A_782, %lt3A_829 : vector<40x128xi32>
    %and3A_831 = arith.andi %ge3A_827, %lt3A_830 : vector<40x128xi1>
    %ge3A_832 = arith.constant 0 : i32
    %ge3A_833 = vector.broadcast %ge3A_832 : i32 to vector<40x128xi32>
    %ge3A_834 = arith.cmpi sge, %convert_element_type3A_800, %ge3A_833 : vector<40x128xi32>
    %and3A_835 = arith.andi %and3A_831, %ge3A_834 : vector<40x128xi1>
    %lt3A_836 = arith.constant 256 : i32
    %lt3A_837 = vector.broadcast %lt3A_836 : i32 to vector<40x128xi32>
    %lt3A_838 = arith.cmpi slt, %convert_element_type3A_800, %lt3A_837 : vector<40x128xi32>
    %and3A_839 = arith.andi %and3A_835, %lt3A_838 : vector<40x128xi1>
    %ge3A_840 = arith.constant 0 : i32
    %ge3A_841 = vector.broadcast %ge3A_840 : i32 to vector<40x128xi32>
    %ge3A_842 = arith.cmpi sge, %convert_element_type3A_818, %ge3A_841 : vector<40x128xi32>
    %and3A_843 = arith.andi %and3A_839, %ge3A_842 : vector<40x128xi1>
    %lt3A_844 = arith.constant 256 : i32
    %lt3A_845 = vector.broadcast %lt3A_844 : i32 to vector<40x128xi32>
    %lt3A_846 = arith.cmpi slt, %convert_element_type3A_818, %lt3A_845 : vector<40x128xi32>
    %and3A_847 = arith.andi %and3A_843, %lt3A_846 : vector<40x128xi1>
    %jit3A_848 = arith.constant 0 : i32
    %jit3A_849 = arith.constant 255 : i32
    %max3A_850 = vector.broadcast %jit3A_848 : i32 to vector<40x128xi32>
    %max3A_851 = arith.maxsi %max3A_850, %convert_element_type3A_782 : vector<40x128xi32>
    %min3A_852 = vector.broadcast %jit3A_849 : i32 to vector<40x128xi32>
    %min3A_853 = arith.minsi %min3A_852, %max3A_851 : vector<40x128xi32>
    %jit3A_854 = arith.constant 0 : i32
    %jit3A_855 = arith.constant 255 : i32
    %max3A_856 = vector.broadcast %jit3A_854 : i32 to vector<40x128xi32>
    %max3A_857 = arith.maxsi %max3A_856, %convert_element_type3A_800 : vector<40x128xi32>
    %min3A_858 = vector.broadcast %jit3A_855 : i32 to vector<40x128xi32>
    %min3A_859 = arith.minsi %min3A_858, %max3A_857 : vector<40x128xi32>
    %jit3A_860 = arith.constant 0 : i32
    %jit3A_861 = arith.constant 255 : i32
    %max3A_862 = vector.broadcast %jit3A_860 : i32 to vector<40x128xi32>
    %max3A_863 = arith.maxsi %max3A_862, %convert_element_type3A_818 : vector<40x128xi32>
    %min3A_864 = vector.broadcast %jit3A_861 : i32 to vector<40x128xi32>
    %min3A_865 = arith.minsi %min3A_864, %max3A_863 : vector<40x128xi32>
    %mul3A_866 = arith.constant 65536 : i32
    %mul3A_867 = vector.broadcast %mul3A_866 : i32 to vector<40x128xi32>
    %mul3A_868 = arith.muli %min3A_853, %mul3A_867 : vector<40x128xi32>
    %mul3A_869 = arith.constant 256 : i32
    %mul3A_870 = vector.broadcast %mul3A_869 : i32 to vector<40x128xi32>
    %mul3A_871 = arith.muli %min3A_859, %mul3A_870 : vector<40x128xi32>
    %add3A_872 = arith.addi %mul3A_868, %mul3A_871 : vector<40x128xi32>
    %add3A_873 = arith.addi %add3A_872, %min3A_865 : vector<40x128xi32>
    %swap3A_874 = arith.constant 4 : index
    %swap3A_875 = arith.constant 0 : index
    %swap3A_876 = arith.constant 0 : index
    %swap3A_877 = vector.load %arg7[%swap3A_874, %swap3A_875, %swap3A_876] : memref<9x40x128xi32, #tpu.memory_space<vmem>>, vector<1x40x128xi32>
    %swap3A_878 = vector.shape_cast %swap3A_877 : vector<1x40x128xi32> to vector<40x128xi32>
    %swap3A_879 = vector.shape_cast %add3A_873 : vector<40x128xi32> to vector<1x40x128xi32>
    tpu.vector_store %arg7[%swap3A_874, %swap3A_875, %swap3A_876], %swap3A_879 {strides = array<i32>} : memref<9x40x128xi32, #tpu.memory_space<vmem>>, vector<1x40x128xi32>,
    %jit3A_880 = arith.constant 1.000000e+00 : f32
    %jit3A_881 = arith.constant 0.000000e+00 : f32
    %broadcast_in_dim3A_882 = vector.broadcast %jit3A_880 : f32 to vector<40x128xf32>
    %broadcast_in_dim3A_883 = vector.broadcast %jit3A_881 : f32 to vector<40x128xf32>
    %select_n3A_884 = arith.select %and3A_847, %broadcast_in_dim3A_882, %broadcast_in_dim3A_883 : vector<40x128xi1>, vector<40x128xf32>
    %swap3A_885 = arith.constant 4 : index
    %swap3A_886 = arith.constant 0 : index
    %swap3A_887 = arith.constant 0 : index
    %swap3A_888 = vector.load %arg8[%swap3A_885, %swap3A_886, %swap3A_887] : memref<9x40x128xf32, #tpu.memory_space<vmem>>, vector<1x40x128xf32>
    %swap3A_889 = vector.shape_cast %swap3A_888 : vector<1x40x128xf32> to vector<40x128xf32>
    %swap3A_890 = vector.shape_cast %select_n3A_884 : vector<40x128xf32> to vector<1x40x128xf32>
    tpu.vector_store %arg8[%swap3A_885, %swap3A_886, %swap3A_887], %swap3A_890 {strides = array<i32>} : memref<9x40x128xf32, #tpu.memory_space<vmem>>, vector<1x40x128xf32>,
    %mul3A_891 = arith.constant 1.000000e+00 : f32
    %mul3A_892 = vector.broadcast %mul3A_891 : f32 to vector<40x128xf32>
    %mul3A_893 = arith.mulf %mul3A_892, %div3A_274 : vector<40x128xf32>
    %add3A_894 = arith.addf %div3A_246, %mul3A_893 : vector<40x128xf32>
    %swap3A_895 = arith.constant 15 : index
    %swap3A_896 = arith.constant 0 : index
    %swap3A_897 = arith.constant 0 : index
    %swap3A_898 = vector.load %arg5[%swap3A_895, %swap3A_896, %swap3A_897] : memref<27x40x128xf32, #tpu.memory_space<vmem>>, vector<1x40x128xf32>
    %swap3A_899 = vector.shape_cast %swap3A_898 : vector<1x40x128xf32> to vector<40x128xf32>
    %swap3A_900 = vector.shape_cast %add3A_894 : vector<40x128xf32> to vector<1x40x128xf32>
    tpu.vector_store %arg5[%swap3A_895, %swap3A_896, %swap3A_897], %swap3A_900 {strides = array<i32>} : memref<27x40x128xf32, #tpu.memory_space<vmem>>, vector<1x40x128xf32>,
    %floor3A_901 = math.floor %add3A_894 : vector<40x128xf32>
    %convert_element_type3A_902 = arith.fptosi %floor3A_901 : vector<40x128xf32> to vector<40x128xi32>
    %swap3A_903 = arith.constant 15 : index
    %swap3A_904 = arith.constant 0 : index
    %swap3A_905 = arith.constant 0 : index
    %swap3A_906 = vector.load %arg6[%swap3A_903, %swap3A_904, %swap3A_905] : memref<27x40x128xi32, #tpu.memory_space<vmem>>, vector<1x40x128xi32>
    %swap3A_907 = vector.shape_cast %swap3A_906 : vector<1x40x128xi32> to vector<40x128xi32>
    %swap3A_908 = vector.shape_cast %convert_element_type3A_902 : vector<40x128xi32> to vector<1x40x128xi32>
    tpu.vector_store %arg6[%swap3A_903, %swap3A_904, %swap3A_905], %swap3A_908 {strides = array<i32>} : memref<27x40x128xi32, #tpu.memory_space<vmem>>, vector<1x40x128xi32>,
    %mul3A_909 = arith.constant 1.000000e+00 : f32
    %mul3A_910 = vector.broadcast %mul3A_909 : f32 to vector<40x128xf32>
    %mul3A_911 = arith.mulf %mul3A_910, %div3A_275 : vector<40x128xf32>
    %add3A_912 = arith.addf %div3A_250, %mul3A_911 : vector<40x128xf32>
    %swap3A_913 = arith.constant 16 : index
    %swap3A_914 = arith.constant 0 : index
    %swap3A_915 = arith.constant 0 : index
    %swap3A_916 = vector.load %arg5[%swap3A_913, %swap3A_914, %swap3A_915] : memref<27x40x128xf32, #tpu.memory_space<vmem>>, vector<1x40x128xf32>
    %swap3A_917 = vector.shape_cast %swap3A_916 : vector<1x40x128xf32> to vector<40x128xf32>
    %swap3A_918 = vector.shape_cast %add3A_912 : vector<40x128xf32> to vector<1x40x128xf32>
    tpu.vector_store %arg5[%swap3A_913, %swap3A_914, %swap3A_915], %swap3A_918 {strides = array<i32>} : memref<27x40x128xf32, #tpu.memory_space<vmem>>, vector<1x40x128xf32>,
    %floor3A_919 = math.floor %add3A_912 : vector<40x128xf32>
    %convert_element_type3A_920 = arith.fptosi %floor3A_919 : vector<40x128xf32> to vector<40x128xi32>
    %swap3A_921 = arith.constant 16 : index
    %swap3A_922 = arith.constant 0 : index
    %swap3A_923 = arith.constant 0 : index
    %swap3A_924 = vector.load %arg6[%swap3A_921, %swap3A_922, %swap3A_923] : memref<27x40x128xi32, #tpu.memory_space<vmem>>, vector<1x40x128xi32>
    %swap3A_925 = vector.shape_cast %swap3A_924 : vector<1x40x128xi32> to vector<40x128xi32>
    %swap3A_926 = vector.shape_cast %convert_element_type3A_920 : vector<40x128xi32> to vector<1x40x128xi32>
    tpu.vector_store %arg6[%swap3A_921, %swap3A_922, %swap3A_923], %swap3A_926 {strides = array<i32>} : memref<27x40x128xi32, #tpu.memory_space<vmem>>, vector<1x40x128xi32>,
    %mul3A_927 = arith.constant 1.000000e+00 : f32
    %mul3A_928 = vector.broadcast %mul3A_927 : f32 to vector<40x128xf32>
    %mul3A_929 = arith.mulf %mul3A_928, %div3A_276 : vector<40x128xf32>
    %add3A_930 = arith.addf %div3A_254, %mul3A_929 : vector<40x128xf32>
    %swap3A_931 = arith.constant 17 : index
    %swap3A_932 = arith.constant 0 : index
    %swap3A_933 = arith.constant 0 : index
    %swap3A_934 = vector.load %arg5[%swap3A_931, %swap3A_932, %swap3A_933] : memref<27x40x128xf32, #tpu.memory_space<vmem>>, vector<1x40x128xf32>
    %swap3A_935 = vector.shape_cast %swap3A_934 : vector<1x40x128xf32> to vector<40x128xf32>
    %swap3A_936 = vector.shape_cast %add3A_930 : vector<40x128xf32> to vector<1x40x128xf32>
    tpu.vector_store %arg5[%swap3A_931, %swap3A_932, %swap3A_933], %swap3A_936 {strides = array<i32>} : memref<27x40x128xf32, #tpu.memory_space<vmem>>, vector<1x40x128xf32>,
    %floor3A_937 = math.floor %add3A_930 : vector<40x128xf32>
    %convert_element_type3A_938 = arith.fptosi %floor3A_937 : vector<40x128xf32> to vector<40x128xi32>
    %swap3A_939 = arith.constant 17 : index
    %swap3A_940 = arith.constant 0 : index
    %swap3A_941 = arith.constant 0 : index
    %swap3A_942 = vector.load %arg6[%swap3A_939, %swap3A_940, %swap3A_941] : memref<27x40x128xi32, #tpu.memory_space<vmem>>, vector<1x40x128xi32>
    %swap3A_943 = vector.shape_cast %swap3A_942 : vector<1x40x128xi32> to vector<40x128xi32>
    %swap3A_944 = vector.shape_cast %convert_element_type3A_938 : vector<40x128xi32> to vector<1x40x128xi32>
    tpu.vector_store %arg6[%swap3A_939, %swap3A_940, %swap3A_941], %swap3A_944 {strides = array<i32>} : memref<27x40x128xi32, #tpu.memory_space<vmem>>, vector<1x40x128xi32>,
    %ge3A_945 = arith.constant 0 : i32
    %ge3A_946 = vector.broadcast %ge3A_945 : i32 to vector<40x128xi32>
    %ge3A_947 = arith.cmpi sge, %convert_element_type3A_902, %ge3A_946 : vector<40x128xi32>
    %lt3A_948 = arith.constant 256 : i32
    %lt3A_949 = vector.broadcast %lt3A_948 : i32 to vector<40x128xi32>
    %lt3A_950 = arith.cmpi slt, %convert_element_type3A_902, %lt3A_949 : vector<40x128xi32>
    %and3A_951 = arith.andi %ge3A_947, %lt3A_950 : vector<40x128xi1>
    %ge3A_952 = arith.constant 0 : i32
    %ge3A_953 = vector.broadcast %ge3A_952 : i32 to vector<40x128xi32>
    %ge3A_954 = arith.cmpi sge, %convert_element_type3A_920, %ge3A_953 : vector<40x128xi32>
    %and3A_955 = arith.andi %and3A_951, %ge3A_954 : vector<40x128xi1>
    %lt3A_956 = arith.constant 256 : i32
    %lt3A_957 = vector.broadcast %lt3A_956 : i32 to vector<40x128xi32>
    %lt3A_958 = arith.cmpi slt, %convert_element_type3A_920, %lt3A_957 : vector<40x128xi32>
    %and3A_959 = arith.andi %and3A_955, %lt3A_958 : vector<40x128xi1>
    %ge3A_960 = arith.constant 0 : i32
    %ge3A_961 = vector.broadcast %ge3A_960 : i32 to vector<40x128xi32>
    %ge3A_962 = arith.cmpi sge, %convert_element_type3A_938, %ge3A_961 : vector<40x128xi32>
    %and3A_963 = arith.andi %and3A_959, %ge3A_962 : vector<40x128xi1>
    %lt3A_964 = arith.constant 256 : i32
    %lt3A_965 = vector.broadcast %lt3A_964 : i32 to vector<40x128xi32>
    %lt3A_966 = arith.cmpi slt, %convert_element_type3A_938, %lt3A_965 : vector<40x128xi32>
    %and3A_967 = arith.andi %and3A_963, %lt3A_966 : vector<40x128xi1>
    %jit3A_968 = arith.constant 0 : i32
    %jit3A_969 = arith.constant 255 : i32
    %max3A_970 = vector.broadcast %jit3A_968 : i32 to vector<40x128xi32>
    %max3A_971 = arith.maxsi %max3A_970, %convert_element_type3A_902 : vector<40x128xi32>
    %min3A_972 = vector.broadcast %jit3A_969 : i32 to vector<40x128xi32>
    %min3A_973 = arith.minsi %min3A_972, %max3A_971 : vector<40x128xi32>
    %jit3A_974 = arith.constant 0 : i32
    %jit3A_975 = arith.constant 255 : i32
    %max3A_976 = vector.broadcast %jit3A_974 : i32 to vector<40x128xi32>
    %max3A_977 = arith.maxsi %max3A_976, %convert_element_type3A_920 : vector<40x128xi32>
    %min3A_978 = vector.broadcast %jit3A_975 : i32 to vector<40x128xi32>
    %min3A_979 = arith.minsi %min3A_978, %max3A_977 : vector<40x128xi32>
    %jit3A_980 = arith.constant 0 : i32
    %jit3A_981 = arith.constant 255 : i32
    %max3A_982 = vector.broadcast %jit3A_980 : i32 to vector<40x128xi32>
    %max3A_983 = arith.maxsi %max3A_982, %convert_element_type3A_938 : vector<40x128xi32>
    %min3A_984 = vector.broadcast %jit3A_981 : i32 to vector<40x128xi32>
    %min3A_985 = arith.minsi %min3A_984, %max3A_983 : vector<40x128xi32>
    %mul3A_986 = arith.constant 65536 : i32
    %mul3A_987 = vector.broadcast %mul3A_986 : i32 to vector<40x128xi32>
    %mul3A_988 = arith.muli %min3A_973, %mul3A_987 : vector<40x128xi32>
    %mul3A_989 = arith.constant 256 : i32
    %mul3A_990 = vector.broadcast %mul3A_989 : i32 to vector<40x128xi32>
    %mul3A_991 = arith.muli %min3A_979, %mul3A_990 : vector<40x128xi32>
    %add3A_992 = arith.addi %mul3A_988, %mul3A_991 : vector<40x128xi32>
    %add3A_993 = arith.addi %add3A_992, %min3A_985 : vector<40x128xi32>
    %swap3A_994 = arith.constant 5 : index
    %swap3A_995 = arith.constant 0 : index
    %swap3A_996 = arith.constant 0 : index
    %swap3A_997 = vector.load %arg7[%swap3A_994, %swap3A_995, %swap3A_996] : memref<9x40x128xi32, #tpu.memory_space<vmem>>, vector<1x40x128xi32>
    %swap3A_998 = vector.shape_cast %swap3A_997 : vector<1x40x128xi32> to vector<40x128xi32>
    %swap3A_999 = vector.shape_cast %add3A_993 : vector<40x128xi32> to vector<1x40x128xi32>
    tpu.vector_store %arg7[%swap3A_994, %swap3A_995, %swap3A_996], %swap3A_999 {strides = array<i32>} : memref<9x40x128xi32, #tpu.memory_space<vmem>>, vector<1x40x128xi32>,
    %jit3A_1000 = arith.constant 1.000000e+00 : f32
    %jit3A_1001 = arith.constant 0.000000e+00 : f32
    %broadcast_in_dim3A_1002 = vector.broadcast %jit3A_1000 : f32 to vector<40x128xf32>
    %broadcast_in_dim3A_1003 = vector.broadcast %jit3A_1001 : f32 to vector<40x128xf32>
    %select_n3A_1004 = arith.select %and3A_967, %broadcast_in_dim3A_1002, %broadcast_in_dim3A_1003 : vector<40x128xi1>, vector<40x128xf32>
    %swap3A_1005 = arith.constant 5 : index
    %swap3A_1006 = arith.constant 0 : index
    %swap3A_1007 = arith.constant 0 : index
    %swap3A_1008 = vector.load %arg8[%swap3A_1005, %swap3A_1006, %swap3A_1007] : memref<9x40x128xf32, #tpu.memory_space<vmem>>, vector<1x40x128xf32>
    %swap3A_1009 = vector.shape_cast %swap3A_1008 : vector<1x40x128xf32> to vector<40x128xf32>
    %swap3A_1010 = vector.shape_cast %select_n3A_1004 : vector<40x128xf32> to vector<1x40x128xf32>
    tpu.vector_store %arg8[%swap3A_1005, %swap3A_1006, %swap3A_1007], %swap3A_1010 {strides = array<i32>} : memref<9x40x128xf32, #tpu.memory_space<vmem>>, vector<1x40x128xf32>,
    %mul3A_1011 = arith.constant 2.000000e+00 : f32
    %mul3A_1012 = vector.broadcast %mul3A_1011 : f32 to vector<40x128xf32>
    %mul3A_1013 = arith.mulf %mul3A_1012, %div3A_274 : vector<40x128xf32>
    %add3A_1014 = arith.addf %div3A_246, %mul3A_1013 : vector<40x128xf32>
    %swap3A_1015 = arith.constant 18 : index
    %swap3A_1016 = arith.constant 0 : index
    %swap3A_1017 = arith.constant 0 : index
    %swap3A_1018 = vector.load %arg5[%swap3A_1015, %swap3A_1016, %swap3A_1017] : memref<27x40x128xf32, #tpu.memory_space<vmem>>, vector<1x40x128xf32>
    %swap3A_1019 = vector.shape_cast %swap3A_1018 : vector<1x40x128xf32> to vector<40x128xf32>
    %swap3A_1020 = vector.shape_cast %add3A_1014 : vector<40x128xf32> to vector<1x40x128xf32>
    tpu.vector_store %arg5[%swap3A_1015, %swap3A_1016, %swap3A_1017], %swap3A_1020 {strides = array<i32>} : memref<27x40x128xf32, #tpu.memory_space<vmem>>, vector<1x40x128xf32>,
    %floor3A_1021 = math.floor %add3A_1014 : vector<40x128xf32>
    %convert_element_type3A_1022 = arith.fptosi %floor3A_1021 : vector<40x128xf32> to vector<40x128xi32>
    %swap3A_1023 = arith.constant 18 : index
    %swap3A_1024 = arith.constant 0 : index
    %swap3A_1025 = arith.constant 0 : index
    %swap3A_1026 = vector.load %arg6[%swap3A_1023, %swap3A_1024, %swap3A_1025] : memref<27x40x128xi32, #tpu.memory_space<vmem>>, vector<1x40x128xi32>
    %swap3A_1027 = vector.shape_cast %swap3A_1026 : vector<1x40x128xi32> to vector<40x128xi32>
    %swap3A_1028 = vector.shape_cast %convert_element_type3A_1022 : vector<40x128xi32> to vector<1x40x128xi32>
    tpu.vector_store %arg6[%swap3A_1023, %swap3A_1024, %swap3A_1025], %swap3A_1028 {strides = array<i32>} : memref<27x40x128xi32, #tpu.memory_space<vmem>>, vector<1x40x128xi32>,
    %mul3A_1029 = arith.constant 2.000000e+00 : f32
    %mul3A_1030 = vector.broadcast %mul3A_1029 : f32 to vector<40x128xf32>
    %mul3A_1031 = arith.mulf %mul3A_1030, %div3A_275 : vector<40x128xf32>
    %add3A_1032 = arith.addf %div3A_250, %mul3A_1031 : vector<40x128xf32>
    %swap3A_1033 = arith.constant 19 : index
    %swap3A_1034 = arith.constant 0 : index
    %swap3A_1035 = arith.constant 0 : index
    %swap3A_1036 = vector.load %arg5[%swap3A_1033, %swap3A_1034, %swap3A_1035] : memref<27x40x128xf32, #tpu.memory_space<vmem>>, vector<1x40x128xf32>
    %swap3A_1037 = vector.shape_cast %swap3A_1036 : vector<1x40x128xf32> to vector<40x128xf32>
    %swap3A_1038 = vector.shape_cast %add3A_1032 : vector<40x128xf32> to vector<1x40x128xf32>
    tpu.vector_store %arg5[%swap3A_1033, %swap3A_1034, %swap3A_1035], %swap3A_1038 {strides = array<i32>} : memref<27x40x128xf32, #tpu.memory_space<vmem>>, vector<1x40x128xf32>,
    %floor3A_1039 = math.floor %add3A_1032 : vector<40x128xf32>
    %convert_element_type3A_1040 = arith.fptosi %floor3A_1039 : vector<40x128xf32> to vector<40x128xi32>
    %swap3A_1041 = arith.constant 19 : index
    %swap3A_1042 = arith.constant 0 : index
    %swap3A_1043 = arith.constant 0 : index
    %swap3A_1044 = vector.load %arg6[%swap3A_1041, %swap3A_1042, %swap3A_1043] : memref<27x40x128xi32, #tpu.memory_space<vmem>>, vector<1x40x128xi32>
    %swap3A_1045 = vector.shape_cast %swap3A_1044 : vector<1x40x128xi32> to vector<40x128xi32>
    %swap3A_1046 = vector.shape_cast %convert_element_type3A_1040 : vector<40x128xi32> to vector<1x40x128xi32>
    tpu.vector_store %arg6[%swap3A_1041, %swap3A_1042, %swap3A_1043], %swap3A_1046 {strides = array<i32>} : memref<27x40x128xi32, #tpu.memory_space<vmem>>, vector<1x40x128xi32>,
    %mul3A_1047 = arith.constant 2.000000e+00 : f32
    %mul3A_1048 = vector.broadcast %mul3A_1047 : f32 to vector<40x128xf32>
    %mul3A_1049 = arith.mulf %mul3A_1048, %div3A_276 : vector<40x128xf32>
    %add3A_1050 = arith.addf %div3A_254, %mul3A_1049 : vector<40x128xf32>
    %swap3A_1051 = arith.constant 20 : index
    %swap3A_1052 = arith.constant 0 : index
    %swap3A_1053 = arith.constant 0 : index
    %swap3A_1054 = vector.load %arg5[%swap3A_1051, %swap3A_1052, %swap3A_1053] : memref<27x40x128xf32, #tpu.memory_space<vmem>>, vector<1x40x128xf32>
    %swap3A_1055 = vector.shape_cast %swap3A_1054 : vector<1x40x128xf32> to vector<40x128xf32>
    %swap3A_1056 = vector.shape_cast %add3A_1050 : vector<40x128xf32> to vector<1x40x128xf32>
    tpu.vector_store %arg5[%swap3A_1051, %swap3A_1052, %swap3A_1053], %swap3A_1056 {strides = array<i32>} : memref<27x40x128xf32, #tpu.memory_space<vmem>>, vector<1x40x128xf32>,
    %floor3A_1057 = math.floor %add3A_1050 : vector<40x128xf32>
    %convert_element_type3A_1058 = arith.fptosi %floor3A_1057 : vector<40x128xf32> to vector<40x128xi32>
    %swap3A_1059 = arith.constant 20 : index
    %swap3A_1060 = arith.constant 0 : index
    %swap3A_1061 = arith.constant 0 : index
    %swap3A_1062 = vector.load %arg6[%swap3A_1059, %swap3A_1060, %swap3A_1061] : memref<27x40x128xi32, #tpu.memory_space<vmem>>, vector<1x40x128xi32>
    %swap3A_1063 = vector.shape_cast %swap3A_1062 : vector<1x40x128xi32> to vector<40x128xi32>
    %swap3A_1064 = vector.shape_cast %convert_element_type3A_1058 : vector<40x128xi32> to vector<1x40x128xi32>
    tpu.vector_store %arg6[%swap3A_1059, %swap3A_1060, %swap3A_1061], %swap3A_1064 {strides = array<i32>} : memref<27x40x128xi32, #tpu.memory_space<vmem>>, vector<1x40x128xi32>,
    %ge3A_1065 = arith.constant 0 : i32
    %ge3A_1066 = vector.broadcast %ge3A_1065 : i32 to vector<40x128xi32>
    %ge3A_1067 = arith.cmpi sge, %convert_element_type3A_1022, %ge3A_1066 : vector<40x128xi32>
    %lt3A_1068 = arith.constant 256 : i32
    %lt3A_1069 = vector.broadcast %lt3A_1068 : i32 to vector<40x128xi32>
    %lt3A_1070 = arith.cmpi slt, %convert_element_type3A_1022, %lt3A_1069 : vector<40x128xi32>
    %and3A_1071 = arith.andi %ge3A_1067, %lt3A_1070 : vector<40x128xi1>
    %ge3A_1072 = arith.constant 0 : i32
    %ge3A_1073 = vector.broadcast %ge3A_1072 : i32 to vector<40x128xi32>
    %ge3A_1074 = arith.cmpi sge, %convert_element_type3A_1040, %ge3A_1073 : vector<40x128xi32>
    %and3A_1075 = arith.andi %and3A_1071, %ge3A_1074 : vector<40x128xi1>
    %lt3A_1076 = arith.constant 256 : i32
    %lt3A_1077 = vector.broadcast %lt3A_1076 : i32 to vector<40x128xi32>
    %lt3A_1078 = arith.cmpi slt, %convert_element_type3A_1040, %lt3A_1077 : vector<40x128xi32>
    %and3A_1079 = arith.andi %and3A_1075, %lt3A_1078 : vector<40x128xi1>
    %ge3A_1080 = arith.constant 0 : i32
    %ge3A_1081 = vector.broadcast %ge3A_1080 : i32 to vector<40x128xi32>
    %ge3A_1082 = arith.cmpi sge, %convert_element_type3A_1058, %ge3A_1081 : vector<40x128xi32>
    %and3A_1083 = arith.andi %and3A_1079, %ge3A_1082 : vector<40x128xi1>
    %lt3A_1084 = arith.constant 256 : i32
    %lt3A_1085 = vector.broadcast %lt3A_1084 : i32 to vector<40x128xi32>
    %lt3A_1086 = arith.cmpi slt, %convert_element_type3A_1058, %lt3A_1085 : vector<40x128xi32>
    %and3A_1087 = arith.andi %and3A_1083, %lt3A_1086 : vector<40x128xi1>
    %jit3A_1088 = arith.constant 0 : i32
    %jit3A_1089 = arith.constant 255 : i32
    %max3A_1090 = vector.broadcast %jit3A_1088 : i32 to vector<40x128xi32>
    %max3A_1091 = arith.maxsi %max3A_1090, %convert_element_type3A_1022 : vector<40x128xi32>
    %min3A_1092 = vector.broadcast %jit3A_1089 : i32 to vector<40x128xi32>
    %min3A_1093 = arith.minsi %min3A_1092, %max3A_1091 : vector<40x128xi32>
    %jit3A_1094 = arith.constant 0 : i32
    %jit3A_1095 = arith.constant 255 : i32
    %max3A_1096 = vector.broadcast %jit3A_1094 : i32 to vector<40x128xi32>
    %max3A_1097 = arith.maxsi %max3A_1096, %convert_element_type3A_1040 : vector<40x128xi32>
    %min3A_1098 = vector.broadcast %jit3A_1095 : i32 to vector<40x128xi32>
    %min3A_1099 = arith.minsi %min3A_1098, %max3A_1097 : vector<40x128xi32>
    %jit3A_1100 = arith.constant 0 : i32
    %jit3A_1101 = arith.constant 255 : i32
    %max3A_1102 = vector.broadcast %jit3A_1100 : i32 to vector<40x128xi32>
    %max3A_1103 = arith.maxsi %max3A_1102, %convert_element_type3A_1058 : vector<40x128xi32>
    %min3A_1104 = vector.broadcast %jit3A_1101 : i32 to vector<40x128xi32>
    %min3A_1105 = arith.minsi %min3A_1104, %max3A_1103 : vector<40x128xi32>
    %mul3A_1106 = arith.constant 65536 : i32
    %mul3A_1107 = vector.broadcast %mul3A_1106 : i32 to vector<40x128xi32>
    %mul3A_1108 = arith.muli %min3A_1093, %mul3A_1107 : vector<40x128xi32>
    %mul3A_1109 = arith.constant 256 : i32
    %mul3A_1110 = vector.broadcast %mul3A_1109 : i32 to vector<40x128xi32>
    %mul3A_1111 = arith.muli %min3A_1099, %mul3A_1110 : vector<40x128xi32>
    %add3A_1112 = arith.addi %mul3A_1108, %mul3A_1111 : vector<40x128xi32>
    %add3A_1113 = arith.addi %add3A_1112, %min3A_1105 : vector<40x128xi32>
    %swap3A_1114 = arith.constant 6 : index
    %swap3A_1115 = arith.constant 0 : index
    %swap3A_1116 = arith.constant 0 : index
    %swap3A_1117 = vector.load %arg7[%swap3A_1114, %swap3A_1115, %swap3A_1116] : memref<9x40x128xi32, #tpu.memory_space<vmem>>, vector<1x40x128xi32>
    %swap3A_1118 = vector.shape_cast %swap3A_1117 : vector<1x40x128xi32> to vector<40x128xi32>
    %swap3A_1119 = vector.shape_cast %add3A_1113 : vector<40x128xi32> to vector<1x40x128xi32>
    tpu.vector_store %arg7[%swap3A_1114, %swap3A_1115, %swap3A_1116], %swap3A_1119 {strides = array<i32>} : memref<9x40x128xi32, #tpu.memory_space<vmem>>, vector<1x40x128xi32>,
    %jit3A_1120 = arith.constant 1.000000e+00 : f32
    %jit3A_1121 = arith.constant 0.000000e+00 : f32
    %broadcast_in_dim3A_1122 = vector.broadcast %jit3A_1120 : f32 to vector<40x128xf32>
    %broadcast_in_dim3A_1123 = vector.broadcast %jit3A_1121 : f32 to vector<40x128xf32>
    %select_n3A_1124 = arith.select %and3A_1087, %broadcast_in_dim3A_1122, %broadcast_in_dim3A_1123 : vector<40x128xi1>, vector<40x128xf32>
    %swap3A_1125 = arith.constant 6 : index
    %swap3A_1126 = arith.constant 0 : index
    %swap3A_1127 = arith.constant 0 : index
    %swap3A_1128 = vector.load %arg8[%swap3A_1125, %swap3A_1126, %swap3A_1127] : memref<9x40x128xf32, #tpu.memory_space<vmem>>, vector<1x40x128xf32>
    %swap3A_1129 = vector.shape_cast %swap3A_1128 : vector<1x40x128xf32> to vector<40x128xf32>
    %swap3A_1130 = vector.shape_cast %select_n3A_1124 : vector<40x128xf32> to vector<1x40x128xf32>
    tpu.vector_store %arg8[%swap3A_1125, %swap3A_1126, %swap3A_1127], %swap3A_1130 {strides = array<i32>} : memref<9x40x128xf32, #tpu.memory_space<vmem>>, vector<1x40x128xf32>,
    %mul3A_1131 = arith.constant 3.000000e+00 : f32
    %mul3A_1132 = vector.broadcast %mul3A_1131 : f32 to vector<40x128xf32>
    %mul3A_1133 = arith.mulf %mul3A_1132, %div3A_274 : vector<40x128xf32>
    %add3A_1134 = arith.addf %div3A_246, %mul3A_1133 : vector<40x128xf32>
    %swap3A_1135 = arith.constant 21 : index
    %swap3A_1136 = arith.constant 0 : index
    %swap3A_1137 = arith.constant 0 : index
    %swap3A_1138 = vector.load %arg5[%swap3A_1135, %swap3A_1136, %swap3A_1137] : memref<27x40x128xf32, #tpu.memory_space<vmem>>, vector<1x40x128xf32>
    %swap3A_1139 = vector.shape_cast %swap3A_1138 : vector<1x40x128xf32> to vector<40x128xf32>
    %swap3A_1140 = vector.shape_cast %add3A_1134 : vector<40x128xf32> to vector<1x40x128xf32>
    tpu.vector_store %arg5[%swap3A_1135, %swap3A_1136, %swap3A_1137], %swap3A_1140 {strides = array<i32>} : memref<27x40x128xf32, #tpu.memory_space<vmem>>, vector<1x40x128xf32>,
    %floor3A_1141 = math.floor %add3A_1134 : vector<40x128xf32>
    %convert_element_type3A_1142 = arith.fptosi %floor3A_1141 : vector<40x128xf32> to vector<40x128xi32>
    %swap3A_1143 = arith.constant 21 : index
    %swap3A_1144 = arith.constant 0 : index
    %swap3A_1145 = arith.constant 0 : index
    %swap3A_1146 = vector.load %arg6[%swap3A_1143, %swap3A_1144, %swap3A_1145] : memref<27x40x128xi32, #tpu.memory_space<vmem>>, vector<1x40x128xi32>
    %swap3A_1147 = vector.shape_cast %swap3A_1146 : vector<1x40x128xi32> to vector<40x128xi32>
    %swap3A_1148 = vector.shape_cast %convert_element_type3A_1142 : vector<40x128xi32> to vector<1x40x128xi32>
    tpu.vector_store %arg6[%swap3A_1143, %swap3A_1144, %swap3A_1145], %swap3A_1148 {strides = array<i32>} : memref<27x40x128xi32, #tpu.memory_space<vmem>>, vector<1x40x128xi32>,
    %mul3A_1149 = arith.constant 3.000000e+00 : f32
    %mul3A_1150 = vector.broadcast %mul3A_1149 : f32 to vector<40x128xf32>
    %mul3A_1151 = arith.mulf %mul3A_1150, %div3A_275 : vector<40x128xf32>
    %add3A_1152 = arith.addf %div3A_250, %mul3A_1151 : vector<40x128xf32>
    %swap3A_1153 = arith.constant 22 : index
    %swap3A_1154 = arith.constant 0 : index
    %swap3A_1155 = arith.constant 0 : index
    %swap3A_1156 = vector.load %arg5[%swap3A_1153, %swap3A_1154, %swap3A_1155] : memref<27x40x128xf32, #tpu.memory_space<vmem>>, vector<1x40x128xf32>
    %swap3A_1157 = vector.shape_cast %swap3A_1156 : vector<1x40x128xf32> to vector<40x128xf32>
    %swap3A_1158 = vector.shape_cast %add3A_1152 : vector<40x128xf32> to vector<1x40x128xf32>
    tpu.vector_store %arg5[%swap3A_1153, %swap3A_1154, %swap3A_1155], %swap3A_1158 {strides = array<i32>} : memref<27x40x128xf32, #tpu.memory_space<vmem>>, vector<1x40x128xf32>,
    %floor3A_1159 = math.floor %add3A_1152 : vector<40x128xf32>
    %convert_element_type3A_1160 = arith.fptosi %floor3A_1159 : vector<40x128xf32> to vector<40x128xi32>
    %swap3A_1161 = arith.constant 22 : index
    %swap3A_1162 = arith.constant 0 : index
    %swap3A_1163 = arith.constant 0 : index
    %swap3A_1164 = vector.load %arg6[%swap3A_1161, %swap3A_1162, %swap3A_1163] : memref<27x40x128xi32, #tpu.memory_space<vmem>>, vector<1x40x128xi32>
    %swap3A_1165 = vector.shape_cast %swap3A_1164 : vector<1x40x128xi32> to vector<40x128xi32>
    %swap3A_1166 = vector.shape_cast %convert_element_type3A_1160 : vector<40x128xi32> to vector<1x40x128xi32>
    tpu.vector_store %arg6[%swap3A_1161, %swap3A_1162, %swap3A_1163], %swap3A_1166 {strides = array<i32>} : memref<27x40x128xi32, #tpu.memory_space<vmem>>, vector<1x40x128xi32>,
    %mul3A_1167 = arith.constant 3.000000e+00 : f32
    %mul3A_1168 = vector.broadcast %mul3A_1167 : f32 to vector<40x128xf32>
    %mul3A_1169 = arith.mulf %mul3A_1168, %div3A_276 : vector<40x128xf32>
    %add3A_1170 = arith.addf %div3A_254, %mul3A_1169 : vector<40x128xf32>
    %swap3A_1171 = arith.constant 23 : index
    %swap3A_1172 = arith.constant 0 : index
    %swap3A_1173 = arith.constant 0 : index
    %swap3A_1174 = vector.load %arg5[%swap3A_1171, %swap3A_1172, %swap3A_1173] : memref<27x40x128xf32, #tpu.memory_space<vmem>>, vector<1x40x128xf32>
    %swap3A_1175 = vector.shape_cast %swap3A_1174 : vector<1x40x128xf32> to vector<40x128xf32>
    %swap3A_1176 = vector.shape_cast %add3A_1170 : vector<40x128xf32> to vector<1x40x128xf32>
    tpu.vector_store %arg5[%swap3A_1171, %swap3A_1172, %swap3A_1173], %swap3A_1176 {strides = array<i32>} : memref<27x40x128xf32, #tpu.memory_space<vmem>>, vector<1x40x128xf32>,
    %floor3A_1177 = math.floor %add3A_1170 : vector<40x128xf32>
    %convert_element_type3A_1178 = arith.fptosi %floor3A_1177 : vector<40x128xf32> to vector<40x128xi32>
    %swap3A_1179 = arith.constant 23 : index
    %swap3A_1180 = arith.constant 0 : index
    %swap3A_1181 = arith.constant 0 : index
    %swap3A_1182 = vector.load %arg6[%swap3A_1179, %swap3A_1180, %swap3A_1181] : memref<27x40x128xi32, #tpu.memory_space<vmem>>, vector<1x40x128xi32>
    %swap3A_1183 = vector.shape_cast %swap3A_1182 : vector<1x40x128xi32> to vector<40x128xi32>
    %swap3A_1184 = vector.shape_cast %convert_element_type3A_1178 : vector<40x128xi32> to vector<1x40x128xi32>
    tpu.vector_store %arg6[%swap3A_1179, %swap3A_1180, %swap3A_1181], %swap3A_1184 {strides = array<i32>} : memref<27x40x128xi32, #tpu.memory_space<vmem>>, vector<1x40x128xi32>,
    %ge3A_1185 = arith.constant 0 : i32
    %ge3A_1186 = vector.broadcast %ge3A_1185 : i32 to vector<40x128xi32>
    %ge3A_1187 = arith.cmpi sge, %convert_element_type3A_1142, %ge3A_1186 : vector<40x128xi32>
    %lt3A_1188 = arith.constant 256 : i32
    %lt3A_1189 = vector.broadcast %lt3A_1188 : i32 to vector<40x128xi32>
    %lt3A_1190 = arith.cmpi slt, %convert_element_type3A_1142, %lt3A_1189 : vector<40x128xi32>
    %and3A_1191 = arith.andi %ge3A_1187, %lt3A_1190 : vector<40x128xi1>
    %ge3A_1192 = arith.constant 0 : i32
    %ge3A_1193 = vector.broadcast %ge3A_1192 : i32 to vector<40x128xi32>
    %ge3A_1194 = arith.cmpi sge, %convert_element_type3A_1160, %ge3A_1193 : vector<40x128xi32>
    %and3A_1195 = arith.andi %and3A_1191, %ge3A_1194 : vector<40x128xi1>
    %lt3A_1196 = arith.constant 256 : i32
    %lt3A_1197 = vector.broadcast %lt3A_1196 : i32 to vector<40x128xi32>
    %lt3A_1198 = arith.cmpi slt, %convert_element_type3A_1160, %lt3A_1197 : vector<40x128xi32>
    %and3A_1199 = arith.andi %and3A_1195, %lt3A_1198 : vector<40x128xi1>
    %ge3A_1200 = arith.constant 0 : i32
    %ge3A_1201 = vector.broadcast %ge3A_1200 : i32 to vector<40x128xi32>
    %ge3A_1202 = arith.cmpi sge, %convert_element_type3A_1178, %ge3A_1201 : vector<40x128xi32>
    %and3A_1203 = arith.andi %and3A_1199, %ge3A_1202 : vector<40x128xi1>
    %lt3A_1204 = arith.constant 256 : i32
    %lt3A_1205 = vector.broadcast %lt3A_1204 : i32 to vector<40x128xi32>
    %lt3A_1206 = arith.cmpi slt, %convert_element_type3A_1178, %lt3A_1205 : vector<40x128xi32>
    %and3A_1207 = arith.andi %and3A_1203, %lt3A_1206 : vector<40x128xi1>
    %jit3A_1208 = arith.constant 0 : i32
    %jit3A_1209 = arith.constant 255 : i32
    %max3A_1210 = vector.broadcast %jit3A_1208 : i32 to vector<40x128xi32>
    %max3A_1211 = arith.maxsi %max3A_1210, %convert_element_type3A_1142 : vector<40x128xi32>
    %min3A_1212 = vector.broadcast %jit3A_1209 : i32 to vector<40x128xi32>
    %min3A_1213 = arith.minsi %min3A_1212, %max3A_1211 : vector<40x128xi32>
    %jit3A_1214 = arith.constant 0 : i32
    %jit3A_1215 = arith.constant 255 : i32
    %max3A_1216 = vector.broadcast %jit3A_1214 : i32 to vector<40x128xi32>
    %max3A_1217 = arith.maxsi %max3A_1216, %convert_element_type3A_1160 : vector<40x128xi32>
    %min3A_1218 = vector.broadcast %jit3A_1215 : i32 to vector<40x128xi32>
    %min3A_1219 = arith.minsi %min3A_1218, %max3A_1217 : vector<40x128xi32>
    %jit3A_1220 = arith.constant 0 : i32
    %jit3A_1221 = arith.constant 255 : i32
    %max3A_1222 = vector.broadcast %jit3A_1220 : i32 to vector<40x128xi32>
    %max3A_1223 = arith.maxsi %max3A_1222, %convert_element_type3A_1178 : vector<40x128xi32>
    %min3A_1224 = vector.broadcast %jit3A_1221 : i32 to vector<40x128xi32>
    %min3A_1225 = arith.minsi %min3A_1224, %max3A_1223 : vector<40x128xi32>
    %mul3A_1226 = arith.constant 65536 : i32
    %mul3A_1227 = vector.broadcast %mul3A_1226 : i32 to vector<40x128xi32>
    %mul3A_1228 = arith.muli %min3A_1213, %mul3A_1227 : vector<40x128xi32>
    %mul3A_1229 = arith.constant 256 : i32
    %mul3A_1230 = vector.broadcast %mul3A_1229 : i32 to vector<40x128xi32>
    %mul3A_1231 = arith.muli %min3A_1219, %mul3A_1230 : vector<40x128xi32>
    %add3A_1232 = arith.addi %mul3A_1228, %mul3A_1231 : vector<40x128xi32>
    %add3A_1233 = arith.addi %add3A_1232, %min3A_1225 : vector<40x128xi32>
    %swap3A_1234 = arith.constant 7 : index
    %swap3A_1235 = arith.constant 0 : index
    %swap3A_1236 = arith.constant 0 : index
    %swap3A_1237 = vector.load %arg7[%swap3A_1234, %swap3A_1235, %swap3A_1236] : memref<9x40x128xi32, #tpu.memory_space<vmem>>, vector<1x40x128xi32>
    %swap3A_1238 = vector.shape_cast %swap3A_1237 : vector<1x40x128xi32> to vector<40x128xi32>
    %swap3A_1239 = vector.shape_cast %add3A_1233 : vector<40x128xi32> to vector<1x40x128xi32>
    tpu.vector_store %arg7[%swap3A_1234, %swap3A_1235, %swap3A_1236], %swap3A_1239 {strides = array<i32>} : memref<9x40x128xi32, #tpu.memory_space<vmem>>, vector<1x40x128xi32>,
    %jit3A_1240 = arith.constant 1.000000e+00 : f32
    %jit3A_1241 = arith.constant 0.000000e+00 : f32
    %broadcast_in_dim3A_1242 = vector.broadcast %jit3A_1240 : f32 to vector<40x128xf32>
    %broadcast_in_dim3A_1243 = vector.broadcast %jit3A_1241 : f32 to vector<40x128xf32>
    %select_n3A_1244 = arith.select %and3A_1207, %broadcast_in_dim3A_1242, %broadcast_in_dim3A_1243 : vector<40x128xi1>, vector<40x128xf32>
    %swap3A_1245 = arith.constant 7 : index
    %swap3A_1246 = arith.constant 0 : index
    %swap3A_1247 = arith.constant 0 : index
    %swap3A_1248 = vector.load %arg8[%swap3A_1245, %swap3A_1246, %swap3A_1247] : memref<9x40x128xf32, #tpu.memory_space<vmem>>, vector<1x40x128xf32>
    %swap3A_1249 = vector.shape_cast %swap3A_1248 : vector<1x40x128xf32> to vector<40x128xf32>
    %swap3A_1250 = vector.shape_cast %select_n3A_1244 : vector<40x128xf32> to vector<1x40x128xf32>
    tpu.vector_store %arg8[%swap3A_1245, %swap3A_1246, %swap3A_1247], %swap3A_1250 {strides = array<i32>} : memref<9x40x128xf32, #tpu.memory_space<vmem>>, vector<1x40x128xf32>,
    %mul3A_1251 = arith.constant 4.000000e+00 : f32
    %mul3A_1252 = vector.broadcast %mul3A_1251 : f32 to vector<40x128xf32>
    %mul3A_1253 = arith.mulf %mul3A_1252, %div3A_274 : vector<40x128xf32>
    %add3A_1254 = arith.addf %div3A_246, %mul3A_1253 : vector<40x128xf32>
    %swap3A_1255 = arith.constant 24 : index
    %swap3A_1256 = arith.constant 0 : index
    %swap3A_1257 = arith.constant 0 : index
    %swap3A_1258 = vector.load %arg5[%swap3A_1255, %swap3A_1256, %swap3A_1257] : memref<27x40x128xf32, #tpu.memory_space<vmem>>, vector<1x40x128xf32>
    %swap3A_1259 = vector.shape_cast %swap3A_1258 : vector<1x40x128xf32> to vector<40x128xf32>
    %swap3A_1260 = vector.shape_cast %add3A_1254 : vector<40x128xf32> to vector<1x40x128xf32>
    tpu.vector_store %arg5[%swap3A_1255, %swap3A_1256, %swap3A_1257], %swap3A_1260 {strides = array<i32>} : memref<27x40x128xf32, #tpu.memory_space<vmem>>, vector<1x40x128xf32>,
    %floor3A_1261 = math.floor %add3A_1254 : vector<40x128xf32>
    %convert_element_type3A_1262 = arith.fptosi %floor3A_1261 : vector<40x128xf32> to vector<40x128xi32>
    %swap3A_1263 = arith.constant 24 : index
    %swap3A_1264 = arith.constant 0 : index
    %swap3A_1265 = arith.constant 0 : index
    %swap3A_1266 = vector.load %arg6[%swap3A_1263, %swap3A_1264, %swap3A_1265] : memref<27x40x128xi32, #tpu.memory_space<vmem>>, vector<1x40x128xi32>
    %swap3A_1267 = vector.shape_cast %swap3A_1266 : vector<1x40x128xi32> to vector<40x128xi32>
    %swap3A_1268 = vector.shape_cast %convert_element_type3A_1262 : vector<40x128xi32> to vector<1x40x128xi32>
    tpu.vector_store %arg6[%swap3A_1263, %swap3A_1264, %swap3A_1265], %swap3A_1268 {strides = array<i32>} : memref<27x40x128xi32, #tpu.memory_space<vmem>>, vector<1x40x128xi32>,
    %mul3A_1269 = arith.constant 4.000000e+00 : f32
    %mul3A_1270 = vector.broadcast %mul3A_1269 : f32 to vector<40x128xf32>
    %mul3A_1271 = arith.mulf %mul3A_1270, %div3A_275 : vector<40x128xf32>
    %add3A_1272 = arith.addf %div3A_250, %mul3A_1271 : vector<40x128xf32>
    %swap3A_1273 = arith.constant 25 : index
    %swap3A_1274 = arith.constant 0 : index
    %swap3A_1275 = arith.constant 0 : index
    %swap3A_1276 = vector.load %arg5[%swap3A_1273, %swap3A_1274, %swap3A_1275] : memref<27x40x128xf32, #tpu.memory_space<vmem>>, vector<1x40x128xf32>
    %swap3A_1277 = vector.shape_cast %swap3A_1276 : vector<1x40x128xf32> to vector<40x128xf32>
    %swap3A_1278 = vector.shape_cast %add3A_1272 : vector<40x128xf32> to vector<1x40x128xf32>
    tpu.vector_store %arg5[%swap3A_1273, %swap3A_1274, %swap3A_1275], %swap3A_1278 {strides = array<i32>} : memref<27x40x128xf32, #tpu.memory_space<vmem>>, vector<1x40x128xf32>,
    %floor3A_1279 = math.floor %add3A_1272 : vector<40x128xf32>
    %convert_element_type3A_1280 = arith.fptosi %floor3A_1279 : vector<40x128xf32> to vector<40x128xi32>
    %swap3A_1281 = arith.constant 25 : index
    %swap3A_1282 = arith.constant 0 : index
    %swap3A_1283 = arith.constant 0 : index
    %swap3A_1284 = vector.load %arg6[%swap3A_1281, %swap3A_1282, %swap3A_1283] : memref<27x40x128xi32, #tpu.memory_space<vmem>>, vector<1x40x128xi32>
    %swap3A_1285 = vector.shape_cast %swap3A_1284 : vector<1x40x128xi32> to vector<40x128xi32>
    %swap3A_1286 = vector.shape_cast %convert_element_type3A_1280 : vector<40x128xi32> to vector<1x40x128xi32>
    tpu.vector_store %arg6[%swap3A_1281, %swap3A_1282, %swap3A_1283], %swap3A_1286 {strides = array<i32>} : memref<27x40x128xi32, #tpu.memory_space<vmem>>, vector<1x40x128xi32>,
    %mul3A_1287 = arith.constant 4.000000e+00 : f32
    %mul3A_1288 = vector.broadcast %mul3A_1287 : f32 to vector<40x128xf32>
    %mul3A_1289 = arith.mulf %mul3A_1288, %div3A_276 : vector<40x128xf32>
    %add3A_1290 = arith.addf %div3A_254, %mul3A_1289 : vector<40x128xf32>
    %swap3A_1291 = arith.constant 26 : index
    %swap3A_1292 = arith.constant 0 : index
    %swap3A_1293 = arith.constant 0 : index
    %swap3A_1294 = vector.load %arg5[%swap3A_1291, %swap3A_1292, %swap3A_1293] : memref<27x40x128xf32, #tpu.memory_space<vmem>>, vector<1x40x128xf32>
    %swap3A_1295 = vector.shape_cast %swap3A_1294 : vector<1x40x128xf32> to vector<40x128xf32>
    %swap3A_1296 = vector.shape_cast %add3A_1290 : vector<40x128xf32> to vector<1x40x128xf32>
    tpu.vector_store %arg5[%swap3A_1291, %swap3A_1292, %swap3A_1293], %swap3A_1296 {strides = array<i32>} : memref<27x40x128xf32, #tpu.memory_space<vmem>>, vector<1x40x128xf32>,
    %floor3A_1297 = math.floor %add3A_1290 : vector<40x128xf32>
    %convert_element_type3A_1298 = arith.fptosi %floor3A_1297 : vector<40x128xf32> to vector<40x128xi32>
    %swap3A_1299 = arith.constant 26 : index
    %swap3A_1300 = arith.constant 0 : index
    %swap3A_1301 = arith.constant 0 : index
    %swap3A_1302 = vector.load %arg6[%swap3A_1299, %swap3A_1300, %swap3A_1301] : memref<27x40x128xi32, #tpu.memory_space<vmem>>, vector<1x40x128xi32>
    %swap3A_1303 = vector.shape_cast %swap3A_1302 : vector<1x40x128xi32> to vector<40x128xi32>
    %swap3A_1304 = vector.shape_cast %convert_element_type3A_1298 : vector<40x128xi32> to vector<1x40x128xi32>
    tpu.vector_store %arg6[%swap3A_1299, %swap3A_1300, %swap3A_1301], %swap3A_1304 {strides = array<i32>} : memref<27x40x128xi32, #tpu.memory_space<vmem>>, vector<1x40x128xi32>,
    %ge3A_1305 = arith.constant 0 : i32
    %ge3A_1306 = vector.broadcast %ge3A_1305 : i32 to vector<40x128xi32>
    %ge3A_1307 = arith.cmpi sge, %convert_element_type3A_1262, %ge3A_1306 : vector<40x128xi32>
    %lt3A_1308 = arith.constant 256 : i32
    %lt3A_1309 = vector.broadcast %lt3A_1308 : i32 to vector<40x128xi32>
    %lt3A_1310 = arith.cmpi slt, %convert_element_type3A_1262, %lt3A_1309 : vector<40x128xi32>
    %and3A_1311 = arith.andi %ge3A_1307, %lt3A_1310 : vector<40x128xi1>
    %ge3A_1312 = arith.constant 0 : i32
    %ge3A_1313 = vector.broadcast %ge3A_1312 : i32 to vector<40x128xi32>
    %ge3A_1314 = arith.cmpi sge, %convert_element_type3A_1280, %ge3A_1313 : vector<40x128xi32>
    %and3A_1315 = arith.andi %and3A_1311, %ge3A_1314 : vector<40x128xi1>
    %lt3A_1316 = arith.constant 256 : i32
    %lt3A_1317 = vector.broadcast %lt3A_1316 : i32 to vector<40x128xi32>
    %lt3A_1318 = arith.cmpi slt, %convert_element_type3A_1280, %lt3A_1317 : vector<40x128xi32>
    %and3A_1319 = arith.andi %and3A_1315, %lt3A_1318 : vector<40x128xi1>
    %ge3A_1320 = arith.constant 0 : i32
    %ge3A_1321 = vector.broadcast %ge3A_1320 : i32 to vector<40x128xi32>
    %ge3A_1322 = arith.cmpi sge, %convert_element_type3A_1298, %ge3A_1321 : vector<40x128xi32>
    %and3A_1323 = arith.andi %and3A_1319, %ge3A_1322 : vector<40x128xi1>
    %lt3A_1324 = arith.constant 256 : i32
    %lt3A_1325 = vector.broadcast %lt3A_1324 : i32 to vector<40x128xi32>
    %lt3A_1326 = arith.cmpi slt, %convert_element_type3A_1298, %lt3A_1325 : vector<40x128xi32>
    %and3A_1327 = arith.andi %and3A_1323, %lt3A_1326 : vector<40x128xi1>
    %jit3A_1328 = arith.constant 0 : i32
    %jit3A_1329 = arith.constant 255 : i32
    %max3A_1330 = vector.broadcast %jit3A_1328 : i32 to vector<40x128xi32>
    %max3A_1331 = arith.maxsi %max3A_1330, %convert_element_type3A_1262 : vector<40x128xi32>
    %min3A_1332 = vector.broadcast %jit3A_1329 : i32 to vector<40x128xi32>
    %min3A_1333 = arith.minsi %min3A_1332, %max3A_1331 : vector<40x128xi32>
    %jit3A_1334 = arith.constant 0 : i32
    %jit3A_1335 = arith.constant 255 : i32
    %max3A_1336 = vector.broadcast %jit3A_1334 : i32 to vector<40x128xi32>
    %max3A_1337 = arith.maxsi %max3A_1336, %convert_element_type3A_1280 : vector<40x128xi32>
    %min3A_1338 = vector.broadcast %jit3A_1335 : i32 to vector<40x128xi32>
    %min3A_1339 = arith.minsi %min3A_1338, %max3A_1337 : vector<40x128xi32>
    %jit3A_1340 = arith.constant 0 : i32
    %jit3A_1341 = arith.constant 255 : i32
    %max3A_1342 = vector.broadcast %jit3A_1340 : i32 to vector<40x128xi32>
    %max3A_1343 = arith.maxsi %max3A_1342, %convert_element_type3A_1298 : vector<40x128xi32>
    %min3A_1344 = vector.broadcast %jit3A_1341 : i32 to vector<40x128xi32>
    %min3A_1345 = arith.minsi %min3A_1344, %max3A_1343 : vector<40x128xi32>
    %mul3A_1346 = arith.constant 65536 : i32
    %mul3A_1347 = vector.broadcast %mul3A_1346 : i32 to vector<40x128xi32>
    %mul3A_1348 = arith.muli %min3A_1333, %mul3A_1347 : vector<40x128xi32>
    %mul3A_1349 = arith.constant 256 : i32
    %mul3A_1350 = vector.broadcast %mul3A_1349 : i32 to vector<40x128xi32>
    %mul3A_1351 = arith.muli %min3A_1339, %mul3A_1350 : vector<40x128xi32>
    %add3A_1352 = arith.addi %mul3A_1348, %mul3A_1351 : vector<40x128xi32>
    %add3A_1353 = arith.addi %add3A_1352, %min3A_1345 : vector<40x128xi32>
    %swap3A_1354 = arith.constant 8 : index
    %swap3A_1355 = arith.constant 0 : index
    %swap3A_1356 = arith.constant 0 : index
    %swap3A_1357 = vector.load %arg7[%swap3A_1354, %swap3A_1355, %swap3A_1356] : memref<9x40x128xi32, #tpu.memory_space<vmem>>, vector<1x40x128xi32>
    %swap3A_1358 = vector.shape_cast %swap3A_1357 : vector<1x40x128xi32> to vector<40x128xi32>
    %swap3A_1359 = vector.shape_cast %add3A_1353 : vector<40x128xi32> to vector<1x40x128xi32>
    tpu.vector_store %arg7[%swap3A_1354, %swap3A_1355, %swap3A_1356], %swap3A_1359 {strides = array<i32>} : memref<9x40x128xi32, #tpu.memory_space<vmem>>, vector<1x40x128xi32>,
    %jit3A_1360 = arith.constant 1.000000e+00 : f32
    %jit3A_1361 = arith.constant 0.000000e+00 : f32
    %broadcast_in_dim3A_1362 = vector.broadcast %jit3A_1360 : f32 to vector<40x128xf32>
    %broadcast_in_dim3A_1363 = vector.broadcast %jit3A_1361 : f32 to vector<40x128xf32>
    %select_n3A_1364 = arith.select %and3A_1327, %broadcast_in_dim3A_1362, %broadcast_in_dim3A_1363 : vector<40x128xi1>, vector<40x128xf32>
    %swap3A_1365 = arith.constant 8 : index
    %swap3A_1366 = arith.constant 0 : index
    %swap3A_1367 = arith.constant 0 : index
    %swap3A_1368 = vector.load %arg8[%swap3A_1365, %swap3A_1366, %swap3A_1367] : memref<9x40x128xf32, #tpu.memory_space<vmem>>, vector<1x40x128xf32>
    %swap3A_1369 = vector.shape_cast %swap3A_1368 : vector<1x40x128xf32> to vector<40x128xf32>
    %swap3A_1370 = vector.shape_cast %select_n3A_1364 : vector<40x128xf32> to vector<1x40x128xf32>
    tpu.vector_store %arg8[%swap3A_1365, %swap3A_1366, %swap3A_1367], %swap3A_1370 {strides = array<i32>} : memref<9x40x128xf32, #tpu.memory_space<vmem>>, vector<1x40x128xf32>,
    return
  }
  func.func @transform_0(%arg0: i32) -> (i32, i32) {
    %c0_i32 = arith.constant 0 : i32
    %c0_i32_0 = arith.constant 0 : i32
    %c0_i32_1 = arith.constant 0 : i32
    return %c0_i32, %c0_i32_0 : i32, i32
  }
  func.func @transform_1(%arg0: i32) -> (i32, i32) {
    %c0_i32 = arith.constant 0 : i32
    %c0_i32_0 = arith.constant 0 : i32
    return %arg0, %c0_i32 : i32, i32
  }
  func.func @transform_2(%arg0: i32) -> (i32, i32, i32) {
    %c0_i32 = arith.constant 0 : i32
    %c0_i32_0 = arith.constant 0 : i32
    %c0_i32_1 = arith.constant 0 : i32
    return %c0_i32, %arg0, %c0_i32_0 : i32, i32, i32
  }
  func.func @transform_3(%arg0: i32) -> (i32, i32, i32) {
    %c0_i32 = arith.constant 0 : i32
    %c0_i32_0 = arith.constant 0 : i32
    %c0_i32_1 = arith.constant 0 : i32
    return %c0_i32, %arg0, %c0_i32_0 : i32, i32, i32
  }
  func.func @transform_4(%arg0: i32) -> (i32, i32, i32) {
    %c0_i32 = arith.constant 0 : i32
    %c0_i32_0 = arith.constant 0 : i32
    %c0_i32_1 = arith.constant 0 : i32
    return %c0_i32, %arg0, %c0_i32_0 : i32, i32, i32
  }
  func.func @transform_5(%arg0: i32) -> (i32, i32, i32) {
    %c0_i32 = arith.constant 0 : i32
    %c0_i32_0 = arith.constant 0 : i32
    %c0_i32_1 = arith.constant 0 : i32
    return %c0_i32, %arg0, %c0_i32_0 : i32, i32, i32
  }
  func.func @transform_6(%arg0: i32) -> (i32, i32, i32) {
    %c0_i32 = arith.constant 0 : i32
    %c0_i32_0 = arith.constant 0 : i32
    %c0_i32_1 = arith.constant 0 : i32
    return %c0_i32, %arg0, %c0_i32_0 : i32, i32, i32
  }
  func.func @transform_7(%arg0: i32) -> (i32, i32, i32) {
    %c0_i32 = arith.constant 0 : i32
    %c0_i32_0 = arith.constant 0 : i32
    %c0_i32_1 = arith.constant 0 : i32
    return %c0_i32, %arg0, %c0_i32_0 : i32, i32, i32
  }
}

</mosaic_0001>

<sc_bundles>
// kernel: kernel.4.cloned.1.call-start
scs
__scs_entry_jumppad:
0x0: {  	(pc) =	sbr.rel $0x88, $3  }
0x1: {  	(tag) =	ssettag $0x0;
	lr =	simm.s32 $0x1  }
0x2: {  	[smem:$0x3F9B] =	sst lr;
	_ =	strace $0xD0000000  }
0x3: {  	_ = 	snop  }
0x4: {  	_ = 	snop  }
0x5: {  	_ = 	snop  }
0x6: {  	_ = 	snop  }
0x7: {  	_ = 	snop  }
__scs_overlays_trampoline_lowered:
0x8: {  	[smem:$0x3FAA] =	sst s0  }
0x9: {  	[smem:$0x3FAB] =	sst s1  }
0xa: {  	[smem:$0x3FAC] =	sst s2  }
0xb: {  	[smem:$0x3FAD] =	sst s3  }
0xc: {  	[smem:$0x3FAE] =	sst s4  }
0xd: {  	[smem:$0x3FAF] =	sst s5  }
0xe: {  	[smem:$0x3FB0] =	sst s6  }
0xf: {  	[smem:$0x3FB1] =	sst s7  }
0x10: {  	[smem:$0x3FB2] =	sst s8  }
0x11: {  	[smem:$0x3FB3] =	sst s9;
	s0 =	simm.s32 @!p0 $0x0  }
0x12: {  	s1 =	sld [smem:$0x3F99];
	s0 =	simm.s32 @p0 $0x1  }
0x13: {  	[smem:$0x3FB4] =	sst s0;
	s0 =	simm.s32 @!p1 $0x0  }
0x14: {  	s2 =	sld [smem:$0x3F98];
	s0 =	simm.s32 @p1 $0x1  }
0x15: {  	[smem:$0x3FB5] =	sst s0;
	s0 =	simm.s32 @!p2 $0x0  }
0x16: {  	s3 =	sld [smem:$0x3FDB];
	s0 =	simm.s32 @p2 $0x1  }
0x17: {  	s4 =	simm.s32 $0x1BF5;
	[smem:$0x3FB7] =	sst s0  }
0x18: {  	s0 =	sld [smem:$0x3F9A];
	_ =	swait.ge [sflag:s4], $0x0  }
0x19: {  	s7 =	sld [smem:$0x3F9B]  }
0x1a: {  	s8 =	sadd.s32 $0xFFFFE003, lr  }
0x1b: {  	s9 =	sadd.s32 $0xFFFFFEF7, lr;
	s5 =	simm.s32 $0xFFFFFFFF;
	p2 =	slt.u32 s8, $0xFFFFF086  }
0x1c: {  	p1 =	slt.u32 s9, $0xF7A;
	s5 =	simm.s32 @!p2 $0x0  }
0x1d: {  	s5 =	simm.s32 @p1 $0x1;
	p0 =	seq.s32 s7, s2  }
0x1e: {  	s7 =	smul.u32 @!p0 $0xF7A, s2;
	p2 =	seq.s32 @!p0 s5, $0x0  }
0x1f: {  	s9 =	smul.u32 $0xF7A, s1;
	s8 =	simm.s32 @!p0 $0x1BF5;
	p2 =	por !p2, p0  }
0x20: {  	[sflag:s8] =	ssyncset.s32 @!p0 $0xFFFFF086;
	s6 =	sadd.s32 @!p0 s3, s7;
	s7 =	simm.s32 @!p0 $0x108  }
0x21: {  	s3 =	sadd.s32 s3, s9;
	s6 =	sadd.s32 @!p0 $0x88, s6;
	s7 =	simm.s32 @p2 $0x1082  }
0x22: {  	[simem:s7], [sflag:s8] =	dma.local @!p0 [hbm:s6], $0xF7A  }
0x23: {  	s9 =	sor.u32 $0xD0000000, s2;
	s6 =	simm.s32 $0x108;
	_ =	swait.ge @!p0 [sflag:s8], $0x0  }
0x24: {  	s3 =	sadd.s32 $0x88, s3;
	s6 =	simm.s32 @!p1 $0x1082;
	[sflag:s4] =	ssyncset.s32 $0xFFFFF086  }
0x25: {  	[simem:s6], [sflag:s4] =	dma.local [hbm:s3], $0xF7A  }
0x26: {  	[smem:$0x3F9B] =	sst s1;
	(tag) =	ssettag s2;
	_ =	strace s9  }
0x27: {  	s1 =	sld [smem:$0x3FAB]  }
0x28: {  	s2 =	sld [smem:$0x3FAC]  }
0x29: {  	s4 =	sld [smem:$0x3FAE]  }
0x2a: {  	p0 =	seq.s32 s5, $0x0;
	s5 =	sld [smem:$0x3FAF]  }
0x2b: {  	s6 =	sld [smem:$0x3FB0]  }
0x2c: {  	s7 =	sld [smem:$0x3FB1]  }
0x2d: {  	s3 =	simm.s32 $0x108;
	s8 =	sld [smem:$0x3FB2]  }
0x2e: {  	s3 =	simm.s32 @!p0 $0x1082;
	s9 =	sld [smem:$0x3FB3]  }
0x2f: {  	lr =	sadd.s32 s0, s3;
	s0 =	sld [smem:$0x3FAA]  }
0x30: {  	s3 =	sld [smem:$0x3FAD]  }
0x31: {  	[smem:$0x3FB6] =	sst s10  }
0x32: {  	s10 =	sld [smem:$0x3FB4];
	_ =	sdelay $0x3  }
0x33: {  	p0 =	seq.s32 s10, $0x1;
	s10 =	sld [smem:$0x3FB6];
	_ =	sdelay $0x3  }
0x34: {  	[smem:$0x3FB6] =	sst s10  }
0x35: {  	s10 =	sld [smem:$0x3FB5];
	_ =	sdelay $0x3  }
0x36: {  	p1 =	seq.s32 s10, $0x1;
	s10 =	sld [smem:$0x3FB6];
	_ =	sdelay $0x3  }
0x37: {  	[smem:$0x3FB6] =	sst s10  }
0x38: {  	s10 =	sld [smem:$0x3FB7]  }
0x39: {  	_ = 	snop;
	(pc) =	sbr.ind lr, $3  }
0x3a: {  	_ = 	snop  }
0x3b: {  	_ = 	snop  }
0x3c: {  	p2 =	seq.s32 s10, $0x1;
	s10 =	sld [smem:$0x3FB6]  }
0x3d: {  	_ =	shalt  }
0x3e: {  	_ =	shalt  }
0x3f: {  	_ =	shalt  }
0x40: {  	_ =	shalt  }
0x41: {  	_ =	shalt  }
0x42: {  	_ =	shalt  }
0x43: {  	_ =	shalt  }
0x44: {  	_ =	shalt  }
0x45: {  	_ =	shalt  }
0x46: {  	_ =	shalt  }
0x47: {  	_ =	shalt  }
0x48: {  	_ =	shalt  }
0x49: {  	_ =	shalt  }
0x4a: {  	_ =	shalt  }
0x4b: {  	_ =	shalt  }
0x4c: {  	_ =	shalt  }
0x4d: {  	_ =	shalt  }
0x4e: {  	_ =	shalt  }
0x4f: {  	_ =	shalt  }
0x50: {  	_ =	shalt  }
0x51: {  	_ =	shalt  }
0x52: {  	_ =	shalt  }
0x53: {  	_ =	shalt  }
0x54: {  	_ =	shalt  }
0x55: {  	_ =	shalt  }
0x56: {  	_ =	shalt  }
0x57: {  	_ =	shalt  }
0x58: {  	_ =	shalt  }
0x59: {  	_ =	shalt  }
0x5a: {  	_ =	shalt  }
0x5b: {  	_ =	shalt  }
0x5c: {  	_ =	shalt  }
0x5d: {  	_ =	shalt  }
0x5e: {  	_ =	shalt  }
0x5f: {  	_ =	shalt  }
0x60: {  	_ =	shalt  }
0x61: {  	_ =	shalt  }
0x62: {  	_ =	shalt  }
0x63: {  	_ =	shalt  }
0x64: {  	_ =	shalt  }
0x65: {  	_ =	shalt  }
0x66: {  	_ =	shalt  }
0x67: {  	_ =	shalt  }
0x68: {  	_ =	shalt  }
0x69: {  	_ =	shalt  }
0x6a: {  	_ =	shalt  }
0x6b: {  	_ =	shalt  }
0x6c: {  	_ =	shalt  }
0x6d: {  	_ =	shalt  }
0x6e: {  	_ =	shalt  }
0x6f: {  	_ =	shalt  }
0x70: {  	_ =	shalt  }
0x71: {  	_ =	shalt  }
0x72: {  	_ =	shalt  }
0x73: {  	_ =	shalt  }
0x74: {  	_ =	shalt  }
0x75: {  	_ =	shalt  }
0x76: {  	_ =	shalt  }
0x77: {  	_ =	shalt  }
0x78: {  	_ =	shalt  }
0x79: {  	_ =	shalt  }
0x7a: {  	_ =	shalt  }
0x7b: {  	_ =	shalt  }
0x7c: {  	_ =	shalt  }
0x7d: {  	_ =	shalt  }
0x7e: {  	_ =	shalt  }
0x7f: {  	_ =	shalt  }
0x80: {  	_ =	shalt  }
0x81: {  	_ =	shalt  }
0x82: {  	_ =	shalt  }
0x83: {  	_ =	shalt  }
0x84: {  	_ =	shalt  }
0x85: {  	_ =	shalt  }
0x86: {  	_ =	shalt  }
0x87: {  	_ =	shalt  }
.Lfunc_end0:
.L_simem_size_0:
called_computation.1_lowered:
.L_overlay_start_0:
0x88: {  	s2 =	sld [smem:$0x3FD9]  }
0x89: {  	s3 =	sld [smem:$0x3FFE];
	_ =	sdelay $0x1  }
0x8a: {  	s1 =	srdreg.scid  }
0x8b: {  	s0 =	sand.u32 $0x1, s1  }
0x8c: {  	s14 =	sshll.u32 s0, $0xA;
	s2 =	sadd.s32 s3, s2  }
0x8d: {  	s2 =	sadd.s32 s2, s14  }
0x8e: {  	[smem:$0x3FC2] =	sst s2  }
0x8f: {  	_ = 	snop  }
0x90: {  	s2 =	sld [smem:$0x3FD0];
	_ =	sdelay $0x2  }
0x91: {  	s15 =	simm.s32 $0xA;
	s4 =	simm.s32 $0x10  }
0x92: {  	[smem:s4], [sflag:s15] =	dma.local [hbm:s2], $0x1  }
0x93: {  	_ =	swait.eq [sflag:s15], $0x1  }
0x94: {  	[sflag:s15] =	ssyncset.done $0x0  }
0x95: {  	[sflag:s15] =	ssyncadd.s32 $0xFFFFFFFF  }
0x96: {  	s16 =	sld [smem:$0x10];
	(tm) =	ssettm $0x1  }
0x97: {  	s17 =	sld [smem:$0x3FFB];
	_ =	sdelay $0x3  }
0x98: {  	_ =	strace s17  }
0x99: {  	s3 =	sld [smem:$0x3FFC];
	_ =	sdelay $0x3  }
0x9a: {  	_ =	strace s3  }
0x9b: {  	s3 =	sld [smem:$0x3FFD];
	_ =	sdelay $0x3  }
0x9c: {  	_ =	strace s3  }
0x9d: {  	_ =	strace $0x8FFFFFFF  }
0x9e: {  	s18 =	sld [smem:$0x3FDB];
	_ =	sdelay $0x1  }
0x9f: {  	s19 =	simm.s32 $_scs_section_size  }
0xa0: {  	s5 =	simm.s32 $_size__tile_overlayer_lowered;
	s6 =	simm.s32 $_tile_overlayer_lowered  }
0xa1: {  	s22 =	simm.s32 $0x1BFF;
	s21 =	sshll.u32 s6, $0x1;
	s3 =	sadd.s32 s19, s18  }
0xa2: {  	s7 =	simm.s32 $0x0;
	s20 =	sshll.u32 s5, $0x1;
	s5 =	sadd.s32 s21, s3  }
0xa3: {  	[timem:s7], [sflag:s22] =	dma.local [hbm:s5], s20  }
0xa4: {  	_ =	swait.ge [sflag:s22], s20  }
0xa5: {  	s4 =	ssub.s32 $0x0, s20;
	[sflag:s22] =	ssyncset.done $0x0  }
0xa6: {  	[sflag:s22] =	ssyncadd.s32 s4;
	_ =	sdelay $0x1  }
0xa7: {  	s23 =	simm.s32 $0x1B8B  }
0xa8: {  	_ =	swait.ge [sflag:s23], $0x1  }
0xa9: {  	[sflag:s23] =	ssyncset.done $0x0  }
0xaa: {  	s25 =	simm.s32 $0x1B8E;
	s24 =	sld [smem:$0x3FFE];
	[sflag:s23] =	ssyncadd.s32 $0xFFFFFFFF  }
0xab: {  	s26 =	simm.s32 $execute0_lowered;
	[smem:$0x3FD2] =	sst s25  }
0xac: {  	s5 =	sshll.u32 s26, $0x1;
	_ =	strace $0x80000049;
	[dreg:$0x1] =	wrdreg $0xFFFFFFFF  }
0xad: {  	s28 =	simm.s32 $_size_execute0_lowered;
	s3 =	sadd.s32 s3, s5;
	[dreg:$0x0] =	wrdreg $0x0  }
0xae: {  	s5 =	sshll.u32 s28, $0x1;
	[dreg:$0x2] =	wrdreg s3  }
0xaf: {  	[dreg:$0x3] =	wrdreg s5  }
0xb0: {  	[dreg:$0x4] =	wrdreg $0xC0  }
0xb1: {  	_ =	task [dreg:s7], $0x5FFFF  }
0xb2: {  	[dreg:$0x1] =	wrdreg $0xFFFFFFFF  }
0xb3: {  	[dreg:$0x0] =	wrdreg $0x60  }
0xb4: {  	[dreg:$0x2] =	wrdreg s24  }
0xb5: {  	[dreg:$0x3] =	wrdreg s16  }
0xb6: {  	[dreg:$0x4] =	wrdreg $0x9  }
0xb7: {  	_ =	task.clear_ibuf [dreg:s7], $0x5FFFF;
	_ =	strace $0x90000049  }
0xb8: {  	s29 =	simm.s32 $0x9;
	_ =	strace $0x8000004B  }
0xb9: {  	_ =	swait.ge [sflag:s29], $0x1  }
0xba: {  	[sflag:s29] =	ssyncadd.s32 $0xFFFFFFFF  }
0xbb: {  	_ =	strace $0x9000004B  }
0xbc: {  	_ =	sfence  }
0xbd: {  	s30 =	sld [smem:$0x0];
	_ =	sdelay $0x2  }
0xbe: {  	s31 =	sshll.u32 s1, $0xD;
	s1 =	sshrl.u32 s1, $0x2  }
0xbf: {  	s3 =	sand.u32 $0x4000, s31;
	s1 =	sadd.s32 s1, s30  }
0xc0: {  	s0 =	sor.u32 s3, s0;
	s1 =	sshll.u32 s1, $0x11  }
0xc1: {  	s0 =	sor.u32 s1, s0  }
0xc2: {  	s0 =	sadd.s32 $0x8F2B, s0  }
0xc3: {  	[sflag:s0] =	ssyncadd.remote.s32 $0x1  }
0xc4: {  	_ =	sfence.sel $0xFFFF  }
0xc5: {  	[dreg:$0x0] =	wrdreg $0xFFFFFFFF;
	(pc) =	sbr.abs _section_cstart, $3  }
0xc6: {  	[dreg:$0x1] =	wrdreg $0xFFFFFFFF  }
0xc7: {  	_ =	task.clear_ibuf [dreg:s7], $0x2FFFF;
	_ =	strace $0x9FFFFFFF  }
0xc8: {  	(tm) =	ssettm $0x7FFFFFFF  }
0xc9: {  	_ =	shalt  }
tec
execute0_lowered:
.L_overlay_start_1:
0x0: {  	(tag) =	ssettag $0x1  }
0x1: {  	s0 =	rddreg [dreg:$0x0];
	s1 =	srdreg.scid  }
0x2: {  	s3 =	stileid.u32;
	s2 =	rddreg [dreg:$0x1]  }
0x3: {  	s13 =	simm.s32 $0x3;
	s14 =	simm.s32 $0x60;
	s15 =	simm.s32 $0x2200  }
0x4: {  	s29 =	simm.s32 $0x2000;
	s30 =	simm.s32 $0x4200;
	s31 =	simm.s32 $0x2060  }
0x5: {  	s12 =	simm.s32 $0x4320;
	s16 =	simm.s32 $0x2180;
	s17 =	simm.s32 $0x4380  }
0x6: {  	s18 =	simm.s32 $0x5500;
	s19 =	simm.s32 $0x1;
	s20 =	simm.s32 $0x2  }
0x7: {  	s21 =	simm.s32 $0x0;
	s1 =	sand.u32 $0x1, s1;
	s4 =	sshll.u32 s3, $0x1  }
0x8: {  	s3 =	simm.s32 $0x0;
	s5 =	sadd.s32 $0x3C00, s0;
	s6 =	sadd.s32 $0x282600, s0  }
0x9: {  	s7 =	sadd.s32 $0x2ACA00, s0;
	s4 =	sor.u32 s1, s4;
	s1 =	ssub.s32 $0x2, s1  }
0xa: {  	[smem:$0x7FF] =	sst s3;
	s4 =	smul.u32 $0xA8C0, s4;
	s8 =	sshrl.u32 s1, $0x1  }
0xb: {  	_ =	strace $0x8000004A;
	s24 =	ssub.s32 s1, s8;
	s1 =	simm.s32 $0x4260  }
0xc: {  	s8 =	simm.s32 $0x42C0;
	s9 =	sshrl.u32 s4, $0x3;
	s28 =	sadd.s32 $0x21C0, s4  }
0xd: {  	s10 =	sadd.s32 $0x10E0, s4;
	s0 =	smax.u32 s24, $0x1;
	[dreg:$0x5] =	wrdreg s28  }
0xe: {  	s24 =	simm.s32 $0x1100;
	s25 =	sadd.s32 s2, s9;
	[dreg:$0x6] =	wrdreg s0  }
0xf: {  	s26 =	sadd.s32 s6, s9;
	s0 =	simm.s32 $0x20C0;
	[dreg:$0x3] =	wrdreg s25  }
0x10: {  	s9 =	simm.s32 $0x2120;
	[dreg:$0x4] =	wrdreg s26;
	s25 =	simm.s32 $0x3300  }
.LBB2_1:
0x11: {  	[dreg:$0x7] =	wrdreg s21  }
0x12: {  	s11 =	rddreg [dreg:$0x3]  }
0x13: {  	[tilespmem:s3], [sflag:$0x3] =	stream.linear.gather [hbm4b:s11+s3], $0x10E0, $0x38;
	[tilespmem:$0x6600] =	vst v63  }
0x14: {  	_ =	swait.ge [sflag:s13], $0x10E0  }
0x15: {  	[sflag:s13] =	ssyncset.done $0x0  }
0x16: {  	[sflag:s13] =	ssyncadd.s32 $0xFFFFEF20  }
0x17: {  	[tilespmem:s15], [sflag:$0x1] =	stream.indirect.gather [hbm4b:s5+s14], $0x1, s3, s14, $0xb8;
	[tilespmem:$0x6600] =	vst v63  }
0x18: {  	s21 =	simm.s32 $0x2260  }
0x19: {  	[tilespmem:s21], [sflag:$0x1] =	stream.indirect.gather [hbm4b:s5+s14], $0x1, s14, s14, $0xb8;
	[tilespmem:$0x6600] =	vst v63  }
0x1a: {  	s22 =	simm.s32 $0xC0;
	s23 =	simm.s32 $0x22C0  }
0x1b: {  	[tilespmem:s23], [sflag:$0x1] =	stream.indirect.gather [hbm4b:s5+s14], $0x1, s22, s14, $0xb8;
	[tilespmem:$0x6600] =	vst v63  }
0x1c: {  	s26 =	simm.s32 $0x120;
	s28 =	simm.s32 $0x2320  }
0x1d: {  	[tilespmem:s28], [sflag:$0x1] =	stream.indirect.gather [hbm4b:s5+s14], $0x1, s26, s14, $0xb8;
	[tilespmem:$0x6600] =	vst v63  }
0x1e: {  	s22 =	simm.s32 $0x180;
	s23 =	simm.s32 $0x2380  }
0x1f: {  	[tilespmem:s23], [sflag:$0x1] =	stream.indirect.gather [hbm4b:s5+s14], $0x1, s22, s14, $0xb8;
	[tilespmem:$0x6600] =	vst v63  }
0x20: {  	s26 =	simm.s32 $0x1E0;
	s28 =	simm.s32 $0x23E0  }
0x21: {  	[tilespmem:s28], [sflag:$0x1] =	stream.indirect.gather [hbm4b:s5+s14], $0x1, s26, s14, $0xb8;
	[tilespmem:$0x6600] =	vst v63  }
0x22: {  	s22 =	simm.s32 $0x240;
	s23 =	simm.s32 $0x2440  }
0x23: {  	[tilespmem:s23], [sflag:$0x1] =	stream.indirect.gather [hbm4b:s5+s14], $0x1, s22, s14, $0xb8;
	[tilespmem:$0x6600] =	vst v63  }
0x24: {  	s26 =	simm.s32 $0x2A0;
	s28 =	simm.s32 $0x24A0  }
0x25: {  	[tilespmem:s28], [sflag:$0x1] =	stream.indirect.gather [hbm4b:s5+s14], $0x1, s26, s14, $0xb8;
	[tilespmem:$0x6600] =	vst v63  }
0x26: {  	s22 =	simm.s32 $0x300;
	s23 =	simm.s32 $0x2500  }
0x27: {  	[tilespmem:s23], [sflag:$0x1] =	stream.indirect.gather [hbm4b:s5+s14], $0x1, s22, s14, $0xb8;
	[tilespmem:$0x6600] =	vst v63  }
0x28: {  	s26 =	simm.s32 $0x360;
	s28 =	simm.s32 $0x2560  }
0x29: {  	[tilespmem:s28], [sflag:$0x1] =	stream.indirect.gather [hbm4b:s5+s14], $0x1, s26, s14, $0xb8;
	[tilespmem:$0x6600] =	vst v63  }
0x2a: {  	s22 =	simm.s32 $0x3C0;
	s23 =	simm.s32 $0x25C0  }
0x2b: {  	[tilespmem:s23], [sflag:$0x1] =	stream.indirect.gather [hbm4b:s5+s14], $0x1, s22, s14, $0xb8;
	[tilespmem:$0x6600] =	vst v63  }
0x2c: {  	s26 =	simm.s32 $0x420;
	s28 =	simm.s32 $0x2620  }
0x2d: {  	[tilespmem:s28], [sflag:$0x1] =	stream.indirect.gather [hbm4b:s5+s14], $0x1, s26, s14, $0xb8;
	[tilespmem:$0x6600] =	vst v63  }
0x2e: {  	s22 =	simm.s32 $0x480;
	s23 =	simm.s32 $0x2680  }
0x2f: {  	[tilespmem:s23], [sflag:$0x1] =	stream.indirect.gather [hbm4b:s5+s14], $0x1, s22, s14, $0xb8;
	[tilespmem:$0x6600] =	vst v63  }
0x30: {  	s26 =	simm.s32 $0x4E0;
	s28 =	simm.s32 $0x26E0  }
0x31: {  	[tilespmem:s28], [sflag:$0x1] =	stream.indirect.gather [hbm4b:s5+s14], $0x1, s26, s14, $0xb8;
	[tilespmem:$0x6600] =	vst v63  }
0x32: {  	s22 =	simm.s32 $0x540;
	s23 =	simm.s32 $0x2740  }
0x33: {  	[tilespmem:s23], [sflag:$0x1] =	stream.indirect.gather [hbm4b:s5+s14], $0x1, s22, s14, $0xb8;
	[tilespmem:$0x6600] =	vst v63  }
0x34: {  	s26 =	simm.s32 $0x5A0;
	s28 =	simm.s32 $0x27A0  }
0x35: {  	[tilespmem:s28], [sflag:$0x1] =	stream.indirect.gather [hbm4b:s5+s14], $0x1, s26, s14, $0xb8;
	[tilespmem:$0x6600] =	vst v63  }
0x36: {  	s22 =	simm.s32 $0x600;
	s23 =	simm.s32 $0x2800  }
0x37: {  	[tilespmem:s23], [sflag:$0x1] =	stream.indirect.gather [hbm4b:s5+s14], $0x1, s22, s14, $0xb8;
	[tilespmem:$0x6600] =	vst v63  }
0x38: {  	s26 =	simm.s32 $0x660;
	s28 =	simm.s32 $0x2860  }
0x39: {  	[tilespmem:s28], [sflag:$0x1] =	stream.indirect.gather [hbm4b:s5+s14], $0x1, s26, s14, $0xb8;
	[tilespmem:$0x6600] =	vst v63  }
0x3a: {  	s22 =	simm.s32 $0x6C0;
	s23 =	simm.s32 $0x28C0  }
0x3b: {  	[tilespmem:s23], [sflag:$0x1] =	stream.indirect.gather [hbm4b:s5+s14], $0x1, s22, s14, $0xb8;
	[tilespmem:$0x6600] =	vst v63  }
0x3c: {  	s26 =	simm.s32 $0x720;
	s28 =	simm.s32 $0x2920  }
0x3d: {  	[tilespmem:s28], [sflag:$0x1] =	stream.indirect.gather [hbm4b:s5+s14], $0x1, s26, s14, $0xb8;
	[tilespmem:$0x6600] =	vst v63  }
0x3e: {  	s22 =	simm.s32 $0x780;
	s23 =	simm.s32 $0x2980  }
0x3f: {  	[tilespmem:s23], [sflag:$0x1] =	stream.indirect.gather [hbm4b:s5+s14], $0x1, s22, s14, $0xb8;
	[tilespmem:$0x6600] =	vst v63  }
0x40: {  	s26 =	simm.s32 $0x7E0;
	s28 =	simm.s32 $0x29E0  }
0x41: {  	[tilespmem:s28], [sflag:$0x1] =	stream.indirect.gather [hbm4b:s5+s14], $0x1, s26, s14, $0xb8;
	[tilespmem:$0x6600] =	vst v63  }
0x42: {  	s22 =	simm.s32 $0x840;
	s23 =	simm.s32 $0x2A40  }
0x43: {  	[tilespmem:s23], [sflag:$0x1] =	stream.indirect.gather [hbm4b:s5+s14], $0x1, s22, s14, $0xb8;
	[tilespmem:$0x6600] =	vst v63  }
0x44: {  	s26 =	simm.s32 $0x8A0;
	s28 =	simm.s32 $0x2AA0  }
0x45: {  	[tilespmem:s28], [sflag:$0x1] =	stream.indirect.gather [hbm4b:s5+s14], $0x1, s26, s14, $0xb8;
	[tilespmem:$0x6600] =	vst v63  }
0x46: {  	s22 =	simm.s32 $0x900;
	s23 =	simm.s32 $0x2B00  }
0x47: {  	[tilespmem:s23], [sflag:$0x1] =	stream.indirect.gather [hbm4b:s5+s14], $0x1, s22, s14, $0xb8;
	[tilespmem:$0x6600] =	vst v63  }
0x48: {  	s26 =	simm.s32 $0x960;
	s28 =	simm.s32 $0x2B60  }
0x49: {  	[tilespmem:s28], [sflag:$0x1] =	stream.indirect.gather [hbm4b:s5+s14], $0x1, s26, s14, $0xb8;
	[tilespmem:$0x6600] =	vst v63  }
0x4a: {  	s22 =	simm.s32 $0x9C0;
	s23 =	simm.s32 $0x2BC0  }
0x4b: {  	[tilespmem:s23], [sflag:$0x1] =	stream.indirect.gather [hbm4b:s5+s14], $0x1, s22, s14, $0xb8;
	[tilespmem:$0x6600] =	vst v63  }
0x4c: {  	s26 =	simm.s32 $0xA20;
	s28 =	simm.s32 $0x2C20  }
0x4d: {  	[tilespmem:s28], [sflag:$0x1] =	stream.indirect.gather [hbm4b:s5+s14], $0x1, s26, s14, $0xb8;
	[tilespmem:$0x6600] =	vst v63  }
0x4e: {  	s22 =	simm.s32 $0xA80;
	s23 =	simm.s32 $0x2C80  }
0x4f: {  	[tilespmem:s23], [sflag:$0x1] =	stream.indirect.gather [hbm4b:s5+s14], $0x1, s22, s14, $0xb8;
	[tilespmem:$0x6600] =	vst v63  }
0x50: {  	s26 =	simm.s32 $0xAE0;
	s28 =	simm.s32 $0x2CE0  }
0x51: {  	[tilespmem:s28], [sflag:$0x1] =	stream.indirect.gather [hbm4b:s5+s14], $0x1, s26, s14, $0xb8;
	[tilespmem:$0x6600] =	vst v63  }
0x52: {  	s22 =	simm.s32 $0xB40;
	s23 =	simm.s32 $0x2D40  }
0x53: {  	[tilespmem:s23], [sflag:$0x1] =	stream.indirect.gather [hbm4b:s5+s14], $0x1, s22, s14, $0xb8;
	[tilespmem:$0x6600] =	vst v63  }
0x54: {  	s26 =	simm.s32 $0xBA0;
	s28 =	simm.s32 $0x2DA0  }
0x55: {  	[tilespmem:s28], [sflag:$0x1] =	stream.indirect.gather [hbm4b:s5+s14], $0x1, s26, s14, $0xb8;
	[tilespmem:$0x6600] =	vst v63  }
0x56: {  	s22 =	simm.s32 $0xC00;
	s23 =	simm.s32 $0x2E00  }
0x57: {  	[tilespmem:s23], [sflag:$0x1] =	stream.indirect.gather [hbm4b:s5+s14], $0x1, s22, s14, $0xb8;
	[tilespmem:$0x6600] =	vst v63  }
0x58: {  	s26 =	simm.s32 $0xC60;
	s28 =	simm.s32 $0x2E60  }
0x59: {  	[tilespmem:s28], [sflag:$0x1] =	stream.indirect.gather [hbm4b:s5+s14], $0x1, s26, s14, $0xb8;
	[tilespmem:$0x6600] =	vst v63  }
0x5a: {  	s22 =	simm.s32 $0xCC0;
	s23 =	simm.s32 $0x2EC0  }
0x5b: {  	[tilespmem:s23], [sflag:$0x1] =	stream.indirect.gather [hbm4b:s5+s14], $0x1, s22, s14, $0xb8;
	[tilespmem:$0x6600] =	vst v63  }
0x5c: {  	s26 =	simm.s32 $0xD20;
	s28 =	simm.s32 $0x2F20  }
0x5d: {  	[tilespmem:s28], [sflag:$0x1] =	stream.indirect.gather [hbm4b:s5+s14], $0x1, s26, s14, $0xb8;
	[tilespmem:$0x6600] =	vst v63  }
0x5e: {  	s22 =	simm.s32 $0xD80;
	s23 =	simm.s32 $0x2F80  }
0x5f: {  	[tilespmem:s23], [sflag:$0x1] =	stream.indirect.gather [hbm4b:s5+s14], $0x1, s22, s14, $0xb8;
	[tilespmem:$0x6600] =	vst v63  }
0x60: {  	s26 =	simm.s32 $0xDE0;
	s28 =	simm.s32 $0x2FE0  }
0x61: {  	[tilespmem:s28], [sflag:$0x1] =	stream.indirect.gather [hbm4b:s5+s14], $0x1, s26, s14, $0xb8;
	[tilespmem:$0x6600] =	vst v63  }
0x62: {  	s22 =	simm.s32 $0xE40;
	s23 =	simm.s32 $0x3040  }
0x63: {  	[tilespmem:s23], [sflag:$0x1] =	stream.indirect.gather [hbm4b:s5+s14], $0x1, s22, s14, $0xb8;
	[tilespmem:$0x6600] =	vst v63  }
0x64: {  	s26 =	simm.s32 $0xEA0;
	s28 =	simm.s32 $0x30A0  }
0x65: {  	[tilespmem:s28], [sflag:$0x1] =	stream.indirect.gather [hbm4b:s5+s14], $0x1, s26, s14, $0xb8;
	[tilespmem:$0x6600] =	vst v63  }
0x66: {  	s22 =	simm.s32 $0xF00;
	s23 =	simm.s32 $0x3100  }
0x67: {  	[tilespmem:s23], [sflag:$0x1] =	stream.indirect.gather [hbm4b:s5+s14], $0x1, s22, s14, $0xb8;
	[tilespmem:$0x6600] =	vst v63  }
0x68: {  	s26 =	simm.s32 $0xF60;
	s28 =	simm.s32 $0x3160  }
0x69: {  	[tilespmem:s28], [sflag:$0x1] =	stream.indirect.gather [hbm4b:s5+s14], $0x1, s26, s14, $0xb8;
	[tilespmem:$0x6600] =	vst v63  }
0x6a: {  	s22 =	simm.s32 $0xFC0;
	s23 =	simm.s32 $0x31C0  }
0x6b: {  	[tilespmem:s23], [sflag:$0x1] =	stream.indirect.gather [hbm4b:s5+s14], $0x1, s22, s14, $0xb8;
	[tilespmem:$0x6600] =	vst v63  }
0x6c: {  	s26 =	simm.s32 $0x1020;
	s28 =	simm.s32 $0x3220  }
0x6d: {  	[tilespmem:s28], [sflag:$0x1] =	stream.indirect.gather [hbm4b:s5+s14], $0x1, s26, s14, $0xb8;
	[tilespmem:$0x6600] =	vst v63  }
0x6e: {  	s22 =	simm.s32 $0x1080;
	s23 =	simm.s32 $0x3280  }
0x6f: {  	[tilespmem:s23], [sflag:$0x1] =	stream.indirect.gather [hbm4b:s5+s14], $0x1, s22, s14, $0xb8;
	[tilespmem:$0x6600] =	vst v63  }
0x70: {  	s26 =	rddreg [dreg:$0x4];
	s28 =	simm.s32 $0x4400  }
0x71: {  	[tilespmem:s28], [sflag:$0x3] =	stream.linear.gather [hbm4b:s26+s3], $0x10E0, $0x38;
	[tilespmem:$0x6600] =	vst v63  }
0x72: {  	_ =	swait.ge [sflag:s13], $0x10E0  }
0x73: {  	[sflag:s13] =	ssyncset.done $0x0  }
0x74: {  	s21 =	simm.s32 $0x0;
	[sflag:s13] =	ssyncadd.s32 $0xFFFFEF20  }
.LBB2_2:
0x75: {  	s23 =	smul.u32 $0x21C0, s21;
	_ =	sdelay $0x1  }
0x76: {  	s11 =	sadd.s32 s23, s10  }
0x77: {  	s22 =	sshrl.u32 s11, $0x3  }
0x78: {  	s26 =	simm.s32 $0x0;
	s11 =	sadd.s32 s2, s22  }
0x79: {  	[tilespmem:s24], [sflag:$0x3] =	stream.linear.gather [hbm4b:s11+s26], $0x10E0, $0x38;
	[tilespmem:$0x6600] =	vst v63  }
0x7a: {  	_ =	swait.ge [sflag:s13], $0x10E0  }
0x7b: {  	[sflag:s13] =	ssyncset.done $0x0  }
0x7c: {  	[sflag:s13] =	ssyncadd.s32 $0xFFFFEF20  }
0x7d: {  	[tilespmem:s25], [sflag:$0x2] =	stream.indirect.gather [hbm4b:s5+s14], $0x1, s24, s14, $0xb8;
	[tilespmem:$0x6600] =	vst v63  }
0x7e: {  	s28 =	simm.s32 $0x3360;
	s11 =	simm.s32 $0x1160  }
0x7f: {  	[tilespmem:s28], [sflag:$0x2] =	stream.indirect.gather [hbm4b:s5+s14], $0x1, s11, s14, $0xb8;
	[tilespmem:$0x6600] =	vst v63  }
0x80: {  	s11 =	simm.s32 $0x11C0;
	s28 =	simm.s32 $0x33C0  }
0x81: {  	[tilespmem:s28], [sflag:$0x2] =	stream.indirect.gather [hbm4b:s5+s14], $0x1, s11, s14, $0xb8;
	[tilespmem:$0x6600] =	vst v63  }
0x82: {  	s11 =	simm.s32 $0x1220;
	s28 =	simm.s32 $0x3420  }
0x83: {  	[tilespmem:s28], [sflag:$0x2] =	stream.indirect.gather [hbm4b:s5+s14], $0x1, s11, s14, $0xb8;
	[tilespmem:$0x6600] =	vst v63  }
0x84: {  	s11 =	simm.s32 $0x1280;
	s28 =	simm.s32 $0x3480  }
0x85: {  	[tilespmem:s28], [sflag:$0x2] =	stream.indirect.gather [hbm4b:s5+s14], $0x1, s11, s14, $0xb8;
	[tilespmem:$0x6600] =	vst v63  }
0x86: {  	s11 =	simm.s32 $0x12E0;
	s28 =	simm.s32 $0x34E0  }
0x87: {  	[tilespmem:s28], [sflag:$0x2] =	stream.indirect.gather [hbm4b:s5+s14], $0x1, s11, s14, $0xb8;
	[tilespmem:$0x6600] =	vst v63  }
0x88: {  	s11 =	simm.s32 $0x1340;
	s28 =	simm.s32 $0x3540  }
0x89: {  	[tilespmem:s28], [sflag:$0x2] =	stream.indirect.gather [hbm4b:s5+s14], $0x1, s11, s14, $0xb8;
	[tilespmem:$0x6600] =	vst v63  }
0x8a: {  	s11 =	simm.s32 $0x13A0;
	s28 =	simm.s32 $0x35A0  }
0x8b: {  	[tilespmem:s28], [sflag:$0x2] =	stream.indirect.gather [hbm4b:s5+s14], $0x1, s11, s14, $0xb8;
	[tilespmem:$0x6600] =	vst v63  }
0x8c: {  	s11 =	simm.s32 $0x1400;
	s28 =	simm.s32 $0x3600  }
0x8d: {  	[tilespmem:s28], [sflag:$0x2] =	stream.indirect.gather [hbm4b:s5+s14], $0x1, s11, s14, $0xb8;
	[tilespmem:$0x6600] =	vst v63  }
0x8e: {  	s11 =	simm.s32 $0x1460;
	s28 =	simm.s32 $0x3660  }
0x8f: {  	[tilespmem:s28], [sflag:$0x2] =	stream.indirect.gather [hbm4b:s5+s14], $0x1, s11, s14, $0xb8;
	[tilespmem:$0x6600] =	vst v63  }
0x90: {  	s11 =	simm.s32 $0x14C0;
	s28 =	simm.s32 $0x36C0  }
0x91: {  	[tilespmem:s28], [sflag:$0x2] =	stream.indirect.gather [hbm4b:s5+s14], $0x1, s11, s14, $0xb8;
	[tilespmem:$0x6600] =	vst v63  }
0x92: {  	s11 =	simm.s32 $0x1520;
	s28 =	simm.s32 $0x3720  }
0x93: {  	[tilespmem:s28], [sflag:$0x2] =	stream.indirect.gather [hbm4b:s5+s14], $0x1, s11, s14, $0xb8;
	[tilespmem:$0x6600] =	vst v63  }
0x94: {  	s11 =	simm.s32 $0x1580;
	s28 =	simm.s32 $0x3780  }
0x95: {  	[tilespmem:s28], [sflag:$0x2] =	stream.indirect.gather [hbm4b:s5+s14], $0x1, s11, s14, $0xb8;
	[tilespmem:$0x6600] =	vst v63  }
0x96: {  	s11 =	simm.s32 $0x15E0;
	s28 =	simm.s32 $0x37E0  }
0x97: {  	[tilespmem:s28], [sflag:$0x2] =	stream.indirect.gather [hbm4b:s5+s14], $0x1, s11, s14, $0xb8;
	[tilespmem:$0x6600] =	vst v63  }
0x98: {  	s11 =	simm.s32 $0x1640;
	s28 =	simm.s32 $0x3840  }
0x99: {  	[tilespmem:s28], [sflag:$0x2] =	stream.indirect.gather [hbm4b:s5+s14], $0x1, s11, s14, $0xb8;
	[tilespmem:$0x6600] =	vst v63  }
0x9a: {  	s11 =	simm.s32 $0x16A0;
	s28 =	simm.s32 $0x38A0  }
0x9b: {  	[tilespmem:s28], [sflag:$0x2] =	stream.indirect.gather [hbm4b:s5+s14], $0x1, s11, s14, $0xb8;
	[tilespmem:$0x6600] =	vst v63  }
0x9c: {  	s11 =	simm.s32 $0x1700;
	s28 =	simm.s32 $0x3900  }
0x9d: {  	[tilespmem:s28], [sflag:$0x2] =	stream.indirect.gather [hbm4b:s5+s14], $0x1, s11, s14, $0xb8;
	[tilespmem:$0x6600] =	vst v63  }
0x9e: {  	s11 =	simm.s32 $0x1760;
	s28 =	simm.s32 $0x3960  }
0x9f: {  	[tilespmem:s28], [sflag:$0x2] =	stream.indirect.gather [hbm4b:s5+s14], $0x1, s11, s14, $0xb8;
	[tilespmem:$0x6600] =	vst v63  }
0xa0: {  	s11 =	simm.s32 $0x17C0;
	s28 =	simm.s32 $0x39C0  }
0xa1: {  	[tilespmem:s28], [sflag:$0x2] =	stream.indirect.gather [hbm4b:s5+s14], $0x1, s11, s14, $0xb8;
	[tilespmem:$0x6600] =	vst v63  }
0xa2: {  	s11 =	simm.s32 $0x1820;
	s28 =	simm.s32 $0x3A20  }
0xa3: {  	[tilespmem:s28], [sflag:$0x2] =	stream.indirect.gather [hbm4b:s5+s14], $0x1, s11, s14, $0xb8;
	[tilespmem:$0x6600] =	vst v63  }
0xa4: {  	s11 =	simm.s32 $0x1880;
	s28 =	simm.s32 $0x3A80  }
0xa5: {  	[tilespmem:s28], [sflag:$0x2] =	stream.indirect.gather [hbm4b:s5+s14], $0x1, s11, s14, $0xb8;
	[tilespmem:$0x6600] =	vst v63  }
0xa6: {  	s11 =	simm.s32 $0x18E0;
	s28 =	simm.s32 $0x3AE0  }
0xa7: {  	[tilespmem:s28], [sflag:$0x2] =	stream.indirect.gather [hbm4b:s5+s14], $0x1, s11, s14, $0xb8;
	[tilespmem:$0x6600] =	vst v63  }
0xa8: {  	s11 =	simm.s32 $0x1940;
	s28 =	simm.s32 $0x3B40  }
0xa9: {  	[tilespmem:s28], [sflag:$0x2] =	stream.indirect.gather [hbm4b:s5+s14], $0x1, s11, s14, $0xb8;
	[tilespmem:$0x6600] =	vst v63  }
0xaa: {  	s11 =	simm.s32 $0x19A0;
	s28 =	simm.s32 $0x3BA0  }
0xab: {  	[tilespmem:s28], [sflag:$0x2] =	stream.indirect.gather [hbm4b:s5+s14], $0x1, s11, s14, $0xb8;
	[tilespmem:$0x6600] =	vst v63  }
0xac: {  	s11 =	simm.s32 $0x1A00;
	s28 =	simm.s32 $0x3C00  }
0xad: {  	[tilespmem:s28], [sflag:$0x2] =	stream.indirect.gather [hbm4b:s5+s14], $0x1, s11, s14, $0xb8;
	[tilespmem:$0x6600] =	vst v63  }
0xae: {  	s11 =	simm.s32 $0x1A60;
	s28 =	simm.s32 $0x3C60  }
0xaf: {  	[tilespmem:s28], [sflag:$0x2] =	stream.indirect.gather [hbm4b:s5+s14], $0x1, s11, s14, $0xb8;
	[tilespmem:$0x6600] =	vst v63  }
0xb0: {  	s11 =	simm.s32 $0x1AC0;
	s28 =	simm.s32 $0x3CC0  }
0xb1: {  	[tilespmem:s28], [sflag:$0x2] =	stream.indirect.gather [hbm4b:s5+s14], $0x1, s11, s14, $0xb8;
	[tilespmem:$0x6600] =	vst v63  }
0xb2: {  	s11 =	simm.s32 $0x1B20;
	s28 =	simm.s32 $0x3D20  }
0xb3: {  	[tilespmem:s28], [sflag:$0x2] =	stream.indirect.gather [hbm4b:s5+s14], $0x1, s11, s14, $0xb8;
	[tilespmem:$0x6600] =	vst v63  }
0xb4: {  	s11 =	simm.s32 $0x1B80;
	s28 =	simm.s32 $0x3D80  }
0xb5: {  	[tilespmem:s28], [sflag:$0x2] =	stream.indirect.gather [hbm4b:s5+s14], $0x1, s11, s14, $0xb8;
	[tilespmem:$0x6600] =	vst v63  }
0xb6: {  	s11 =	simm.s32 $0x1BE0;
	s28 =	simm.s32 $0x3DE0  }
0xb7: {  	[tilespmem:s28], [sflag:$0x2] =	stream.indirect.gather [hbm4b:s5+s14], $0x1, s11, s14, $0xb8;
	[tilespmem:$0x6600] =	vst v63  }
0xb8: {  	s11 =	simm.s32 $0x1C40;
	s28 =	simm.s32 $0x3E40  }
0xb9: {  	[tilespmem:s28], [sflag:$0x2] =	stream.indirect.gather [hbm4b:s5+s14], $0x1, s11, s14, $0xb8;
	[tilespmem:$0x6600] =	vst v63  }
0xba: {  	s11 =	simm.s32 $0x1CA0;
	s28 =	simm.s32 $0x3EA0  }
0xbb: {  	[tilespmem:s28], [sflag:$0x2] =	stream.indirect.gather [hbm4b:s5+s14], $0x1, s11, s14, $0xb8;
	[tilespmem:$0x6600] =	vst v63  }
0xbc: {  	s11 =	simm.s32 $0x1D00;
	s28 =	simm.s32 $0x3F00  }
0xbd: {  	[tilespmem:s28], [sflag:$0x2] =	stream.indirect.gather [hbm4b:s5+s14], $0x1, s11, s14, $0xb8;
	[tilespmem:$0x6600] =	vst v63  }
0xbe: {  	s11 =	simm.s32 $0x1D60;
	s28 =	simm.s32 $0x3F60  }
0xbf: {  	[tilespmem:s28], [sflag:$0x2] =	stream.indirect.gather [hbm4b:s5+s14], $0x1, s11, s14, $0xb8;
	[tilespmem:$0x6600] =	vst v63  }
0xc0: {  	s11 =	simm.s32 $0x1DC0;
	s28 =	simm.s32 $0x3FC0  }
0xc1: {  	[tilespmem:s28], [sflag:$0x2] =	stream.indirect.gather [hbm4b:s5+s14], $0x1, s11, s14, $0xb8;
	[tilespmem:$0x6600] =	vst v63  }
0xc2: {  	s11 =	simm.s32 $0x1E20;
	s28 =	simm.s32 $0x4020  }
0xc3: {  	[tilespmem:s28], [sflag:$0x2] =	stream.indirect.gather [hbm4b:s5+s14], $0x1, s11, s14, $0xb8;
	[tilespmem:$0x6600] =	vst v63  }
0xc4: {  	s11 =	simm.s32 $0x1E80;
	s28 =	simm.s32 $0x4080  }
0xc5: {  	[tilespmem:s28], [sflag:$0x2] =	stream.indirect.gather [hbm4b:s5+s14], $0x1, s11, s14, $0xb8;
	[tilespmem:$0x6600] =	vst v63  }
0xc6: {  	s11 =	simm.s32 $0x1EE0;
	s28 =	simm.s32 $0x40E0  }
0xc7: {  	[tilespmem:s28], [sflag:$0x2] =	stream.indirect.gather [hbm4b:s5+s14], $0x1, s11, s14, $0xb8;
	[tilespmem:$0x6600] =	vst v63  }
0xc8: {  	s11 =	simm.s32 $0x1F40;
	s28 =	simm.s32 $0x4140  }
0xc9: {  	[tilespmem:s28], [sflag:$0x2] =	stream.indirect.gather [hbm4b:s5+s14], $0x1, s11, s14, $0xb8;
	[tilespmem:$0x6600] =	vst v63  }
0xca: {  	s11 =	simm.s32 $0x1FA0;
	s28 =	simm.s32 $0x41A0  }
0xcb: {  	[tilespmem:s28], [sflag:$0x2] =	stream.indirect.gather [hbm4b:s5+s14], $0x1, s11, s14, $0xb8;
	[tilespmem:$0x6600] =	vst v63  }
0xcc: {  	_ = 	snop  }
0xcd: {  	[tilespmem:s30], [sflag:$0x2] =	stream.indirect.gather [hbm4b:s5+s14], $0x1, s29, s14, $0xb8;
	[tilespmem:$0x6600] =	vst v63  }
0xce: {  	_ = 	snop  }
0xcf: {  	[tilespmem:s1], [sflag:$0x2] =	stream.indirect.gather [hbm4b:s5+s14], $0x1, s31, s14, $0xb8;
	[tilespmem:$0x6600] =	vst v63  }
0xd0: {  	_ = 	snop  }
0xd1: {  	[tilespmem:s8], [sflag:$0x2] =	stream.indirect.gather [hbm4b:s5+s14], $0x1, s0, s14, $0xb8;
	[tilespmem:$0x6600] =	vst v63  }
0xd2: {  	_ = 	snop  }
0xd3: {  	[tilespmem:s12], [sflag:$0x2] =	stream.indirect.gather [hbm4b:s5+s14], $0x1, s9, s14, $0xb8;
	[tilespmem:$0x6600] =	vst v63  }
0xd4: {  	_ = 	snop  }
0xd5: {  	[tilespmem:s17], [sflag:$0x2] =	stream.indirect.gather [hbm4b:s5+s14], $0x1, s16, s14, $0xb8;
	[tilespmem:$0x6600] =	vst v63  }
0xd6: {  	s28 =	sadd.s32 s6, s22  }
0xd7: {  	[tilespmem:s18], [sflag:$0x3] =	stream.linear.gather [hbm4b:s28+s26], $0x10E0, $0x38;
	[tilespmem:$0x6600] =	vst v63  }
0xd8: {  	_ =	swait.ge [sflag:s13], $0x10E0  }
0xd9: {  	[sflag:s13] =	ssyncset.done $0x0  }
0xda: {  	[sflag:s13] =	ssyncadd.s32 $0xFFFFEF20  }
0xdb: {  	_ =	swait.ge [sflag:s19], $0x60  }
0xdc: {  	[sflag:s19] =	ssyncset.done $0x0  }
0xdd: {  	[sflag:s19] =	ssyncadd.s32 $0xFFFFFFA0  }
0xde: {  	_ =	swait.ge [sflag:s19], $0x60  }
0xdf: {  	[sflag:s19] =	ssyncset.done $0x0  }
0xe0: {  	[sflag:s19] =	ssyncadd.s32 $0xFFFFFFA0  }
0xe1: {  	_ =	swait.ge [sflag:s19], $0x60  }
0xe2: {  	[sflag:s19] =	ssyncset.done $0x0  }
0xe3: {  	[sflag:s19] =	ssyncadd.s32 $0xFFFFFFA0  }
0xe4: {  	_ =	swait.ge [sflag:s19], $0x60  }
0xe5: {  	[sflag:s19] =	ssyncset.done $0x0  }
0xe6: {  	[sflag:s19] =	ssyncadd.s32 $0xFFFFFFA0  }
0xe7: {  	_ =	swait.ge [sflag:s19], $0x60  }
0xe8: {  	[sflag:s19] =	ssyncset.done $0x0  }
0xe9: {  	[sflag:s19] =	ssyncadd.s32 $0xFFFFFFA0  }
0xea: {  	_ =	swait.ge [sflag:s19], $0x60  }
0xeb: {  	[sflag:s19] =	ssyncset.done $0x0  }
0xec: {  	[sflag:s19] =	ssyncadd.s32 $0xFFFFFFA0  }
0xed: {  	_ =	swait.ge [sflag:s19], $0x60  }
0xee: {  	[sflag:s19] =	ssyncset.done $0x0  }
0xef: {  	[sflag:s19] =	ssyncadd.s32 $0xFFFFFFA0  }
0xf0: {  	_ =	swait.ge [sflag:s19], $0x60  }
0xf1: {  	[sflag:s19] =	ssyncset.done $0x0  }
0xf2: {  	[sflag:s19] =	ssyncadd.s32 $0xFFFFFFA0  }
0xf3: {  	_ =	swait.ge [sflag:s19], $0x60  }
0xf4: {  	[sflag:s19] =	ssyncset.done $0x0  }
0xf5: {  	[sflag:s19] =	ssyncadd.s32 $0xFFFFFFA0  }
0xf6: {  	_ =	swait.ge [sflag:s19], $0x60  }
0xf7: {  	[sflag:s19] =	ssyncset.done $0x0  }
0xf8: {  	[sflag:s19] =	ssyncadd.s32 $0xFFFFFFA0  }
0xf9: {  	_ =	swait.ge [sflag:s19], $0x60  }
0xfa: {  	[sflag:s19] =	ssyncset.done $0x0  }
0xfb: {  	[sflag:s19] =	ssyncadd.s32 $0xFFFFFFA0  }
0xfc: {  	_ =	swait.ge [sflag:s19], $0x60  }
0xfd: {  	[sflag:s19] =	ssyncset.done $0x0  }
0xfe: {  	[sflag:s19] =	ssyncadd.s32 $0xFFFFFFA0  }
0xff: {  	_ =	swait.ge [sflag:s19], $0x60  }
0x100: {  	[sflag:s19] =	ssyncset.done $0x0  }
0x101: {  	[sflag:s19] =	ssyncadd.s32 $0xFFFFFFA0  }
0x102: {  	_ =	swait.ge [sflag:s19], $0x60  }
0x103: {  	[sflag:s19] =	ssyncset.done $0x0  }
0x104: {  	[sflag:s19] =	ssyncadd.s32 $0xFFFFFFA0  }
0x105: {  	_ =	swait.ge [sflag:s19], $0x60  }
0x106: {  	[sflag:s19] =	ssyncset.done $0x0  }
0x107: {  	[sflag:s19] =	ssyncadd.s32 $0xFFFFFFA0  }
0x108: {  	_ =	swait.ge [sflag:s19], $0x60  }
0x109: {  	[sflag:s19] =	ssyncset.done $0x0  }
0x10a: {  	[sflag:s19] =	ssyncadd.s32 $0xFFFFFFA0  }
0x10b: {  	_ =	swait.ge [sflag:s19], $0x60  }
0x10c: {  	[sflag:s19] =	ssyncset.done $0x0  }
0x10d: {  	[sflag:s19] =	ssyncadd.s32 $0xFFFFFFA0  }
0x10e: {  	_ =	swait.ge [sflag:s19], $0x60  }
0x10f: {  	[sflag:s19] =	ssyncset.done $0x0  }
0x110: {  	[sflag:s19] =	ssyncadd.s32 $0xFFFFFFA0  }
0x111: {  	_ =	swait.ge [sflag:s19], $0x60  }
0x112: {  	[sflag:s19] =	ssyncset.done $0x0  }
0x113: {  	[sflag:s19] =	ssyncadd.s32 $0xFFFFFFA0  }
0x114: {  	_ =	swait.ge [sflag:s19], $0x60  }
0x115: {  	[sflag:s19] =	ssyncset.done $0x0  }
0x116: {  	[sflag:s19] =	ssyncadd.s32 $0xFFFFFFA0  }
0x117: {  	_ =	swait.ge [sflag:s19], $0x60  }
0x118: {  	[sflag:s19] =	ssyncset.done $0x0  }
0x119: {  	[sflag:s19] =	ssyncadd.s32 $0xFFFFFFA0  }
0x11a: {  	_ =	swait.ge [sflag:s19], $0x60  }
0x11b: {  	[sflag:s19] =	ssyncset.done $0x0  }
0x11c: {  	[sflag:s19] =	ssyncadd.s32 $0xFFFFFFA0  }
0x11d: {  	_ =	swait.ge [sflag:s19], $0x60  }
0x11e: {  	[sflag:s19] =	ssyncset.done $0x0  }
0x11f: {  	[sflag:s19] =	ssyncadd.s32 $0xFFFFFFA0  }
0x120: {  	_ =	swait.ge [sflag:s19], $0x60  }
0x121: {  	[sflag:s19] =	ssyncset.done $0x0  }
0x122: {  	[sflag:s19] =	ssyncadd.s32 $0xFFFFFFA0  }
0x123: {  	_ =	swait.ge [sflag:s19], $0x60  }
0x124: {  	[sflag:s19] =	ssyncset.done $0x0  }
0x125: {  	[sflag:s19] =	ssyncadd.s32 $0xFFFFFFA0  }
0x126: {  	_ =	swait.ge [sflag:s19], $0x60  }
0x127: {  	[sflag:s19] =	ssyncset.done $0x0  }
0x128: {  	[sflag:s19] =	ssyncadd.s32 $0xFFFFFFA0  }
0x129: {  	_ =	swait.ge [sflag:s19], $0x60  }
0x12a: {  	[sflag:s19] =	ssyncset.done $0x0  }
0x12b: {  	[sflag:s19] =	ssyncadd.s32 $0xFFFFFFA0  }
0x12c: {  	_ =	swait.ge [sflag:s19], $0x60  }
0x12d: {  	[sflag:s19] =	ssyncset.done $0x0  }
0x12e: {  	[sflag:s19] =	ssyncadd.s32 $0xFFFFFFA0  }
0x12f: {  	_ =	swait.ge [sflag:s19], $0x60  }
0x130: {  	[sflag:s19] =	ssyncset.done $0x0  }
0x131: {  	[sflag:s19] =	ssyncadd.s32 $0xFFFFFFA0  }
0x132: {  	_ =	swait.ge [sflag:s19], $0x60  }
0x133: {  	[sflag:s19] =	ssyncset.done $0x0  }
0x134: {  	[sflag:s19] =	ssyncadd.s32 $0xFFFFFFA0  }
0x135: {  	_ =	swait.ge [sflag:s19], $0x60  }
0x136: {  	[sflag:s19] =	ssyncset.done $0x0  }
0x137: {  	[sflag:s19] =	ssyncadd.s32 $0xFFFFFFA0  }
0x138: {  	_ =	swait.ge [sflag:s19], $0x60  }
0x139: {  	[sflag:s19] =	ssyncset.done $0x0  }
0x13a: {  	[sflag:s19] =	ssyncadd.s32 $0xFFFFFFA0  }
0x13b: {  	_ =	swait.ge [sflag:s19], $0x60  }
0x13c: {  	[sflag:s19] =	ssyncset.done $0x0  }
0x13d: {  	[sflag:s19] =	ssyncadd.s32 $0xFFFFFFA0  }
0x13e: {  	_ =	swait.ge [sflag:s19], $0x60  }
0x13f: {  	[sflag:s19] =	ssyncset.done $0x0  }
0x140: {  	[sflag:s19] =	ssyncadd.s32 $0xFFFFFFA0  }
0x141: {  	_ =	swait.ge [sflag:s19], $0x60  }
0x142: {  	[sflag:s19] =	ssyncset.done $0x0  }
0x143: {  	[sflag:s19] =	ssyncadd.s32 $0xFFFFFFA0  }
0x144: {  	_ =	swait.ge [sflag:s19], $0x60  }
0x145: {  	[sflag:s19] =	ssyncset.done $0x0  }
0x146: {  	[sflag:s19] =	ssyncadd.s32 $0xFFFFFFA0  }
0x147: {  	_ =	swait.ge [sflag:s19], $0x60  }
0x148: {  	[sflag:s19] =	ssyncset.done $0x0  }
0x149: {  	[sflag:s19] =	ssyncadd.s32 $0xFFFFFFA0  }
0x14a: {  	_ =	swait.ge [sflag:s19], $0x60  }
0x14b: {  	[sflag:s19] =	ssyncset.done $0x0  }
0x14c: {  	[sflag:s19] =	ssyncadd.s32 $0xFFFFFFA0  }
0x14d: {  	_ =	swait.ge [sflag:s19], $0x60  }
0x14e: {  	[sflag:s19] =	ssyncset.done $0x0  }
0x14f: {  	[sflag:s19] =	ssyncadd.s32 $0xFFFFFFA0  }
0x150: {  	_ =	swait.ge [sflag:s19], $0x60  }
0x151: {  	[sflag:s19] =	ssyncset.done $0x0  }
0x152: {  	[sflag:s19] =	ssyncadd.s32 $0xFFFFFFA0  }
0x153: {  	_ =	swait.ge [sflag:s19], $0x60  }
0x154: {  	[sflag:s19] =	ssyncset.done $0x0  }
0x155: {  	[sflag:s19] =	ssyncadd.s32 $0xFFFFFFA0  }
0x156: {  	_ =	swait.ge [sflag:s19], $0x60  }
0x157: {  	[sflag:s19] =	ssyncset.done $0x0  }
0x158: {  	[sflag:s19] =	ssyncadd.s32 $0xFFFFFFA0  }
0x159: {  	_ =	swait.ge [sflag:s19], $0x60  }
0x15a: {  	[sflag:s19] =	ssyncset.done $0x0  }
0x15b: {  	[sflag:s19] =	ssyncadd.s32 $0xFFFFFFA0  }
0x15c: {  	_ =	swait.ge [sflag:s19], $0x60  }
0x15d: {  	[sflag:s19] =	ssyncset.done $0x0  }
0x15e: {  	[sflag:s19] =	ssyncadd.s32 $0xFFFFFFA0  }
0x15f: {  	_ =	swait.ge [sflag:s19], $0x60  }
0x160: {  	[sflag:s19] =	ssyncset.done $0x0  }
0x161: {  	s11 =	simm.s32 $0x0;
	[sflag:s19] =	ssyncadd.s32 $0xFFFFFFA0  }
0x162: {  	s26 =	simm.s32 $0x40;
	v0 =	vld [tilespmem:s11+$0x4400]  }
.LBB2_3:
0x163: {  	p0 =	sne.s32 s26, $0x4340;
	v1 =	vld [tilespmem:s11+$0x2200];
	_ =	sdelay $0x2  }
.Ltmp0:
0x164: {  	(pc) =	sbr.rel @p0 .LBB2_3-.Ltmp0, $4  }
0x165: {  	_ = 	snop  }
0x166: {  	v1 =	vmul.f32 v0, v1  }
0x167: {  	s28 =	sshra.s32 s26, $0x2  }
0x168: {  	s26 =	sadd.s32 $0x40, s26;
	v0 =	vld [tilespmem:s28+$0x4400];
	[tilespmem:s11+$0x2200] =	vst v1;
	s11 =	smov.u32 s28  }
0x169: {  	v1 =	vld [tilespmem:s11+$0x2200];
	_ =	sdelay $0x4  }
0x16a: {  	s26 =	sadd.s32 s4, s23;
	v0 =	vmul.f32 v0, v1  }
0x16b: {  	p0 =	seq.s32 s21, $0x4;
	s26 =	sshrl.u32 s26, $0x3  }
.Ltmp1:
0x16c: {  	s28 =	sadd.s32 s7, s26;
	[tilespmem:s11+$0x2200] =	vst v0;
	(pc) =	sbr.rel @p0 .LBB2_6-.Ltmp1, $4  }
0x16d: {  	[hbm4b:s28+s3] =	stream.linear.scatter [tilespmem:s15], [sflag:$0x3], $0x10E0, $0x38;
	[tilespmem:$0x6600] =	vst v63  }
0x16e: {  	_ =	swait.ge [sflag:s13], $0x10E0  }
0x16f: {  	[sflag:s13] =	ssyncset.done $0x0  }
0x170: {  	[sflag:s13] =	ssyncadd.s32 $0xFFFFEF20  }
0x171: {  	s11 =	rddreg [dreg:$0x5]  }
0x172: {  	s11 =	sadd.s32 s23, s11  }
0x173: {  	s11 =	sshrl.u32 s11, $0x3  }
0x174: {  	s28 =	sadd.s32 s2, s11  }
0x175: {  	[tilespmem:s3], [sflag:$0x3] =	stream.linear.gather [hbm4b:s28+s3], $0x10E0, $0x38;
	[tilespmem:$0x6600] =	vst v63  }
0x176: {  	_ =	swait.ge [sflag:s13], $0x10E0  }
0x177: {  	[sflag:s13] =	ssyncset.done $0x0  }
0x178: {  	[sflag:s13] =	ssyncadd.s32 $0xFFFFEF20  }
0x179: {  	[tilespmem:s15], [sflag:$0x1] =	stream.indirect.gather [hbm4b:s5+s14], $0x1, s3, s14, $0xb8;
	[tilespmem:$0x6600] =	vst v63  }
0x17a: {  	s26 =	simm.s32 $0x2260  }
0x17b: {  	[tilespmem:s26], [sflag:$0x1] =	stream.indirect.gather [hbm4b:s5+s14], $0x1, s14, s14, $0xb8;
	[tilespmem:$0x6600] =	vst v63  }
0x17c: {  	s28 =	simm.s32 $0xC0;
	s26 =	simm.s32 $0x22C0  }
0x17d: {  	[tilespmem:s26], [sflag:$0x1] =	stream.indirect.gather [hbm4b:s5+s14], $0x1, s28, s14, $0xb8;
	[tilespmem:$0x6600] =	vst v63  }
0x17e: {  	s26 =	simm.s32 $0x120;
	s28 =	simm.s32 $0x2320  }
0x17f: {  	[tilespmem:s28], [sflag:$0x1] =	stream.indirect.gather [hbm4b:s5+s14], $0x1, s26, s14, $0xb8;
	[tilespmem:$0x6600] =	vst v63  }
0x180: {  	s26 =	simm.s32 $0x180;
	s28 =	simm.s32 $0x2380  }
0x181: {  	[tilespmem:s28], [sflag:$0x1] =	stream.indirect.gather [hbm4b:s5+s14], $0x1, s26, s14, $0xb8;
	[tilespmem:$0x6600] =	vst v63  }
0x182: {  	s26 =	simm.s32 $0x1E0;
	s28 =	simm.s32 $0x23E0  }
0x183: {  	[tilespmem:s28], [sflag:$0x1] =	stream.indirect.gather [hbm4b:s5+s14], $0x1, s26, s14, $0xb8;
	[tilespmem:$0x6600] =	vst v63  }
0x184: {  	s26 =	simm.s32 $0x240;
	s28 =	simm.s32 $0x2440  }
0x185: {  	[tilespmem:s28], [sflag:$0x1] =	stream.indirect.gather [hbm4b:s5+s14], $0x1, s26, s14, $0xb8;
	[tilespmem:$0x6600] =	vst v63  }
0x186: {  	s26 =	simm.s32 $0x2A0;
	s28 =	simm.s32 $0x24A0  }
0x187: {  	[tilespmem:s28], [sflag:$0x1] =	stream.indirect.gather [hbm4b:s5+s14], $0x1, s26, s14, $0xb8;
	[tilespmem:$0x6600] =	vst v63  }
0x188: {  	s26 =	simm.s32 $0x300;
	s28 =	simm.s32 $0x2500  }
0x189: {  	[tilespmem:s28], [sflag:$0x1] =	stream.indirect.gather [hbm4b:s5+s14], $0x1, s26, s14, $0xb8;
	[tilespmem:$0x6600] =	vst v63  }
0x18a: {  	s26 =	simm.s32 $0x360;
	s28 =	simm.s32 $0x2560  }
0x18b: {  	[tilespmem:s28], [sflag:$0x1] =	stream.indirect.gather [hbm4b:s5+s14], $0x1, s26, s14, $0xb8;
	[tilespmem:$0x6600] =	vst v63  }
0x18c: {  	s26 =	simm.s32 $0x3C0;
	s28 =	simm.s32 $0x25C0  }
0x18d: {  	[tilespmem:s28], [sflag:$0x1] =	stream.indirect.gather [hbm4b:s5+s14], $0x1, s26, s14, $0xb8;
	[tilespmem:$0x6600] =	vst v63  }
0x18e: {  	s26 =	simm.s32 $0x420;
	s28 =	simm.s32 $0x2620  }
0x18f: {  	[tilespmem:s28], [sflag:$0x1] =	stream.indirect.gather [hbm4b:s5+s14], $0x1, s26, s14, $0xb8;
	[tilespmem:$0x6600] =	vst v63  }
0x190: {  	s26 =	simm.s32 $0x480;
	s28 =	simm.s32 $0x2680  }
0x191: {  	[tilespmem:s28], [sflag:$0x1] =	stream.indirect.gather [hbm4b:s5+s14], $0x1, s26, s14, $0xb8;
	[tilespmem:$0x6600] =	vst v63  }
0x192: {  	s26 =	simm.s32 $0x4E0;
	s28 =	simm.s32 $0x26E0  }
0x193: {  	[tilespmem:s28], [sflag:$0x1] =	stream.indirect.gather [hbm4b:s5+s14], $0x1, s26, s14, $0xb8;
	[tilespmem:$0x6600] =	vst v63  }
0x194: {  	s26 =	simm.s32 $0x540;
	s28 =	simm.s32 $0x2740  }
0x195: {  	[tilespmem:s28], [sflag:$0x1] =	stream.indirect.gather [hbm4b:s5+s14], $0x1, s26, s14, $0xb8;
	[tilespmem:$0x6600] =	vst v63  }
0x196: {  	s26 =	simm.s32 $0x5A0;
	s28 =	simm.s32 $0x27A0  }
0x197: {  	[tilespmem:s28], [sflag:$0x1] =	stream.indirect.gather [hbm4b:s5+s14], $0x1, s26, s14, $0xb8;
	[tilespmem:$0x6600] =	vst v63  }
0x198: {  	s26 =	simm.s32 $0x600;
	s28 =	simm.s32 $0x2800  }
0x199: {  	[tilespmem:s28], [sflag:$0x1] =	stream.indirect.gather [hbm4b:s5+s14], $0x1, s26, s14, $0xb8;
	[tilespmem:$0x6600] =	vst v63  }
0x19a: {  	s26 =	simm.s32 $0x660;
	s28 =	simm.s32 $0x2860  }
0x19b: {  	[tilespmem:s28], [sflag:$0x1] =	stream.indirect.gather [hbm4b:s5+s14], $0x1, s26, s14, $0xb8;
	[tilespmem:$0x6600] =	vst v63  }
0x19c: {  	s26 =	simm.s32 $0x6C0;
	s28 =	simm.s32 $0x28C0  }
0x19d: {  	[tilespmem:s28], [sflag:$0x1] =	stream.indirect.gather [hbm4b:s5+s14], $0x1, s26, s14, $0xb8;
	[tilespmem:$0x6600] =	vst v63  }
0x19e: {  	s26 =	simm.s32 $0x720;
	s28 =	simm.s32 $0x2920  }
0x19f: {  	[tilespmem:s28], [sflag:$0x1] =	stream.indirect.gather [hbm4b:s5+s14], $0x1, s26, s14, $0xb8;
	[tilespmem:$0x6600] =	vst v63  }
0x1a0: {  	s26 =	simm.s32 $0x780;
	s28 =	simm.s32 $0x2980  }
0x1a1: {  	[tilespmem:s28], [sflag:$0x1] =	stream.indirect.gather [hbm4b:s5+s14], $0x1, s26, s14, $0xb8;
	[tilespmem:$0x6600] =	vst v63  }
0x1a2: {  	s26 =	simm.s32 $0x7E0;
	s28 =	simm.s32 $0x29E0  }
0x1a3: {  	[tilespmem:s28], [sflag:$0x1] =	stream.indirect.gather [hbm4b:s5+s14], $0x1, s26, s14, $0xb8;
	[tilespmem:$0x6600] =	vst v63  }
0x1a4: {  	s26 =	simm.s32 $0x840;
	s28 =	simm.s32 $0x2A40  }
0x1a5: {  	[tilespmem:s28], [sflag:$0x1] =	stream.indirect.gather [hbm4b:s5+s14], $0x1, s26, s14, $0xb8;
	[tilespmem:$0x6600] =	vst v63  }
0x1a6: {  	s26 =	simm.s32 $0x8A0;
	s28 =	simm.s32 $0x2AA0  }
0x1a7: {  	[tilespmem:s28], [sflag:$0x1] =	stream.indirect.gather [hbm4b:s5+s14], $0x1, s26, s14, $0xb8;
	[tilespmem:$0x6600] =	vst v63  }
0x1a8: {  	s26 =	simm.s32 $0x900;
	s28 =	simm.s32 $0x2B00  }
0x1a9: {  	[tilespmem:s28], [sflag:$0x1] =	stream.indirect.gather [hbm4b:s5+s14], $0x1, s26, s14, $0xb8;
	[tilespmem:$0x6600] =	vst v63  }
0x1aa: {  	s26 =	simm.s32 $0x960;
	s28 =	simm.s32 $0x2B60  }
0x1ab: {  	[tilespmem:s28], [sflag:$0x1] =	stream.indirect.gather [hbm4b:s5+s14], $0x1, s26, s14, $0xb8;
	[tilespmem:$0x6600] =	vst v63  }
0x1ac: {  	s26 =	simm.s32 $0x9C0;
	s28 =	simm.s32 $0x2BC0  }
0x1ad: {  	[tilespmem:s28], [sflag:$0x1] =	stream.indirect.gather [hbm4b:s5+s14], $0x1, s26, s14, $0xb8;
	[tilespmem:$0x6600] =	vst v63  }
0x1ae: {  	s26 =	simm.s32 $0xA20;
	s28 =	simm.s32 $0x2C20  }
0x1af: {  	[tilespmem:s28], [sflag:$0x1] =	stream.indirect.gather [hbm4b:s5+s14], $0x1, s26, s14, $0xb8;
	[tilespmem:$0x6600] =	vst v63  }
0x1b0: {  	s26 =	simm.s32 $0xA80;
	s28 =	simm.s32 $0x2C80  }
0x1b1: {  	[tilespmem:s28], [sflag:$0x1] =	stream.indirect.gather [hbm4b:s5+s14], $0x1, s26, s14, $0xb8;
	[tilespmem:$0x6600] =	vst v63  }
0x1b2: {  	s26 =	simm.s32 $0xAE0;
	s28 =	simm.s32 $0x2CE0  }
0x1b3: {  	[tilespmem:s28], [sflag:$0x1] =	stream.indirect.gather [hbm4b:s5+s14], $0x1, s26, s14, $0xb8;
	[tilespmem:$0x6600] =	vst v63  }
0x1b4: {  	s26 =	simm.s32 $0xB40;
	s28 =	simm.s32 $0x2D40  }
0x1b5: {  	[tilespmem:s28], [sflag:$0x1] =	stream.indirect.gather [hbm4b:s5+s14], $0x1, s26, s14, $0xb8;
	[tilespmem:$0x6600] =	vst v63  }
0x1b6: {  	s26 =	simm.s32 $0xBA0;
	s28 =	simm.s32 $0x2DA0  }
0x1b7: {  	[tilespmem:s28], [sflag:$0x1] =	stream.indirect.gather [hbm4b:s5+s14], $0x1, s26, s14, $0xb8;
	[tilespmem:$0x6600] =	vst v63  }
0x1b8: {  	s26 =	simm.s32 $0xC00;
	s28 =	simm.s32 $0x2E00  }
0x1b9: {  	[tilespmem:s28], [sflag:$0x1] =	stream.indirect.gather [hbm4b:s5+s14], $0x1, s26, s14, $0xb8;
	[tilespmem:$0x6600] =	vst v63  }
0x1ba: {  	s26 =	simm.s32 $0xC60;
	s28 =	simm.s32 $0x2E60  }
0x1bb: {  	[tilespmem:s28], [sflag:$0x1] =	stream.indirect.gather [hbm4b:s5+s14], $0x1, s26, s14, $0xb8;
	[tilespmem:$0x6600] =	vst v63  }
0x1bc: {  	s26 =	simm.s32 $0xCC0;
	s28 =	simm.s32 $0x2EC0  }
0x1bd: {  	[tilespmem:s28], [sflag:$0x1] =	stream.indirect.gather [hbm4b:s5+s14], $0x1, s26, s14, $0xb8;
	[tilespmem:$0x6600] =	vst v63  }
0x1be: {  	s26 =	simm.s32 $0xD20;
	s28 =	simm.s32 $0x2F20  }
0x1bf: {  	[tilespmem:s28], [sflag:$0x1] =	stream.indirect.gather [hbm4b:s5+s14], $0x1, s26, s14, $0xb8;
	[tilespmem:$0x6600] =	vst v63  }
0x1c0: {  	s26 =	simm.s32 $0xD80;
	s28 =	simm.s32 $0x2F80  }
0x1c1: {  	[tilespmem:s28], [sflag:$0x1] =	stream.indirect.gather [hbm4b:s5+s14], $0x1, s26, s14, $0xb8;
	[tilespmem:$0x6600] =	vst v63  }
0x1c2: {  	s26 =	simm.s32 $0xDE0;
	s28 =	simm.s32 $0x2FE0  }
0x1c3: {  	[tilespmem:s28], [sflag:$0x1] =	stream.indirect.gather [hbm4b:s5+s14], $0x1, s26, s14, $0xb8;
	[tilespmem:$0x6600] =	vst v63  }
0x1c4: {  	s26 =	simm.s32 $0xE40;
	s28 =	simm.s32 $0x3040  }
0x1c5: {  	[tilespmem:s28], [sflag:$0x1] =	stream.indirect.gather [hbm4b:s5+s14], $0x1, s26, s14, $0xb8;
	[tilespmem:$0x6600] =	vst v63  }
0x1c6: {  	s26 =	simm.s32 $0xEA0;
	s28 =	simm.s32 $0x30A0  }
0x1c7: {  	[tilespmem:s28], [sflag:$0x1] =	stream.indirect.gather [hbm4b:s5+s14], $0x1, s26, s14, $0xb8;
	[tilespmem:$0x6600] =	vst v63  }
0x1c8: {  	s26 =	simm.s32 $0xF00;
	s28 =	simm.s32 $0x3100  }
0x1c9: {  	[tilespmem:s28], [sflag:$0x1] =	stream.indirect.gather [hbm4b:s5+s14], $0x1, s26, s14, $0xb8;
	[tilespmem:$0x6600] =	vst v63  }
0x1ca: {  	s26 =	simm.s32 $0xF60;
	s28 =	simm.s32 $0x3160  }
0x1cb: {  	[tilespmem:s28], [sflag:$0x1] =	stream.indirect.gather [hbm4b:s5+s14], $0x1, s26, s14, $0xb8;
	[tilespmem:$0x6600] =	vst v63  }
0x1cc: {  	s26 =	simm.s32 $0xFC0;
	s28 =	simm.s32 $0x31C0  }
0x1cd: {  	[tilespmem:s28], [sflag:$0x1] =	stream.indirect.gather [hbm4b:s5+s14], $0x1, s26, s14, $0xb8;
	[tilespmem:$0x6600] =	vst v63  }
0x1ce: {  	s26 =	simm.s32 $0x1020;
	s28 =	simm.s32 $0x3220  }
0x1cf: {  	[tilespmem:s28], [sflag:$0x1] =	stream.indirect.gather [hbm4b:s5+s14], $0x1, s26, s14, $0xb8;
	[tilespmem:$0x6600] =	vst v63  }
0x1d0: {  	s26 =	simm.s32 $0x1080;
	s28 =	simm.s32 $0x3280  }
0x1d1: {  	[tilespmem:s28], [sflag:$0x1] =	stream.indirect.gather [hbm4b:s5+s14], $0x1, s26, s14, $0xb8;
	[tilespmem:$0x6600] =	vst v63  }
0x1d2: {  	s11 =	sadd.s32 s6, s11;
	s28 =	simm.s32 $0x4400  }
0x1d3: {  	[tilespmem:s28], [sflag:$0x3] =	stream.linear.gather [hbm4b:s11+s3], $0x10E0, $0x38;
	[tilespmem:$0x6600] =	vst v63  }
0x1d4: {  	_ =	swait.ge [sflag:s13], $0x10E0  }
0x1d5: {  	[sflag:s13] =	ssyncset.done $0x0  }
0x1d6: {  	[sflag:s13] =	ssyncadd.s32 $0xFFFFEF20  }
.LBB2_6:
0x1d7: {  	_ =	swait.ge [sflag:s20], $0x60  }
0x1d8: {  	[sflag:s20] =	ssyncset.done $0x0  }
0x1d9: {  	[sflag:s20] =	ssyncadd.s32 $0xFFFFFFA0  }
0x1da: {  	_ =	swait.ge [sflag:s20], $0x60  }
0x1db: {  	[sflag:s20] =	ssyncset.done $0x0  }
0x1dc: {  	[sflag:s20] =	ssyncadd.s32 $0xFFFFFFA0  }
0x1dd: {  	_ =	swait.ge [sflag:s20], $0x60  }
0x1de: {  	[sflag:s20] =	ssyncset.done $0x0  }
0x1df: {  	[sflag:s20] =	ssyncadd.s32 $0xFFFFFFA0  }
0x1e0: {  	_ =	swait.ge [sflag:s20], $0x60  }
0x1e1: {  	[sflag:s20] =	ssyncset.done $0x0  }
0x1e2: {  	[sflag:s20] =	ssyncadd.s32 $0xFFFFFFA0  }
0x1e3: {  	_ =	swait.ge [sflag:s20], $0x60  }
0x1e4: {  	[sflag:s20] =	ssyncset.done $0x0  }
0x1e5: {  	[sflag:s20] =	ssyncadd.s32 $0xFFFFFFA0  }
0x1e6: {  	_ =	swait.ge [sflag:s20], $0x60  }
0x1e7: {  	[sflag:s20] =	ssyncset.done $0x0  }
0x1e8: {  	[sflag:s20] =	ssyncadd.s32 $0xFFFFFFA0  }
0x1e9: {  	_ =	swait.ge [sflag:s20], $0x60  }
0x1ea: {  	[sflag:s20] =	ssyncset.done $0x0  }
0x1eb: {  	[sflag:s20] =	ssyncadd.s32 $0xFFFFFFA0  }
0x1ec: {  	_ =	swait.ge [sflag:s20], $0x60  }
0x1ed: {  	[sflag:s20] =	ssyncset.done $0x0  }
0x1ee: {  	[sflag:s20] =	ssyncadd.s32 $0xFFFFFFA0  }
0x1ef: {  	_ =	swait.ge [sflag:s20], $0x60  }
0x1f0: {  	[sflag:s20] =	ssyncset.done $0x0  }
0x1f1: {  	[sflag:s20] =	ssyncadd.s32 $0xFFFFFFA0  }
0x1f2: {  	_ =	swait.ge [sflag:s20], $0x60  }
0x1f3: {  	[sflag:s20] =	ssyncset.done $0x0  }
0x1f4: {  	[sflag:s20] =	ssyncadd.s32 $0xFFFFFFA0  }
0x1f5: {  	_ =	swait.ge [sflag:s20], $0x60  }
0x1f6: {  	[sflag:s20] =	ssyncset.done $0x0  }
0x1f7: {  	[sflag:s20] =	ssyncadd.s32 $0xFFFFFFA0  }
0x1f8: {  	_ =	swait.ge [sflag:s20], $0x60  }
0x1f9: {  	[sflag:s20] =	ssyncset.done $0x0  }
0x1fa: {  	[sflag:s20] =	ssyncadd.s32 $0xFFFFFFA0  }
0x1fb: {  	_ =	swait.ge [sflag:s20], $0x60  }
0x1fc: {  	[sflag:s20] =	ssyncset.done $0x0  }
0x1fd: {  	[sflag:s20] =	ssyncadd.s32 $0xFFFFFFA0  }
0x1fe: {  	_ =	swait.ge [sflag:s20], $0x60  }
0x1ff: {  	[sflag:s20] =	ssyncset.done $0x0  }
0x200: {  	[sflag:s20] =	ssyncadd.s32 $0xFFFFFFA0  }
0x201: {  	_ =	swait.ge [sflag:s20], $0x60  }
0x202: {  	[sflag:s20] =	ssyncset.done $0x0  }
0x203: {  	[sflag:s20] =	ssyncadd.s32 $0xFFFFFFA0  }
0x204: {  	_ =	swait.ge [sflag:s20], $0x60  }
0x205: {  	[sflag:s20] =	ssyncset.done $0x0  }
0x206: {  	[sflag:s20] =	ssyncadd.s32 $0xFFFFFFA0  }
0x207: {  	_ =	swait.ge [sflag:s20], $0x60  }
0x208: {  	[sflag:s20] =	ssyncset.done $0x0  }
0x209: {  	[sflag:s20] =	ssyncadd.s32 $0xFFFFFFA0  }
0x20a: {  	_ =	swait.ge [sflag:s20], $0x60  }
0x20b: {  	[sflag:s20] =	ssyncset.done $0x0  }
0x20c: {  	[sflag:s20] =	ssyncadd.s32 $0xFFFFFFA0  }
0x20d: {  	_ =	swait.ge [sflag:s20], $0x60  }
0x20e: {  	[sflag:s20] =	ssyncset.done $0x0  }
0x20f: {  	[sflag:s20] =	ssyncadd.s32 $0xFFFFFFA0  }
0x210: {  	_ =	swait.ge [sflag:s20], $0x60  }
0x211: {  	[sflag:s20] =	ssyncset.done $0x0  }
0x212: {  	[sflag:s20] =	ssyncadd.s32 $0xFFFFFFA0  }
0x213: {  	_ =	swait.ge [sflag:s20], $0x60  }
0x214: {  	[sflag:s20] =	ssyncset.done $0x0  }
0x215: {  	[sflag:s20] =	ssyncadd.s32 $0xFFFFFFA0  }
0x216: {  	_ =	swait.ge [sflag:s20], $0x60  }
0x217: {  	[sflag:s20] =	ssyncset.done $0x0  }
0x218: {  	[sflag:s20] =	ssyncadd.s32 $0xFFFFFFA0  }
0x219: {  	_ =	swait.ge [sflag:s20], $0x60  }
0x21a: {  	[sflag:s20] =	ssyncset.done $0x0  }
0x21b: {  	[sflag:s20] =	ssyncadd.s32 $0xFFFFFFA0  }
0x21c: {  	_ =	swait.ge [sflag:s20], $0x60  }
0x21d: {  	[sflag:s20] =	ssyncset.done $0x0  }
0x21e: {  	[sflag:s20] =	ssyncadd.s32 $0xFFFFFFA0  }
0x21f: {  	_ =	swait.ge [sflag:s20], $0x60  }
0x220: {  	[sflag:s20] =	ssyncset.done $0x0  }
0x221: {  	[sflag:s20] =	ssyncadd.s32 $0xFFFFFFA0  }
0x222: {  	_ =	swait.ge [sflag:s20], $0x60  }
0x223: {  	[sflag:s20] =	ssyncset.done $0x0  }
0x224: {  	[sflag:s20] =	ssyncadd.s32 $0xFFFFFFA0  }
0x225: {  	_ =	swait.ge [sflag:s20], $0x60  }
0x226: {  	[sflag:s20] =	ssyncset.done $0x0  }
0x227: {  	[sflag:s20] =	ssyncadd.s32 $0xFFFFFFA0  }
0x228: {  	_ =	swait.ge [sflag:s20], $0x60  }
0x229: {  	[sflag:s20] =	ssyncset.done $0x0  }
0x22a: {  	[sflag:s20] =	ssyncadd.s32 $0xFFFFFFA0  }
0x22b: {  	_ =	swait.ge [sflag:s20], $0x60  }
0x22c: {  	[sflag:s20] =	ssyncset.done $0x0  }
0x22d: {  	[sflag:s20] =	ssyncadd.s32 $0xFFFFFFA0  }
0x22e: {  	_ =	swait.ge [sflag:s20], $0x60  }
0x22f: {  	[sflag:s20] =	ssyncset.done $0x0  }
0x230: {  	[sflag:s20] =	ssyncadd.s32 $0xFFFFFFA0  }
0x231: {  	_ =	swait.ge [sflag:s20], $0x60  }
0x232: {  	[sflag:s20] =	ssyncset.done $0x0  }
0x233: {  	[sflag:s20] =	ssyncadd.s32 $0xFFFFFFA0  }
0x234: {  	_ =	swait.ge [sflag:s20], $0x60  }
0x235: {  	[sflag:s20] =	ssyncset.done $0x0  }
0x236: {  	[sflag:s20] =	ssyncadd.s32 $0xFFFFFFA0  }
0x237: {  	_ =	swait.ge [sflag:s20], $0x60  }
0x238: {  	[sflag:s20] =	ssyncset.done $0x0  }
0x239: {  	[sflag:s20] =	ssyncadd.s32 $0xFFFFFFA0  }
0x23a: {  	_ =	swait.ge [sflag:s20], $0x60  }
0x23b: {  	[sflag:s20] =	ssyncset.done $0x0  }
0x23c: {  	[sflag:s20] =	ssyncadd.s32 $0xFFFFFFA0  }
0x23d: {  	_ =	swait.ge [sflag:s20], $0x60  }
0x23e: {  	[sflag:s20] =	ssyncset.done $0x0  }
0x23f: {  	[sflag:s20] =	ssyncadd.s32 $0xFFFFFFA0  }
0x240: {  	_ =	swait.ge [sflag:s20], $0x60  }
0x241: {  	[sflag:s20] =	ssyncset.done $0x0  }
0x242: {  	[sflag:s20] =	ssyncadd.s32 $0xFFFFFFA0  }
0x243: {  	_ =	swait.ge [sflag:s20], $0x60  }
0x244: {  	[sflag:s20] =	ssyncset.done $0x0  }
0x245: {  	[sflag:s20] =	ssyncadd.s32 $0xFFFFFFA0  }
0x246: {  	_ =	swait.ge [sflag:s20], $0x60  }
0x247: {  	[sflag:s20] =	ssyncset.done $0x0  }
0x248: {  	[sflag:s20] =	ssyncadd.s32 $0xFFFFFFA0  }
0x249: {  	_ =	swait.ge [sflag:s20], $0x60  }
0x24a: {  	[sflag:s20] =	ssyncset.done $0x0  }
0x24b: {  	[sflag:s20] =	ssyncadd.s32 $0xFFFFFFA0  }
0x24c: {  	_ =	swait.ge [sflag:s20], $0x60  }
0x24d: {  	[sflag:s20] =	ssyncset.done $0x0  }
0x24e: {  	[sflag:s20] =	ssyncadd.s32 $0xFFFFFFA0  }
0x24f: {  	_ =	swait.ge [sflag:s20], $0x60  }
0x250: {  	[sflag:s20] =	ssyncset.done $0x0  }
0x251: {  	[sflag:s20] =	ssyncadd.s32 $0xFFFFFFA0  }
0x252: {  	_ =	swait.ge [sflag:s20], $0x60  }
0x253: {  	[sflag:s20] =	ssyncset.done $0x0  }
0x254: {  	[sflag:s20] =	ssyncadd.s32 $0xFFFFFFA0  }
0x255: {  	_ =	swait.ge [sflag:s20], $0x60  }
0x256: {  	[sflag:s20] =	ssyncset.done $0x0  }
0x257: {  	[sflag:s20] =	ssyncadd.s32 $0xFFFFFFA0  }
0x258: {  	_ =	swait.ge [sflag:s20], $0x60  }
0x259: {  	[sflag:s20] =	ssyncset.done $0x0  }
0x25a: {  	[sflag:s20] =	ssyncadd.s32 $0xFFFFFFA0  }
0x25b: {  	_ =	swait.ge [sflag:s20], $0x60  }
0x25c: {  	[sflag:s20] =	ssyncset.done $0x0  }
0x25d: {  	s11 =	simm.s32 $0x0;
	[sflag:s20] =	ssyncadd.s32 $0xFFFFFFA0  }
0x25e: {  	s23 =	simm.s32 $0x40;
	v0 =	vld [tilespmem:s11+$0x5500]  }
.LBB2_7:
0x25f: {  	p0 =	sne.s32 s23, $0x4340;
	v1 =	vld [tilespmem:s11+$0x3300];
	_ =	sdelay $0x2  }
.Ltmp2:
0x260: {  	(pc) =	sbr.rel @p0 .LBB2_7-.Ltmp2, $4  }
0x261: {  	_ = 	snop  }
0x262: {  	v1 =	vmul.f32 v0, v1  }
0x263: {  	s26 =	sshra.s32 s23, $0x2  }
0x264: {  	s23 =	sadd.s32 $0x40, s23;
	v0 =	vld [tilespmem:s26+$0x5500];
	[tilespmem:s11+$0x3300] =	vst v1;
	s11 =	smov.u32 s26  }
0x265: {  	v1 =	vld [tilespmem:s11+$0x3300];
	_ =	sdelay $0x4  }
0x266: {  	s21 =	sadd.s32 $0x1, s21;
	v0 =	vmul.f32 v0, v1  }
0x267: {  	p0 =	sne.s32 s21, $0x5  }
.Ltmp3:
0x268: {  	s28 =	sadd.s32 s7, s22;
	[tilespmem:s11+$0x3300] =	vst v0;
	(pc) =	sbr.rel @p0 .LBB2_2-.Ltmp3, $4  }
0x269: {  	[hbm4b:s28+s3] =	stream.linear.scatter [tilespmem:s25], [sflag:$0x3], $0x10E0, $0x38;
	[tilespmem:$0x6600] =	vst v63  }
0x26a: {  	_ =	swait.ge [sflag:s13], $0x10E0  }
0x26b: {  	[sflag:s13] =	ssyncset.done $0x0  }
0x26c: {  	[sflag:s13] =	ssyncadd.s32 $0xFFFFEF20  }
0x26d: {  	s21 =	rddreg [dreg:$0x7]  }
0x26e: {  	s11 =	rddreg [dreg:$0x6];
	s21 =	sadd.s32 $0x1, s21  }
0x26f: {  	p0 =	sne.s32 s21, s11  }
.Ltmp4:
0x270: {  	_ = 	snop;
	(pc) =	sbr.rel @p0 .LBB2_1-.Ltmp4, $1  }
0x271: {  	_ =	sdelay $0x3  }
0x272: {  	_ =	sfence.sel $0x180000  }
0x273: {  	[bflag:$0x0] =	sbarrier.arrive $0xFFFF  }
0x274: {  	_ =	strace $0x9000004A  }
0x275: {  	s0 =	stileid.u32;
	[bflag:$0x2] =	sbarrier.arrive $0xFFFF  }
0x276: {  	p0 =	sne.s32 s0, $0x0;
	s0 =	rddreg [dreg:$0x2]  }
0x277: {  	s0 =	sadd.s32 @!p0 $0x100000, s0  }
0x278: {  	[sflag:s0] =	ssyncadd.tile.s32 @!p0 $0x1;
	_ =	shalt  }
.Lfunc_end2:
_tile_overlayer_lowered:
.L_overlay_start_2:
0x279: {  	(tag) =	ssettag $0x2  }
0x27a: {  	s0 =	rddreg [dreg:$0x0];
	s2 =	stileid.u32  }
0x27b: {  	s1 =	rddreg [dreg:$0x1];
	p0 =	sne.s32 s2, $0x0  }
0x27c: {  	s3 =	rddreg [dreg:$0x2];
	[bflag:$0x3] =	sbarrier.arrive $0xFFFF;
	s2 =	simm.s32 @!p0 $0x1C03  }
0x27d: {  	[timem:s3], [sflag:s2] =	dma.local @!p0 [hbm:s0], s1  }
0x27e: {  	s0 =	simm.s32 @!p0 $0x3  }
0x27f: {  	_ =	swait.ge @!p0 [sflag:s0], s1  }
0x280: {  	s1 =	ssub.s32 @!p0 $0x0, s1;
	[sflag:s0] =	ssyncset.done @!p0 $0x0  }
0x281: {  	[sflag:s0] =	ssyncadd.s32 @!p0 s1  }
0x282: {  	[bflag:$0x3] =	sbarrier.arrive $0xFFFF  }
0x283: {  	_ =	shalt  }

// kernel: sparse-core-data-format-call.cloned.1.call-start
scs
called_computation_lowered:
.L_overlay_start_0:
0x0: {  	s2 =	sld [smem:$0x3FD9]  }
0x1: {  	s3 =	sld [smem:$0x3FFE];
	_ =	sdelay $0x1  }
0x2: {  	s1 =	srdreg.scid  }
0x3: {  	s0 =	sand.u32 $0x1, s1  }
0x4: {  	s18 =	sshll.u32 s0, $0xA;
	s2 =	sadd.s32 s3, s2  }
0x5: {  	s2 =	sadd.s32 s2, s18  }
0x6: {  	[smem:$0x3FC2] =	sst s2  }
0x7: {  	_ = 	snop  }
0x8: {  	s2 =	sld [smem:$0x3FC6];
	(tm) =	ssettm $0x1  }
0x9: {  	s19 =	sld [smem:$0x3FFB];
	_ =	sdelay $0x3  }
0xa: {  	_ =	strace s19  }
0xb: {  	s3 =	sld [smem:$0x3FFC];
	_ =	sdelay $0x3  }
0xc: {  	_ =	strace s3  }
0xd: {  	s3 =	sld [smem:$0x3FFD];
	_ =	sdelay $0x3  }
0xe: {  	_ =	strace s3  }
0xf: {  	_ =	strace $0x8FFFFFFF  }
0x10: {  	s20 =	sld [smem:$0x3FDB];
	_ =	sdelay $0x1  }
0x11: {  	s4 =	simm.s32 $_scs_section_size  }
0x12: {  	s5 =	simm.s32 $_size__tile_overlayer_lowered;
	s6 =	simm.s32 $_tile_overlayer_lowered  }
0x13: {  	s23 =	simm.s32 $0x1BFF;
	s22 =	sshll.u32 s6, $0x1;
	s3 =	sadd.s32 s4, s20  }
0x14: {  	s7 =	simm.s32 $0x0;
	s21 =	sshll.u32 s5, $0x1;
	s5 =	sadd.s32 s22, s3  }
0x15: {  	[timem:s7], [sflag:s23] =	dma.local [hbm:s5], s21  }
0x16: {  	_ =	swait.ge [sflag:s23], s21  }
0x17: {  	s4 =	ssub.s32 $0x0, s21;
	[sflag:s23] =	ssyncset.done $0x0  }
0x18: {  	[sflag:s23] =	ssyncadd.s32 s4;
	_ =	sdelay $0x1  }
0x19: {  	s24 =	simm.s32 $0x1B8B  }
0x1a: {  	_ =	swait.ge [sflag:s24], $0x1  }
0x1b: {  	[sflag:s24] =	ssyncset.done $0x0  }
0x1c: {  	s26 =	simm.s32 $0x1B8E;
	s25 =	sld [smem:$0x3FFE];
	[sflag:s24] =	ssyncadd.s32 $0xFFFFFFFF  }
0x1d: {  	s27 =	simm.s32 $execute0_lowered;
	[smem:$0x3FD2] =	sst s26  }
0x1e: {  	s5 =	sshll.u32 s27, $0x1;
	_ =	strace $0x80000046;
	[dreg:$0x1] =	wrdreg $0xFFFFFFFF  }
0x1f: {  	s28 =	simm.s32 $_size_execute0_lowered;
	s3 =	sadd.s32 s3, s5;
	[dreg:$0x0] =	wrdreg $0x0  }
0x20: {  	s5 =	sshll.u32 s28, $0x1;
	[dreg:$0x2] =	wrdreg s3  }
0x21: {  	[dreg:$0x3] =	wrdreg s5  }
0x22: {  	[dreg:$0x4] =	wrdreg $0xC0  }
0x23: {  	_ =	task [dreg:s7], $0x5FFFF  }
0x24: {  	[dreg:$0x1] =	wrdreg $0xFFFFFFFF  }
0x25: {  	[dreg:$0x0] =	wrdreg $0x60  }
0x26: {  	[dreg:$0x2] =	wrdreg s2  }
0x27: {  	[dreg:$0x3] =	wrdreg s25  }
0x28: {  	[dreg:$0x4] =	wrdreg $0x9  }
0x29: {  	_ =	task.clear_ibuf [dreg:s7], $0x5FFFF;
	_ =	strace $0x90000046  }
0x2a: {  	s29 =	simm.s32 $0x9;
	_ =	strace $0x80000048  }
0x2b: {  	_ =	swait.ge [sflag:s29], $0x1  }
0x2c: {  	[sflag:s29] =	ssyncadd.s32 $0xFFFFFFFF  }
0x2d: {  	_ =	strace $0x90000048  }
0x2e: {  	_ =	sfence  }
0x2f: {  	s30 =	sld [smem:$0x0];
	_ =	sdelay $0x2  }
0x30: {  	s31 =	sshll.u32 s1, $0xD;
	s1 =	sshrl.u32 s1, $0x2  }
0x31: {  	s3 =	sand.u32 $0x4000, s31;
	s1 =	sadd.s32 s1, s30  }
0x32: {  	s0 =	sor.u32 s3, s0;
	s1 =	sshll.u32 s1, $0x11  }
0x33: {  	s0 =	sor.u32 s1, s0  }
0x34: {  	s0 =	sadd.s32 $0x8F2B, s0  }
0x35: {  	[sflag:s0] =	ssyncadd.remote.s32 $0x1  }
0x36: {  	_ =	sfence.sel $0xFFFF  }
0x37: {  	[dreg:$0x0] =	wrdreg $0xFFFFFFFF;
	(pc) =	sbr.abs _section_cstart, $3  }
0x38: {  	[dreg:$0x1] =	wrdreg $0xFFFFFFFF  }
0x39: {  	_ =	task.clear_ibuf [dreg:s7], $0x2FFFF;
	_ =	strace $0x9FFFFFFF  }
0x3a: {  	(tm) =	ssettm $0x7FFFFFFF  }
0x3b: {  	_ =	shalt  }
tec
execute0_lowered:
.L_overlay_start_1:
0x0: {  	(tag) =	ssettag $0x1  }
0x1: {  	s0 =	srdreg.scid  }
0x2: {  	s1 =	sshll.u32 s0, $0x4  }
0x3: {  	s2 =	rddreg [dreg:$0x0];
	s0 =	stileid.u32;
	s1 =	sand.u32 $0x10, s1  }
0x4: {  	s4 =	rddreg [dreg:$0x1];
	s7 =	simm.s32 $0x1;
	s1 =	sor.u32 s0, s1  }
0x5: {  	s8 =	simm.s32 $0x2;
	s9 =	simm.s32 $0x0;
	s3 =	sshll.u32 s1, $0x3  }
0x6: {  	s12 =	simm.s32 $0x0;
	s11 =	simm.s32 $0x0;
	s6 =	ssub.s32 $0x2000, s3  }
.Ltmp0:
0x7: {  	s4 =	sadd.s32 $0x3C00, s4;
	s5 =	sand.u32 $0xF8, s6;
	(pc) =	sbr.rel .LBB1_1-.Ltmp0, $4  }
0x8: {  	s1 =	rddreg [dreg:$0x2];
	_ =	strace $0x80000047;
	p0 =	sne.s32 s5, $0x0  }
0x9: {  	s6 =	sshrl.u32 s6, $0x8;
	s5 =	simm.s32 $0x1;
	s7 =	simm.s32 @!p0 $0x0  }
0xa: {  	s10 =	smov.u32 s3;
	[sflag:s5] =	ssyncpa.u1 $0x0;
	s6 =	sadd.s32 s7, s6  }
0xb: {  	[sflag:s8] =	ssyncpa.u1 $0x0;
	s8 =	simm.s32 $0x0;
	s7 =	sadd.s32 $0x1, s6  }
.LBB1_9:
0xc: {  	s14 =	sadd.s32 $0x100, s10  }
0xd: {  	p1 =	sgt.s32 s14, $0x1FFF  }
0xe: {  	s14 =	smov.u32 @p1 s3;
	p1 =	sne.s32 s11, s7  }
.Ltmp1:
0xf: {  	p0 =	slt.u32 s11, $0x2;
	(pc) =	sbr.rel @!p1 .LBB1_10-.Ltmp1, $4  }
0x10: {  	s13 =	simm.s32 @!p0 $0x2  }
0x11: {  	s15 =	sadd.s32 $0x1, s11;
	_ =	swait.ge @!p0 [sflag:s13], $0x4000  }
0x12: {  	s12 =	smov.u32 s10;
	s9 =	sadd.s32 $0x4000, s9;
	[sflag:s13] =	ssyncset.done @!p0 $0x0  }
0x13: {  	s11 =	smov.u32 s15;
	s10 =	smov.u32 s14;
	[sflag:s13] =	ssyncadd.s32 @!p0 $0xFFFFC000  }
.LBB1_1:
0x14: {  	p0 =	sge.u32 s11, s6  }
0x15: {  	s13 =	sxor.u32 @!p0 $0xFFFFFFFF, s11  }
0x16: {  	s31 =	sadd.s32 $0xFFFFFFFF, s11;
	s14 =	sshll.u32 @!p0 s10, $0x8;
	s13 =	sshll.u32 @!p0 s13, $0xE  }
0x17: {  	s15 =	simm.s32 @!p0 $0x0;
	s14 =	sadd.s32 @!p0 s2, s14;
	s13 =	sand.u32 @!p0 $0x4000, s13  }
0x18: {  	[tilespmem:s13], [sflag:$0x1] =	stream.linear.gather @!p0 [hbm4b:s14+s15], $0x4000, $0x38;
	[tilespmem:$0x10000] =	vst v63  }
0x19: {  	p0 =	sge.u32 s31, s6  }
.Ltmp2:
0x1a: {  	_ = 	snop;
	(pc) =	sbr.rel @p0 .LBB1_9-.Ltmp2, $1  }
0x1b: {  	_ =	sdelay $0x3  }
0x1c: {  	s13 =	sshll.u32 s9, $0x2;
	_ =	swait.ge [sflag:s5], $0x4000;
	s14 =	sshll.u32 s11, $0xE  }
0x1d: {  	s16 =	simm.s32 $0x0;
	s17 =	simm.s32 $0x0;
	s15 =	sand.u32 $0x10000, s13  }
0x1e: {  	[sflag:s5] =	ssyncset.done $0x0;
	s31 =	sand.u32 $0x4000, s14;
	s14 =	sshrl.u32 s15, $0x2  }
0x1f: {  	[sflag:s5] =	ssyncadd.s32 $0xFFFFC000;
	s13 =	sor.u32 $0x8000, s31;
	s15 =	sor.u32 $0x8000, s14  }
.LBB1_3:
0x20: {  	s18 =	sshra.s32 s16, $0x2  }
0x21: {  	v0 =	vmov s18;
	_ =	sdelay $0x3  }
0x22: {  	p1 =	por $0x1, $0x1;
	s18 =	simm.s32 $0x0  }
.LBB1_4:
0x23: {  	_ = 	snop  }
0x24: {  	s19 =	sshll.u32 s18, $0xA  }
0x25: {  	s19 =	sand.u32 $0x3FFFFC00, s19  }
0x26: {  	s19 =	sadd.s32 s19, s14  }
0x27: {  	v5 =	vld.idx.msk [tilespmem:v0+s19+$0x70 ss:$0x1], $0xffff  }
0x28: {  	v6 =	vld.idx.msk [tilespmem:v0+s19+$0x10 ss:$0x1], $0xffff  }
0x29: {  	v7 =	vld.idx.msk [tilespmem:v0+s19+$0x20 ss:$0x1], $0xffff  }
0x2a: {  	s31 =	sshll.u32 s18, $0x7;
	v1 =	vld.idx.msk [tilespmem:v0+s19+$0x30 ss:$0x1], $0xffff  }
0x2b: {  	s18 =	sand.u32 $0x3FFFFF80, s31;
	v2 =	vld.idx.msk [tilespmem:v0+s19+$0x40 ss:$0x1], $0xffff  }
0x2c: {  	s18 =	sadd.s32 s18, s15;
	v3 =	vld.idx.msk [tilespmem:v0+s19+$0x50 ss:$0x1], $0xffff  }
0x2d: {  	v4 =	vld.idx.msk [tilespmem:v0+s19+$0x60 ss:$0x1], $0xffff;
	[tilespmem:v0+s18+$0x70 ss:$0x1] =	vst.idx.msk $0xffff, v5  }
0x2e: {  	v5 =	vld.idx.msk [tilespmem:v0+s19+$0x0 ss:$0x1], $0xffff;
	[tilespmem:v0+s18+$0x10 ss:$0x1] =	vst.idx.msk $0xffff, v6;
	s19 =	sadd.s32 $0x80, s19  }
0x2f: {  	p0 =	por p1, p1;
	s20 =	simm.s32 $0x6;
	[tilespmem:v0+s18+$0x20 ss:$0x1] =	vst.idx.msk $0xffff, v7;
	v6 =	vld.idx.msk [tilespmem:v0+s19+$0x70 ss:$0x1], $0xffff  }
.LBB1_5:
0x30: {  	p1 =	sne.s32 s20, $0x1;
	v7 =	vld.idx.msk [tilespmem:v0+s19+$0x10 ss:$0x1], $0xffff;
	[tilespmem:v0+s18+$0x30 ss:$0x1] =	vst.idx.msk $0xffff, v1  }
0x31: {  	v8 =	vld.idx.msk [tilespmem:v0+s19+$0x20 ss:$0x1], $0xffff;
	[tilespmem:v0+s18+$0x40 ss:$0x1] =	vst.idx.msk $0xffff, v2  }
0x32: {  	v1 =	vld.idx.msk [tilespmem:v0+s19+$0x30 ss:$0x1], $0xffff;
	[tilespmem:v0+s18+$0x50 ss:$0x1] =	vst.idx.msk $0xffff, v3  }
.Ltmp3:
0x33: {  	v2 =	vld.idx.msk [tilespmem:v0+s19+$0x40 ss:$0x1], $0xffff;
	[tilespmem:v0+s18+$0x60 ss:$0x1] =	vst.idx.msk $0xffff, v4;
	(pc) =	sbr.rel @p1 .LBB1_5-.Ltmp3, $4  }
0x34: {  	v3 =	vld.idx.msk [tilespmem:v0+s19+$0x50 ss:$0x1], $0xffff;
	[tilespmem:v0+s18+$0x0 ss:$0x1] =	vst.idx.msk $0xffff, v5;
	s18 =	sadd.s32 $0x100, s18  }
0x35: {  	v4 =	vld.idx.msk [tilespmem:v0+s19+$0x60 ss:$0x1], $0xffff;
	[tilespmem:v0+s18+$0x70 ss:$0x1] =	vst.idx.msk $0xffff, v6  }
0x36: {  	v5 =	vld.idx.msk [tilespmem:v0+s19+$0x0 ss:$0x1], $0xffff;
	[tilespmem:v0+s18+$0x10 ss:$0x1] =	vst.idx.msk $0xffff, v7;
	s19 =	sadd.s32 $0x80, s19  }
0x37: {  	s20 =	sadd.s32 $0xFFFFFFFF, s20;
	v6 =	vld.idx.msk [tilespmem:v0+s19+$0x70 ss:$0x1], $0xffff;
	[tilespmem:v0+s18+$0x20 ss:$0x1] =	vst.idx.msk $0xffff, v8  }
0x38: {  	_ =	sdelay $0x3  }
0x39: {  	[tilespmem:v0+s18+$0x30 ss:$0x1] =	vst.idx.msk $0xffff, v1  }
0x3a: {  	v1 =	vld.idx.msk [tilespmem:v0+s19+$0x10 ss:$0x1], $0xffff;
	[tilespmem:v0+s18+$0x40 ss:$0x1] =	vst.idx.msk $0xffff, v2  }
0x3b: {  	v2 =	vld.idx.msk [tilespmem:v0+s19+$0x20 ss:$0x1], $0xffff;
	[tilespmem:v0+s18+$0x50 ss:$0x1] =	vst.idx.msk $0xffff, v3  }
0x3c: {  	v61 =	vld.idx.msk [tilespmem:v0+s19+$0x40 ss:$0x1], $0xffff;
	[tilespmem:v0+s18+$0x60 ss:$0x1] =	vst.idx.msk $0xffff, v4  }
0x3d: {  	s31 =	sadd.s32 $0x100, s18;
	v62 =	vld.idx.msk [tilespmem:v0+s19+$0x50 ss:$0x1], $0xffff;
	[tilespmem:v0+s18+$0x0 ss:$0x1] =	vst.idx.msk $0xffff, v5  }
0x3e: {  	v63 =	vld.idx.msk [tilespmem:v0+s19+$0x60 ss:$0x1], $0xffff;
	[tilespmem:v0+s31+$0x70 ss:$0x1] =	vst.idx.msk $0xffff, v6  }
0x3f: {  	v3 =	vld.idx.msk [tilespmem:v0+s19+$0x30 ss:$0x1], $0xffff;
	[tilespmem:v0+s31+$0x10 ss:$0x1] =	vst.idx.msk $0xffff, v1  }
0x40: {  	v1 =	vld.idx.msk [tilespmem:v0+s19+$0x0 ss:$0x1], $0xffff;
	[tilespmem:v0+s31+$0x20 ss:$0x1] =	vst.idx.msk $0xffff, v2  }
.Ltmp4:
0x41: {  	[tilespmem:v0+s31+$0x40 ss:$0x1] =	vst.idx.msk $0xffff, v61;
	(pc) =	sbr.rel @p0 .LBB1_4-.Ltmp4, $4  }
0x42: {  	[tilespmem:v0+s31+$0x50 ss:$0x1] =	vst.idx.msk $0xffff, v62  }
0x43: {  	[tilespmem:v0+s31+$0x60 ss:$0x1] =	vst.idx.msk $0xffff, v63  }
0x44: {  	[tilespmem:v0+s31+$0x30 ss:$0x1] =	vst.idx.msk $0xffff, v3  }
0x45: {  	p1 =	por $0x0, $0x0;
	s18 =	simm.s32 $0x1;
	[tilespmem:v0+s31+$0x0 ss:$0x1] =	vst.idx.msk $0xffff, v1  }
0x46: {  	s17 =	sadd.s32 $0x1, s17  }
0x47: {  	p0 =	sne.s32 s17, $0x8  }
.Ltmp5:
0x48: {  	_ = 	snop;
	(pc) =	sbr.rel @p0 .LBB1_3-.Ltmp5, $2  }
0x49: {  	_ =	sdelay $0x2  }
0x4a: {  	s16 =	sadd.s32 $0x2000, s16  }
.Ltmp6:
0x4b: {  	(pc) =	sbr.rel .LBB1_9-.Ltmp6, $4  }
0x4c: {  	_ = 	snop  }
0x4d: {  	s12 =	sshll.u32 s12, $0x8  }
0x4e: {  	s12 =	sadd.s32 s4, s12  }
0x4f: {  	[hbm4b:s12+s8] =	stream.linear.scatter [tilespmem:s13], [sflag:$0x2], $0x4000, $0x38;
	[tilespmem:$0x10000] =	vst v63  }
.LBB1_10:
0x50: {  	_ =	sfence.sel $0x180000  }
0x51: {  	s2 =	simm.s32 $0x1;
	[bflag:$0x0] =	sbarrier.arrive $0xFFFF  }
0x52: {  	s31 =	simm.s32 $0x2;
	[sflag:s2] =	ssyncpa.u1 $0x1  }
0x53: {  	[sflag:s31] =	ssyncpa.u1 $0x1  }
0x54: {  	p0 =	sne.s32 s0, $0x0;
	_ =	strace $0x90000047  }
0x55: {  	s0 =	sadd.s32 @!p0 $0x100000, s1;
	[bflag:$0x2] =	sbarrier.arrive $0xFFFF  }
0x56: {  	[sflag:s0] =	ssyncadd.tile.s32 @!p0 $0x1;
	_ =	shalt  }
.Lfunc_end1:
_tile_overlayer_lowered:
.L_overlay_start_2:
0x57: {  	(tag) =	ssettag $0x2  }
0x58: {  	s0 =	rddreg [dreg:$0x0];
	s2 =	stileid.u32  }
0x59: {  	s1 =	rddreg [dreg:$0x1];
	p0 =	sne.s32 s2, $0x0  }
0x5a: {  	s3 =	rddreg [dreg:$0x2];
	[bflag:$0x3] =	sbarrier.arrive $0xFFFF;
	s2 =	simm.s32 @!p0 $0x1C01  }
0x5b: {  	[timem:s3], [sflag:s2] =	dma.local @!p0 [hbm:s0], s1  }
0x5c: {  	s0 =	simm.s32 @!p0 $0x1  }
0x5d: {  	_ =	swait.ge @!p0 [sflag:s0], s1  }
0x5e: {  	s1 =	ssub.s32 @!p0 $0x0, s1;
	[sflag:s0] =	ssyncset.done @!p0 $0x0  }
0x5f: {  	[sflag:s0] =	ssyncadd.s32 @!p0 s1  }
0x60: {  	[bflag:$0x3] =	sbarrier.arrive $0xFFFF  }
0x61: {  	_ =	shalt  }

</sc_bundles>
